<compile_context>
chip_gen: v7x
topology: tpu7x:2x2x1
jax: 0.10.2.dev20260603
libtpu: 0.0.44.dev20260713+nightly
codegen_flags: <defaults>
</compile_context>

<pallas_src>
import functools

import jax
import jax.numpy as jnp
from jax import lax
from jax.experimental import pallas as pl
from jax.experimental.pallas import tpu as pltpu
from jax.experimental.pallas import tpu_sc as plsc

_N = 10000
_E = 320000
_D = 128
_DA = 160
_FDT = jnp.bfloat16
_DO = 40
_NC = 2
_NS = 16
_NW = _NC * _NS
_EPT = _E // _NW
_CH = 80
_NCHUNK = _EPT // _CH
_NPAD = 10240
_RPT = _NPAD // _NS


def _sc_agg_body(x_hbm, src_hbm, dst_hbm, zrow_hbm, agg_out,
                 src_v, dst_v,
                 rows0_v, rows1_v, rows2_v, rows3_v,
                 rows4_v, rows5_v, rows6_v, rows7_v, agg_sh,
                 semg0, semg1, semg2, semg3, semg4, semg5, semg6, semg7,
                 sems0, sems1, sems2, sems3, sems4, sems5, sems6, sems7):
    c = lax.axis_index("c")
    s = lax.axis_index("s")
    wid = c * _NS + s

    rows = (rows0_v, rows1_v, rows2_v, rows3_v,
            rows4_v, rows5_v, rows6_v, rows7_v)
    semg = (semg0, semg1, semg2, semg3, semg4, semg5, semg6, semg7)
    sems = (sems0, sems1, sems2, sems3, sems4, sems5, sems6, sems7)

    pltpu.sync_copy(src_hbm.at[wid], src_v)
    pltpu.sync_copy(dst_hbm.at[wid], dst_v)
    pltpu.sync_copy(zrow_hbm, agg_sh.at[pl.ds(s * _RPT, _RPT)])
    plsc.subcore_barrier()

    def gather(i, b):
        pltpu.async_copy(x_hbm.at[src_v.at[i]], rows[b], semg[b])

    def scat(i, b):
        pltpu.async_copy(rows[b], agg_sh.at[dst_v.at[i]], sems[b], add=True)

    def wait_g(b):
        pltpu.make_async_copy(x_hbm.at[src_v.at[0]], rows[b], semg[b]).wait()

    def wait_s(b):
        pltpu.make_async_copy(rows[b], agg_sh.at[dst_v.at[0]], sems[b]).wait()

    for i in range(8):
        gather(i, i)
        if i >= 4:
            wait_g(i - 4)
            scat(i - 4, i - 4)

    def octet(j, carry):
        base = 8 * j
        for k in range(8):
            wait_s(k)
            gather(base + k, k)
            wait_g((k + 4) % 8)
            scat(base + k - 4, (k + 4) % 8)
        return carry

    lax.fori_loop(1, _NCHUNK // 8, octet, 0)

    tail0 = (_NCHUNK // 8) * 8
    for i in range(tail0, _NCHUNK):
        b = i % 8
        wait_s(b)
        gather(i, b)
        wait_g((i - 4) % 8)
        scat(i - 4, (i - 4) % 8)
    for i in range(_NCHUNK - 4, _NCHUNK):
        b = i % 8
        wait_g(b)
        scat(i, b)
    for b in range(8):
        wait_s(b)
    plsc.subcore_barrier()

    sl = pl.ds(s * _RPT, _RPT)
    pltpu.sync_copy(agg_sh.at[sl], agg_out.at[c, sl])


@functools.lru_cache(maxsize=None)
def _make_sc_agg():
    mesh = plsc.VectorSubcoreMesh(core_axis_name="c", subcore_axis_name="s",
                                  num_cores=_NC, num_subcores=_NS)
    return pl.kernel(
        _sc_agg_body,
        out_type=jax.ShapeDtypeStruct((_NC, _NPAD, _DA), _FDT),
        mesh=mesh,
        scratch_types=[
            pltpu.VMEM((_NCHUNK, _CH), jnp.int32),
            pltpu.VMEM((_NCHUNK, _CH), jnp.int32),
        ] + [pltpu.VMEM((_CH, _DA), _FDT) for _ in range(8)] + [
            pltpu.VMEM_SHARED((_NPAD, _DA), _FDT),
        ] + [pltpu.SemaphoreType.DMA for _ in range(16)],
        compiler_params=pltpu.CompilerParams(use_tc_tiling_on_sc=False),
        name="sage_sc_agg",
    )


def _mean_from_parts(parts):
    p = parts[0].astype(jnp.float32) + parts[1].astype(jnp.float32)
    cnt = p[:, _D:_D + 1]
    inv = 1.0 / jnp.maximum(cnt, 1.0)
    return p[:, :_D] * inv


def _tc_layer_body(parts, x, wl, wr, b, out):
    agg = _mean_from_parts(parts)
    h = (jnp.dot(agg, wl[...], preferred_element_type=jnp.float32)
         + jnp.dot(x[...][:, :_D].astype(jnp.float32), wr[...], preferred_element_type=jnp.float32)
         + b[...])
    h = jnp.maximum(h, 0.0)
    aug = jnp.concatenate(
        [h, jnp.ones((h.shape[0], 1), jnp.float32),
         jnp.zeros((h.shape[0], _DA - _D - 1), jnp.float32)], axis=1)
    out[...] = aug.astype(_FDT)


def _tc_head_body(parts, x, wl, wr, b, wlin1, blin1, wlin2, blin2, out):
    agg = _mean_from_parts(parts)
    h2 = (jnp.dot(agg, wl[...], preferred_element_type=jnp.float32)
          + jnp.dot(x[...][:, :_D].astype(jnp.float32), wr[...], preferred_element_type=jnp.float32)
          + b[...])
    h2 = jnp.maximum(h2, 0.0)
    h3 = jnp.maximum(
        jnp.dot(h2, wlin1[...], preferred_element_type=jnp.float32) + blin1[...],
        0.0)
    logits = jnp.dot(h3, wlin2[...], preferred_element_type=jnp.float32) + blin2[...]
    m = jnp.max(logits, axis=-1, keepdims=True)
    lse = jnp.log(jnp.sum(jnp.exp(logits - m), axis=-1, keepdims=True)) + m
    out[...] = logits - lse


_BLK = 2000


def _tc_layer(parts, x_aug, wl, wr, b):
    return pl.pallas_call(
        _tc_layer_body,
        grid=(_N // _BLK,),
        in_specs=[
            pl.BlockSpec((_NC, _BLK, _DA), lambda i: (0, i, 0)),
            pl.BlockSpec((_BLK, _DA), lambda i: (i, 0)),
            pl.BlockSpec((_D, _D), lambda i: (0, 0)),
            pl.BlockSpec((_D, _D), lambda i: (0, 0)),
            pl.BlockSpec((1, _D), lambda i: (0, 0)),
        ],
        out_specs=pl.BlockSpec((_BLK, _DA), lambda i: (i, 0)),
        out_shape=jax.ShapeDtypeStruct((_N, _DA), _FDT),
        name="sage_tc_layer",
    )(parts, x_aug, wl, wr, b.reshape(1, _D))


def _tc_head(parts, x_aug, wl, wr, b, wlin1, blin1, wlin2, blin2):
    return pl.pallas_call(
        _tc_head_body,
        grid=(_N // _BLK,),
        in_specs=[
            pl.BlockSpec((_NC, _BLK, _DA), lambda i: (0, i, 0)),
            pl.BlockSpec((_BLK, _DA), lambda i: (i, 0)),
            pl.BlockSpec((_D, _D), lambda i: (0, 0)),
            pl.BlockSpec((_D, _D), lambda i: (0, 0)),
            pl.BlockSpec((1, _D), lambda i: (0, 0)),
            pl.BlockSpec((_D, _D), lambda i: (0, 0)),
            pl.BlockSpec((1, _D), lambda i: (0, 0)),
            pl.BlockSpec((_D, _DO), lambda i: (0, 0)),
            pl.BlockSpec((1, _DO), lambda i: (0, 0)),
        ],
        out_specs=pl.BlockSpec((_BLK, _DO), lambda i: (i, 0)),
        out_shape=jax.ShapeDtypeStruct((_N, _DO), jnp.float32),
        name="sage_tc_head",
    )(parts, x_aug, wl, wr, b.reshape(1, _D),
      wlin1, blin1.reshape(1, _D), wlin2, blin2.reshape(1, _DO))


def kernel(x, edge_index, Wl1, Wr1, b1, Wl2, Wr2, b2, Wlin1, blin1, Wlin2, blin2):
    ei = edge_index.astype(jnp.int32)
    src = ei[0].reshape(_NW, _NCHUNK, _CH)
    dst = ei[1].reshape(_NW, _NCHUNK, _CH)
    zrow = jnp.zeros((_RPT, _DA), _FDT)
    x_aug = jnp.concatenate(
        [x, jnp.ones((_N, 1), jnp.float32),
         jnp.zeros((_N, _DA - _D - 1), jnp.float32)], axis=1).astype(_FDT)

    sc_agg = _make_sc_agg()
    agg1 = sc_agg(x_aug, src, dst, zrow)
    h1_aug = _tc_layer(agg1, x_aug, Wl1, Wr1, b1)
    agg2 = sc_agg(h1_aug, src, dst, zrow)
    return _tc_head(agg2, h1_aug, Wl2, Wr2, b2, Wlin1, blin1, Wlin2, blin2)

# --- scband reference (transcript-rebuilt; emitter-appended) ---
"""Pipeline reference for scband-graph-sageclassfication-86053964743053 (READ-ONLY COPY).

The authoritative reference and input builder live on the scoring server;
editing this copy changes nothing except your own understanding.
"""

import jax, jax.numpy as jnp
import numpy as np

N_NODES = 10000
N_EDGES = 320000
D_IN = 128
D_HID = 128
D_OUT = 40


def setup_inputs(seed: int = 0) -> dict:
    key = jax.random.key(seed)
    ks = jax.random.split(key, 16)
    x = jax.random.normal(ks[0], (N_NODES, D_IN), dtype=jnp.float32)
    edge_index = jax.random.randint(ks[1], (2, N_EDGES), 0, N_NODES, dtype=jnp.int64)
    s = 1.0 / np.sqrt(D_IN)
    Wl1 = jax.random.uniform(ks[2], (D_IN, D_HID), jnp.float32, -s, s)
    Wr1 = jax.random.uniform(ks[3], (D_IN, D_HID), jnp.float32, -s, s)
    b1 = jnp.zeros((D_HID,), jnp.float32)
    sh = 1.0 / np.sqrt(D_HID)
    Wl2 = jax.random.uniform(ks[4], (D_HID, D_HID), jnp.float32, -sh, sh)
    Wr2 = jax.random.uniform(ks[5], (D_HID, D_HID), jnp.float32, -sh, sh)
    b2 = jnp.zeros((D_HID,), jnp.float32)
    Wlin1 = jax.random.uniform(ks[6], (D_HID, D_HID), jnp.float32, -sh, sh)
    blin1 = jax.random.uniform(ks[7], (D_HID,), jnp.float32, -sh, sh)
    Wlin2 = jax.random.uniform(ks[8], (D_HID, D_OUT), jnp.float32, -sh, sh)
    blin2 = jax.random.uniform(ks[9], (D_OUT,), jnp.float32, -sh, sh)
    return {"x": x, "edge_index": edge_index, "Wl1": Wl1, "Wr1": Wr1, "b1": b1,
            "Wl2": Wl2, "Wr2": Wr2, "b2": b2,
            "Wlin1": Wlin1, "blin1": blin1, "Wlin2": Wlin2, "blin2": blin2}


def _sage_conv(x, src, dst, Wl, Wr, b, n_nodes):
    # mean aggregation of source-node features onto destination nodes
    msg = jnp.take(x, src, axis=0)
    agg_sum = jax.ops.segment_sum(msg, dst, num_segments=n_nodes)
    cnt = jax.ops.segment_sum(jnp.ones((src.shape[0],), x.dtype), dst, num_segments=n_nodes)
    agg = agg_sum / jnp.clip(cnt, 1.0)[:, None]
    return agg @ Wl + x @ Wr + b


def reference(x, edge_index, Wl1, Wr1, b1, Wl2, Wr2, b2, Wlin1, blin1, Wlin2, blin2):
    src = edge_index[0]
    dst = edge_index[1]
    h = jax.nn.relu(_sage_conv(x, src, dst, Wl1, Wr1, b1, N_NODES))
    h = jax.nn.relu(_sage_conv(h, src, dst, Wl2, Wr2, b2, N_NODES))
    h = jax.nn.relu(h @ Wlin1 + blin1)
    # dropout: eval mode (identity)
    h = h @ Wlin2 + blin2
    return jax.nn.log_softmax(h, axis=-1)

if __name__ == "__main__":
    import jax
    _d = setup_inputs()
    print(jax.jit(kernel)(*tuple(_d.values())))

</pallas_src>

<mosaic_0001>
#map = affine_map<(d0, d1) -> (0, 0)>
#map1 = affine_map<(d0, d1) -> (0, 0, 0)>
module attributes {stable_mosaic.version = 14 : i64} {
  func.func @sage_sc_agg(%arg0: i32, %arg1: i32, %arg2: memref<10000x160xbf16, #tpu.memory_space<hbm>>, %arg3: memref<32x125x80xi32, #tpu.memory_space<hbm>>, %arg4: memref<32x125x80xi32, #tpu.memory_space<hbm>>, %arg5: memref<640x160xbf16, #tpu.memory_space<hbm>>, %arg6: memref<2x10240x160xbf16, #tpu.memory_space<hbm>>, %arg7: memref<125x80xi32, #tpu.memory_space<vmem>>, %arg8: memref<125x80xi32, #tpu.memory_space<vmem>>, %arg9: memref<80x160xbf16, #tpu.memory_space<vmem>>, %arg10: memref<80x160xbf16, #tpu.memory_space<vmem>>, %arg11: memref<80x160xbf16, #tpu.memory_space<vmem>>, %arg12: memref<80x160xbf16, #tpu.memory_space<vmem>>, %arg13: memref<80x160xbf16, #tpu.memory_space<vmem>>, %arg14: memref<80x160xbf16, #tpu.memory_space<vmem>>, %arg15: memref<80x160xbf16, #tpu.memory_space<vmem>>, %arg16: memref<80x160xbf16, #tpu.memory_space<vmem>>, %arg17: memref<10240x160xbf16, #tpu.memory_space<vmem_shared>>, %arg18: memref<!tpu.dma_semaphore, #tpu.memory_space<semaphore_mem>>, %arg19: memref<!tpu.dma_semaphore, #tpu.memory_space<semaphore_mem>>, %arg20: memref<!tpu.dma_semaphore, #tpu.memory_space<semaphore_mem>>, %arg21: memref<!tpu.dma_semaphore, #tpu.memory_space<semaphore_mem>>, %arg22: memref<!tpu.dma_semaphore, #tpu.memory_space<semaphore_mem>>, %arg23: memref<!tpu.dma_semaphore, #tpu.memory_space<semaphore_mem>>, %arg24: memref<!tpu.dma_semaphore, #tpu.memory_space<semaphore_mem>>, %arg25: memref<!tpu.dma_semaphore, #tpu.memory_space<semaphore_mem>>, %arg26: memref<!tpu.dma_semaphore, #tpu.memory_space<semaphore_mem>>, %arg27: memref<!tpu.dma_semaphore, #tpu.memory_space<semaphore_mem>>, %arg28: memref<!tpu.dma_semaphore, #tpu.memory_space<semaphore_mem>>, %arg29: memref<!tpu.dma_semaphore, #tpu.memory_space<semaphore_mem>>, %arg30: memref<!tpu.dma_semaphore, #tpu.memory_space<semaphore_mem>>, %arg31: memref<!tpu.dma_semaphore, #tpu.memory_space<semaphore_mem>>, %arg32: memref<!tpu.dma_semaphore, #tpu.memory_space<semaphore_mem>>, %arg33: memref<!tpu.dma_semaphore, #tpu.memory_space<semaphore_mem>>) attributes {dimension_semantics = [#tpu.dimension_semantics<core_parallel>, #tpu.dimension_semantics<subcore_parallel>], iteration_bounds = array<i64: 2, 16>, scalar_prefetch = 0 : i64, scratch_operands = 27 : i64, tpu.core_type = #tpu.core_type<sc_vector_subcore>, window_params = [{transform_indices = #map}, {transform_indices = #map1}, {transform_indices = #map1}, {transform_indices = #map}, {transform_indices = #map1}]} {
    %mul3A = arith.constant 16 : i32
    %mul3A_0 = arith.muli %arg0, %mul3A : i32
    %add3A = arith.addi %mul3A_0, %arg1 : i32
    "tpu.region"() ({
      %run_scoped3A = tpu.sem_alloc : memref<!tpu.dma_semaphore, #tpu.memory_space<semaphore_mem>>
      %dma_start3A_373 = arith.constant 0 : i32
      %dma_start3A_374 = arith.constant 0 : i32
      %dma_start3A_375 = tpu.memref_slice %arg3[%add3A, %dma_start3A_373, %dma_start3A_374] : memref<32x125x80xi32, #tpu.memory_space<hbm>> -> memref<1x125x80xi32, #tpu.memory_space<hbm>>
      %dma_start3A_376 = tpu.memref_squeeze %dma_start3A_375 : memref<1x125x80xi32, #tpu.memory_space<hbm>> -> memref<125x80xi32, #tpu.memory_space<hbm>>
      %dma_start3A_377 = arith.constant 0 : i32
      %dma_start3A_378 = arith.constant 0 : i32
      %dma_start3A_379 = tpu.memref_slice %arg3[%add3A, %dma_start3A_377, %dma_start3A_378] : memref<32x125x80xi32, #tpu.memory_space<hbm>> -> memref<1x125x80xi32, #tpu.memory_space<hbm>>
      %dma_start3A_380 = tpu.memref_squeeze %dma_start3A_379 : memref<1x125x80xi32, #tpu.memory_space<hbm>> -> memref<125x80xi32, #tpu.memory_space<hbm>>
      tpu.enqueue_dma source(%dma_start3A_380 : memref<125x80xi32, #tpu.memory_space<hbm>>) target(%arg7 : memref<125x80xi32, #tpu.memory_space<vmem>>) target_semaphore(%run_scoped3A : memref<!tpu.dma_semaphore, #tpu.memory_space<semaphore_mem>>)
      %dma_wait3A_381 = arith.constant 0 : i32
      %dma_wait3A_382 = arith.constant 0 : i32
      %dma_wait3A_383 = tpu.memref_slice %arg3[%add3A, %dma_wait3A_381, %dma_wait3A_382] : memref<32x125x80xi32, #tpu.memory_space<hbm>> -> memref<1x125x80xi32, #tpu.memory_space<hbm>>
      %dma_wait3A_384 = tpu.memref_squeeze %dma_wait3A_383 : memref<1x125x80xi32, #tpu.memory_space<hbm>> -> memref<125x80xi32, #tpu.memory_space<hbm>>
      %dma_wait3A_385 = arith.constant 0 : i32
      %dma_wait3A_386 = arith.constant 0 : i32
      %dma_wait3A_387 = tpu.memref_slice %arg3[%add3A, %dma_wait3A_385, %dma_wait3A_386] : memref<32x125x80xi32, #tpu.memory_space<hbm>> -> memref<1x125x80xi32, #tpu.memory_space<hbm>>
      %dma_wait3A_388 = tpu.memref_squeeze %dma_wait3A_387 : memref<1x125x80xi32, #tpu.memory_space<hbm>> -> memref<125x80xi32, #tpu.memory_space<hbm>>
      tpu.wait_dma2 semaphore(%run_scoped3A : memref<!tpu.dma_semaphore, #tpu.memory_space<semaphore_mem>>) src(%dma_wait3A_388 : memref<125x80xi32, #tpu.memory_space<hbm>>) dst(%arg7 : memref<125x80xi32, #tpu.memory_space<vmem>>)
      tpu.yield
    }) : () -> ()
    "tpu.region"() ({
      %run_scoped3A = tpu.sem_alloc : memref<!tpu.dma_semaphore, #tpu.memory_space<semaphore_mem>>
      %dma_start3A_373 = arith.constant 0 : i32
      %dma_start3A_374 = arith.constant 0 : i32
      %dma_start3A_375 = tpu.memref_slice %arg4[%add3A, %dma_start3A_373, %dma_start3A_374] : memref<32x125x80xi32, #tpu.memory_space<hbm>> -> memref<1x125x80xi32, #tpu.memory_space<hbm>>
      %dma_start3A_376 = tpu.memref_squeeze %dma_start3A_375 : memref<1x125x80xi32, #tpu.memory_space<hbm>> -> memref<125x80xi32, #tpu.memory_space<hbm>>
      %dma_start3A_377 = arith.constant 0 : i32
      %dma_start3A_378 = arith.constant 0 : i32
      %dma_start3A_379 = tpu.memref_slice %arg4[%add3A, %dma_start3A_377, %dma_start3A_378] : memref<32x125x80xi32, #tpu.memory_space<hbm>> -> memref<1x125x80xi32, #tpu.memory_space<hbm>>
      %dma_start3A_380 = tpu.memref_squeeze %dma_start3A_379 : memref<1x125x80xi32, #tpu.memory_space<hbm>> -> memref<125x80xi32, #tpu.memory_space<hbm>>
      tpu.enqueue_dma source(%dma_start3A_380 : memref<125x80xi32, #tpu.memory_space<hbm>>) target(%arg8 : memref<125x80xi32, #tpu.memory_space<vmem>>) target_semaphore(%run_scoped3A : memref<!tpu.dma_semaphore, #tpu.memory_space<semaphore_mem>>)
      %dma_wait3A_381 = arith.constant 0 : i32
      %dma_wait3A_382 = arith.constant 0 : i32
      %dma_wait3A_383 = tpu.memref_slice %arg4[%add3A, %dma_wait3A_381, %dma_wait3A_382] : memref<32x125x80xi32, #tpu.memory_space<hbm>> -> memref<1x125x80xi32, #tpu.memory_space<hbm>>
      %dma_wait3A_384 = tpu.memref_squeeze %dma_wait3A_383 : memref<1x125x80xi32, #tpu.memory_space<hbm>> -> memref<125x80xi32, #tpu.memory_space<hbm>>
      %dma_wait3A_385 = arith.constant 0 : i32
      %dma_wait3A_386 = arith.constant 0 : i32
      %dma_wait3A_387 = tpu.memref_slice %arg4[%add3A, %dma_wait3A_385, %dma_wait3A_386] : memref<32x125x80xi32, #tpu.memory_space<hbm>> -> memref<1x125x80xi32, #tpu.memory_space<hbm>>
      %dma_wait3A_388 = tpu.memref_squeeze %dma_wait3A_387 : memref<1x125x80xi32, #tpu.memory_space<hbm>> -> memref<125x80xi32, #tpu.memory_space<hbm>>
      tpu.wait_dma2 semaphore(%run_scoped3A : memref<!tpu.dma_semaphore, #tpu.memory_space<semaphore_mem>>) src(%dma_wait3A_388 : memref<125x80xi32, #tpu.memory_space<hbm>>) dst(%arg8 : memref<125x80xi32, #tpu.memory_space<vmem>>)
      tpu.yield
    }) : () -> ()
    %mul3A_1 = arith.constant 640 : i32
    %mul3A_2 = arith.muli %arg1, %mul3A_1 : i32
    "tpu.region"() ({
      %run_scoped3A = tpu.sem_alloc : memref<!tpu.dma_semaphore, #tpu.memory_space<semaphore_mem>>
      %dma_start3A_373 = arith.constant 0 : i32
      %dma_start3A_374 = tpu.memref_slice %arg17[%mul3A_2, %dma_start3A_373] : memref<10240x160xbf16, #tpu.memory_space<vmem_shared>> -> memref<640x160xbf16, #tpu.memory_space<vmem_shared>>
      tpu.enqueue_dma source(%arg5 : memref<640x160xbf16, #tpu.memory_space<hbm>>) target(%dma_start3A_374 : memref<640x160xbf16, #tpu.memory_space<vmem_shared>>) target_semaphore(%run_scoped3A : memref<!tpu.dma_semaphore, #tpu.memory_space<semaphore_mem>>)
      %dma_wait3A_375 = arith.constant 0 : i32
      %dma_wait3A_376 = tpu.memref_slice %arg17[%mul3A_2, %dma_wait3A_375] : memref<10240x160xbf16, #tpu.memory_space<vmem_shared>> -> memref<640x160xbf16, #tpu.memory_space<vmem_shared>>
      tpu.wait_dma2 semaphore(%run_scoped3A : memref<!tpu.dma_semaphore, #tpu.memory_space<semaphore_mem>>) src(%arg5 : memref<640x160xbf16, #tpu.memory_space<hbm>>) dst(%dma_wait3A_376 : memref<640x160xbf16, #tpu.memory_space<vmem_shared>>)
      tpu.yield
    }) : () -> ()
    %barrier3A = arith.constant 0 : index
    tpu.barrier barrier_id(%barrier3A)
    %dma_start3A = arith.constant 0 : i32
    %dma_start3A_3 = arith.constant 0 : i32
    %dma_start3A_4 = tpu.memref_slice %arg7[%dma_start3A, %dma_start3A_3] : memref<125x80xi32, #tpu.memory_space<vmem>> -> memref<1x80xi32, #tpu.memory_space<vmem>>
    %dma_start3A_5 = tpu.memref_squeeze %dma_start3A_4 : memref<1x80xi32, #tpu.memory_space<vmem>> -> memref<80xi32, #tpu.memory_space<vmem>>
    %dma_start3A_6 = arith.constant 0 : i32
    %dma_start3A_7 = arith.constant 0 : i32
    %dma_start3A_8 = tpu.memref_slice %arg2[%dma_start3A_6, %dma_start3A_7] : memref<10000x160xbf16, #tpu.memory_space<hbm>> -> memref<10000x160xbf16, #tpu.memory_space<hbm>>
    tpu.enqueue_indirect_dma source(%dma_start3A_8 : memref<10000x160xbf16, #tpu.memory_space<hbm>>) target(%arg9 : memref<80x160xbf16, #tpu.memory_space<vmem>>) offsets(%dma_start3A_5 : memref<80xi32, #tpu.memory_space<vmem>>) semaphore(%arg18 : memref<!tpu.dma_semaphore, #tpu.memory_space<semaphore_mem>>)
    %dma_start3A_9 = arith.constant 1 : i32
    %dma_start3A_10 = arith.constant 0 : i32
    %dma_start3A_11 = tpu.memref_slice %arg7[%dma_start3A_9, %dma_start3A_10] : memref<125x80xi32, #tpu.memory_space<vmem>> -> memref<1x80xi32, #tpu.memory_space<vmem>>
    %dma_start3A_12 = tpu.memref_squeeze %dma_start3A_11 : memref<1x80xi32, #tpu.memory_space<vmem>> -> memref<80xi32, #tpu.memory_space<vmem>>
    %dma_start3A_13 = arith.constant 0 : i32
    %dma_start3A_14 = arith.constant 0 : i32
    %dma_start3A_15 = tpu.memref_slice %arg2[%dma_start3A_13, %dma_start3A_14] : memref<10000x160xbf16, #tpu.memory_space<hbm>> -> memref<10000x160xbf16, #tpu.memory_space<hbm>>
    tpu.enqueue_indirect_dma source(%dma_start3A_15 : memref<10000x160xbf16, #tpu.memory_space<hbm>>) target(%arg10 : memref<80x160xbf16, #tpu.memory_space<vmem>>) offsets(%dma_start3A_12 : memref<80xi32, #tpu.memory_space<vmem>>) semaphore(%arg19 : memref<!tpu.dma_semaphore, #tpu.memory_space<semaphore_mem>>)
    %dma_start3A_16 = arith.constant 2 : i32
    %dma_start3A_17 = arith.constant 0 : i32
    %dma_start3A_18 = tpu.memref_slice %arg7[%dma_start3A_16, %dma_start3A_17] : memref<125x80xi32, #tpu.memory_space<vmem>> -> memref<1x80xi32, #tpu.memory_space<vmem>>
    %dma_start3A_19 = tpu.memref_squeeze %dma_start3A_18 : memref<1x80xi32, #tpu.memory_space<vmem>> -> memref<80xi32, #tpu.memory_space<vmem>>
    %dma_start3A_20 = arith.constant 0 : i32
    %dma_start3A_21 = arith.constant 0 : i32
    %dma_start3A_22 = tpu.memref_slice %arg2[%dma_start3A_20, %dma_start3A_21] : memref<10000x160xbf16, #tpu.memory_space<hbm>> -> memref<10000x160xbf16, #tpu.memory_space<hbm>>
    tpu.enqueue_indirect_dma source(%dma_start3A_22 : memref<10000x160xbf16, #tpu.memory_space<hbm>>) target(%arg11 : memref<80x160xbf16, #tpu.memory_space<vmem>>) offsets(%dma_start3A_19 : memref<80xi32, #tpu.memory_space<vmem>>) semaphore(%arg20 : memref<!tpu.dma_semaphore, #tpu.memory_space<semaphore_mem>>)
    %dma_start3A_23 = arith.constant 3 : i32
    %dma_start3A_24 = arith.constant 0 : i32
    %dma_start3A_25 = tpu.memref_slice %arg7[%dma_start3A_23, %dma_start3A_24] : memref<125x80xi32, #tpu.memory_space<vmem>> -> memref<1x80xi32, #tpu.memory_space<vmem>>
    %dma_start3A_26 = tpu.memref_squeeze %dma_start3A_25 : memref<1x80xi32, #tpu.memory_space<vmem>> -> memref<80xi32, #tpu.memory_space<vmem>>
    %dma_start3A_27 = arith.constant 0 : i32
    %dma_start3A_28 = arith.constant 0 : i32
    %dma_start3A_29 = tpu.memref_slice %arg2[%dma_start3A_27, %dma_start3A_28] : memref<10000x160xbf16, #tpu.memory_space<hbm>> -> memref<10000x160xbf16, #tpu.memory_space<hbm>>
    tpu.enqueue_indirect_dma source(%dma_start3A_29 : memref<10000x160xbf16, #tpu.memory_space<hbm>>) target(%arg12 : memref<80x160xbf16, #tpu.memory_space<vmem>>) offsets(%dma_start3A_26 : memref<80xi32, #tpu.memory_space<vmem>>) semaphore(%arg21 : memref<!tpu.dma_semaphore, #tpu.memory_space<semaphore_mem>>)
    %dma_start3A_30 = arith.constant 4 : i32
    %dma_start3A_31 = arith.constant 0 : i32
    %dma_start3A_32 = tpu.memref_slice %arg7[%dma_start3A_30, %dma_start3A_31] : memref<125x80xi32, #tpu.memory_space<vmem>> -> memref<1x80xi32, #tpu.memory_space<vmem>>
    %dma_start3A_33 = tpu.memref_squeeze %dma_start3A_32 : memref<1x80xi32, #tpu.memory_space<vmem>> -> memref<80xi32, #tpu.memory_space<vmem>>
    %dma_start3A_34 = arith.constant 0 : i32
    %dma_start3A_35 = arith.constant 0 : i32
    %dma_start3A_36 = tpu.memref_slice %arg2[%dma_start3A_34, %dma_start3A_35] : memref<10000x160xbf16, #tpu.memory_space<hbm>> -> memref<10000x160xbf16, #tpu.memory_space<hbm>>
    tpu.enqueue_indirect_dma source(%dma_start3A_36 : memref<10000x160xbf16, #tpu.memory_space<hbm>>) target(%arg13 : memref<80x160xbf16, #tpu.memory_space<vmem>>) offsets(%dma_start3A_33 : memref<80xi32, #tpu.memory_space<vmem>>) semaphore(%arg22 : memref<!tpu.dma_semaphore, #tpu.memory_space<semaphore_mem>>)
    %dma_wait3A = arith.constant 0 : i32
    %dma_wait3A_37 = arith.constant 0 : i32
    %dma_wait3A_38 = tpu.memref_slice %arg7[%dma_wait3A, %dma_wait3A_37] : memref<125x80xi32, #tpu.memory_space<vmem>> -> memref<1x80xi32, #tpu.memory_space<vmem>>
    %dma_wait3A_39 = tpu.memref_squeeze %dma_wait3A_38 : memref<1x80xi32, #tpu.memory_space<vmem>> -> memref<80xi32, #tpu.memory_space<vmem>>
    %dma_wait3A_40 = arith.constant 0 : i32
    %dma_wait3A_41 = arith.constant 0 : i32
    %dma_wait3A_42 = tpu.memref_slice %arg2[%dma_wait3A_40, %dma_wait3A_41] : memref<10000x160xbf16, #tpu.memory_space<hbm>> -> memref<10000x160xbf16, #tpu.memory_space<hbm>>
    tpu.wait_indirect_dma semaphore(%arg18 : memref<!tpu.dma_semaphore, #tpu.memory_space<semaphore_mem>>) src(%dma_wait3A_42 : memref<10000x160xbf16, #tpu.memory_space<hbm>>) dst(%arg9 : memref<80x160xbf16, #tpu.memory_space<vmem>>)
    %dma_start3A_43 = arith.constant 0 : i32
    %dma_start3A_44 = arith.constant 0 : i32
    %dma_start3A_45 = tpu.memref_slice %arg8[%dma_start3A_43, %dma_start3A_44] : memref<125x80xi32, #tpu.memory_space<vmem>> -> memref<1x80xi32, #tpu.memory_space<vmem>>
    %dma_start3A_46 = tpu.memref_squeeze %dma_start3A_45 : memref<1x80xi32, #tpu.memory_space<vmem>> -> memref<80xi32, #tpu.memory_space<vmem>>
    %dma_start3A_47 = arith.constant 0 : i32
    %dma_start3A_48 = arith.constant 0 : i32
    %dma_start3A_49 = tpu.memref_slice %arg17[%dma_start3A_47, %dma_start3A_48] : memref<10240x160xbf16, #tpu.memory_space<vmem_shared>> -> memref<10240x160xbf16, #tpu.memory_space<vmem_shared>>
    tpu.enqueue_indirect_dma source(%arg9 : memref<80x160xbf16, #tpu.memory_space<vmem>>) target(%dma_start3A_49 : memref<10240x160xbf16, #tpu.memory_space<vmem_shared>>) offsets(%dma_start3A_46 : memref<80xi32, #tpu.memory_space<vmem>>) semaphore(%arg26 : memref<!tpu.dma_semaphore, #tpu.memory_space<semaphore_mem>>) {add = true}
    %dma_start3A_50 = arith.constant 5 : i32
    %dma_start3A_51 = arith.constant 0 : i32
    %dma_start3A_52 = tpu.memref_slice %arg7[%dma_start3A_50, %dma_start3A_51] : memref<125x80xi32, #tpu.memory_space<vmem>> -> memref<1x80xi32, #tpu.memory_space<vmem>>
    %dma_start3A_53 = tpu.memref_squeeze %dma_start3A_52 : memref<1x80xi32, #tpu.memory_space<vmem>> -> memref<80xi32, #tpu.memory_space<vmem>>
    %dma_start3A_54 = arith.constant 0 : i32
    %dma_start3A_55 = arith.constant 0 : i32
    %dma_start3A_56 = tpu.memref_slice %arg2[%dma_start3A_54, %dma_start3A_55] : memref<10000x160xbf16, #tpu.memory_space<hbm>> -> memref<10000x160xbf16, #tpu.memory_space<hbm>>
    tpu.enqueue_indirect_dma source(%dma_start3A_56 : memref<10000x160xbf16, #tpu.memory_space<hbm>>) target(%arg14 : memref<80x160xbf16, #tpu.memory_space<vmem>>) offsets(%dma_start3A_53 : memref<80xi32, #tpu.memory_space<vmem>>) semaphore(%arg23 : memref<!tpu.dma_semaphore, #tpu.memory_space<semaphore_mem>>)
    %dma_wait3A_57 = arith.constant 0 : i32
    %dma_wait3A_58 = arith.constant 0 : i32
    %dma_wait3A_59 = tpu.memref_slice %arg7[%dma_wait3A_57, %dma_wait3A_58] : memref<125x80xi32, #tpu.memory_space<vmem>> -> memref<1x80xi32, #tpu.memory_space<vmem>>
    %dma_wait3A_60 = tpu.memref_squeeze %dma_wait3A_59 : memref<1x80xi32, #tpu.memory_space<vmem>> -> memref<80xi32, #tpu.memory_space<vmem>>
    %dma_wait3A_61 = arith.constant 0 : i32
    %dma_wait3A_62 = arith.constant 0 : i32
    %dma_wait3A_63 = tpu.memref_slice %arg2[%dma_wait3A_61, %dma_wait3A_62] : memref<10000x160xbf16, #tpu.memory_space<hbm>> -> memref<10000x160xbf16, #tpu.memory_space<hbm>>
    tpu.wait_indirect_dma semaphore(%arg19 : memref<!tpu.dma_semaphore, #tpu.memory_space<semaphore_mem>>) src(%dma_wait3A_63 : memref<10000x160xbf16, #tpu.memory_space<hbm>>) dst(%arg10 : memref<80x160xbf16, #tpu.memory_space<vmem>>)
    %dma_start3A_64 = arith.constant 1 : i32
    %dma_start3A_65 = arith.constant 0 : i32
    %dma_start3A_66 = tpu.memref_slice %arg8[%dma_start3A_64, %dma_start3A_65] : memref<125x80xi32, #tpu.memory_space<vmem>> -> memref<1x80xi32, #tpu.memory_space<vmem>>
    %dma_start3A_67 = tpu.memref_squeeze %dma_start3A_66 : memref<1x80xi32, #tpu.memory_space<vmem>> -> memref<80xi32, #tpu.memory_space<vmem>>
    %dma_start3A_68 = arith.constant 0 : i32
    %dma_start3A_69 = arith.constant 0 : i32
    %dma_start3A_70 = tpu.memref_slice %arg17[%dma_start3A_68, %dma_start3A_69] : memref<10240x160xbf16, #tpu.memory_space<vmem_shared>> -> memref<10240x160xbf16, #tpu.memory_space<vmem_shared>>
    tpu.enqueue_indirect_dma source(%arg10 : memref<80x160xbf16, #tpu.memory_space<vmem>>) target(%dma_start3A_70 : memref<10240x160xbf16, #tpu.memory_space<vmem_shared>>) offsets(%dma_start3A_67 : memref<80xi32, #tpu.memory_space<vmem>>) semaphore(%arg27 : memref<!tpu.dma_semaphore, #tpu.memory_space<semaphore_mem>>) {add = true}
    %dma_start3A_71 = arith.constant 6 : i32
    %dma_start3A_72 = arith.constant 0 : i32
    %dma_start3A_73 = tpu.memref_slice %arg7[%dma_start3A_71, %dma_start3A_72] : memref<125x80xi32, #tpu.memory_space<vmem>> -> memref<1x80xi32, #tpu.memory_space<vmem>>
    %dma_start3A_74 = tpu.memref_squeeze %dma_start3A_73 : memref<1x80xi32, #tpu.memory_space<vmem>> -> memref<80xi32, #tpu.memory_space<vmem>>
    %dma_start3A_75 = arith.constant 0 : i32
    %dma_start3A_76 = arith.constant 0 : i32
    %dma_start3A_77 = tpu.memref_slice %arg2[%dma_start3A_75, %dma_start3A_76] : memref<10000x160xbf16, #tpu.memory_space<hbm>> -> memref<10000x160xbf16, #tpu.memory_space<hbm>>
    tpu.enqueue_indirect_dma source(%dma_start3A_77 : memref<10000x160xbf16, #tpu.memory_space<hbm>>) target(%arg15 : memref<80x160xbf16, #tpu.memory_space<vmem>>) offsets(%dma_start3A_74 : memref<80xi32, #tpu.memory_space<vmem>>) semaphore(%arg24 : memref<!tpu.dma_semaphore, #tpu.memory_space<semaphore_mem>>)
    %dma_wait3A_78 = arith.constant 0 : i32
    %dma_wait3A_79 = arith.constant 0 : i32
    %dma_wait3A_80 = tpu.memref_slice %arg7[%dma_wait3A_78, %dma_wait3A_79] : memref<125x80xi32, #tpu.memory_space<vmem>> -> memref<1x80xi32, #tpu.memory_space<vmem>>
    %dma_wait3A_81 = tpu.memref_squeeze %dma_wait3A_80 : memref<1x80xi32, #tpu.memory_space<vmem>> -> memref<80xi32, #tpu.memory_space<vmem>>
    %dma_wait3A_82 = arith.constant 0 : i32
    %dma_wait3A_83 = arith.constant 0 : i32
    %dma_wait3A_84 = tpu.memref_slice %arg2[%dma_wait3A_82, %dma_wait3A_83] : memref<10000x160xbf16, #tpu.memory_space<hbm>> -> memref<10000x160xbf16, #tpu.memory_space<hbm>>
    tpu.wait_indirect_dma semaphore(%arg20 : memref<!tpu.dma_semaphore, #tpu.memory_space<semaphore_mem>>) src(%dma_wait3A_84 : memref<10000x160xbf16, #tpu.memory_space<hbm>>) dst(%arg11 : memref<80x160xbf16, #tpu.memory_space<vmem>>)
    %dma_start3A_85 = arith.constant 2 : i32
    %dma_start3A_86 = arith.constant 0 : i32
    %dma_start3A_87 = tpu.memref_slice %arg8[%dma_start3A_85, %dma_start3A_86] : memref<125x80xi32, #tpu.memory_space<vmem>> -> memref<1x80xi32, #tpu.memory_space<vmem>>
    %dma_start3A_88 = tpu.memref_squeeze %dma_start3A_87 : memref<1x80xi32, #tpu.memory_space<vmem>> -> memref<80xi32, #tpu.memory_space<vmem>>
    %dma_start3A_89 = arith.constant 0 : i32
    %dma_start3A_90 = arith.constant 0 : i32
    %dma_start3A_91 = tpu.memref_slice %arg17[%dma_start3A_89, %dma_start3A_90] : memref<10240x160xbf16, #tpu.memory_space<vmem_shared>> -> memref<10240x160xbf16, #tpu.memory_space<vmem_shared>>
    tpu.enqueue_indirect_dma source(%arg11 : memref<80x160xbf16, #tpu.memory_space<vmem>>) target(%dma_start3A_91 : memref<10240x160xbf16, #tpu.memory_space<vmem_shared>>) offsets(%dma_start3A_88 : memref<80xi32, #tpu.memory_space<vmem>>) semaphore(%arg28 : memref<!tpu.dma_semaphore, #tpu.memory_space<semaphore_mem>>) {add = true}
    %dma_start3A_92 = arith.constant 7 : i32
    %dma_start3A_93 = arith.constant 0 : i32
    %dma_start3A_94 = tpu.memref_slice %arg7[%dma_start3A_92, %dma_start3A_93] : memref<125x80xi32, #tpu.memory_space<vmem>> -> memref<1x80xi32, #tpu.memory_space<vmem>>
    %dma_start3A_95 = tpu.memref_squeeze %dma_start3A_94 : memref<1x80xi32, #tpu.memory_space<vmem>> -> memref<80xi32, #tpu.memory_space<vmem>>
    %dma_start3A_96 = arith.constant 0 : i32
    %dma_start3A_97 = arith.constant 0 : i32
    %dma_start3A_98 = tpu.memref_slice %arg2[%dma_start3A_96, %dma_start3A_97] : memref<10000x160xbf16, #tpu.memory_space<hbm>> -> memref<10000x160xbf16, #tpu.memory_space<hbm>>
    tpu.enqueue_indirect_dma source(%dma_start3A_98 : memref<10000x160xbf16, #tpu.memory_space<hbm>>) target(%arg16 : memref<80x160xbf16, #tpu.memory_space<vmem>>) offsets(%dma_start3A_95 : memref<80xi32, #tpu.memory_space<vmem>>) semaphore(%arg25 : memref<!tpu.dma_semaphore, #tpu.memory_space<semaphore_mem>>)
    %dma_wait3A_99 = arith.constant 0 : i32
    %dma_wait3A_100 = arith.constant 0 : i32
    %dma_wait3A_101 = tpu.memref_slice %arg7[%dma_wait3A_99, %dma_wait3A_100] : memref<125x80xi32, #tpu.memory_space<vmem>> -> memref<1x80xi32, #tpu.memory_space<vmem>>
    %dma_wait3A_102 = tpu.memref_squeeze %dma_wait3A_101 : memref<1x80xi32, #tpu.memory_space<vmem>> -> memref<80xi32, #tpu.memory_space<vmem>>
    %dma_wait3A_103 = arith.constant 0 : i32
    %dma_wait3A_104 = arith.constant 0 : i32
    %dma_wait3A_105 = tpu.memref_slice %arg2[%dma_wait3A_103, %dma_wait3A_104] : memref<10000x160xbf16, #tpu.memory_space<hbm>> -> memref<10000x160xbf16, #tpu.memory_space<hbm>>
    tpu.wait_indirect_dma semaphore(%arg21 : memref<!tpu.dma_semaphore, #tpu.memory_space<semaphore_mem>>) src(%dma_wait3A_105 : memref<10000x160xbf16, #tpu.memory_space<hbm>>) dst(%arg12 : memref<80x160xbf16, #tpu.memory_space<vmem>>)
    %dma_start3A_106 = arith.constant 3 : i32
    %dma_start3A_107 = arith.constant 0 : i32
    %dma_start3A_108 = tpu.memref_slice %arg8[%dma_start3A_106, %dma_start3A_107] : memref<125x80xi32, #tpu.memory_space<vmem>> -> memref<1x80xi32, #tpu.memory_space<vmem>>
    %dma_start3A_109 = tpu.memref_squeeze %dma_start3A_108 : memref<1x80xi32, #tpu.memory_space<vmem>> -> memref<80xi32, #tpu.memory_space<vmem>>
    %dma_start3A_110 = arith.constant 0 : i32
    %dma_start3A_111 = arith.constant 0 : i32
    %dma_start3A_112 = tpu.memref_slice %arg17[%dma_start3A_110, %dma_start3A_111] : memref<10240x160xbf16, #tpu.memory_space<vmem_shared>> -> memref<10240x160xbf16, #tpu.memory_space<vmem_shared>>
    tpu.enqueue_indirect_dma source(%arg12 : memref<80x160xbf16, #tpu.memory_space<vmem>>) target(%dma_start3A_112 : memref<10240x160xbf16, #tpu.memory_space<vmem_shared>>) offsets(%dma_start3A_109 : memref<80xi32, #tpu.memory_space<vmem>>) semaphore(%arg29 : memref<!tpu.dma_semaphore, #tpu.memory_space<semaphore_mem>>) {add = true}
    %scan3A = arith.constant 0 : i32
    %scan3A_113 = arith.constant 1 : i32
    %scan3A_114 = arith.constant 14 : i32
    %scan3A_115 = arith.addi %scan3A_113, %scan3A_114 : i32
    %scan3A_116 = arith.constant 1 : i32
    scf.for %scan3A_373 = %scan3A_113 to %scan3A_115 step %scan3A_116  : i32 {
      %mul3A_374 = arith.constant 8 : i32
      %mul3A_375 = arith.muli %mul3A_374, %scan3A_373 : i32
      %dma_wait3A_376 = arith.constant 0 : i32
      %dma_wait3A_377 = arith.constant 0 : i32
      %dma_wait3A_378 = tpu.memref_slice %arg8[%dma_wait3A_376, %dma_wait3A_377] : memref<125x80xi32, #tpu.memory_space<vmem>> -> memref<1x80xi32, #tpu.memory_space<vmem>>
      %dma_wait3A_379 = tpu.memref_squeeze %dma_wait3A_378 : memref<1x80xi32, #tpu.memory_space<vmem>> -> memref<80xi32, #tpu.memory_space<vmem>>
      %dma_wait3A_380 = arith.constant 0 : i32
      %dma_wait3A_381 = arith.constant 0 : i32
      %dma_wait3A_382 = tpu.memref_slice %arg17[%dma_wait3A_380, %dma_wait3A_381] : memref<10240x160xbf16, #tpu.memory_space<vmem_shared>> -> memref<10240x160xbf16, #tpu.memory_space<vmem_shared>>
      tpu.wait_indirect_dma semaphore(%arg26 : memref<!tpu.dma_semaphore, #tpu.memory_space<semaphore_mem>>) src(%arg9 : memref<80x160xbf16, #tpu.memory_space<vmem>>) dst(%dma_wait3A_382 : memref<10240x160xbf16, #tpu.memory_space<vmem_shared>>)
      %add3A_383 = arith.constant 0 : i32
      %add3A_384 = arith.addi %mul3A_375, %add3A_383 : i32
      %dma_start3A_385 = arith.constant 0 : i32
      %dma_start3A_386 = tpu.memref_slice %arg7[%add3A_384, %dma_start3A_385] : memref<125x80xi32, #tpu.memory_space<vmem>> -> memref<1x80xi32, #tpu.memory_space<vmem>>
      %dma_start3A_387 = tpu.memref_squeeze %dma_start3A_386 : memref<1x80xi32, #tpu.memory_space<vmem>> -> memref<80xi32, #tpu.memory_space<vmem>>
      %dma_start3A_388 = arith.constant 0 : i32
      %dma_start3A_389 = arith.constant 0 : i32
      %dma_start3A_390 = tpu.memref_slice %arg2[%dma_start3A_388, %dma_start3A_389] : memref<10000x160xbf16, #tpu.memory_space<hbm>> -> memref<10000x160xbf16, #tpu.memory_space<hbm>>
      tpu.enqueue_indirect_dma source(%dma_start3A_390 : memref<10000x160xbf16, #tpu.memory_space<hbm>>) target(%arg9 : memref<80x160xbf16, #tpu.memory_space<vmem>>) offsets(%dma_start3A_387 : memref<80xi32, #tpu.memory_space<vmem>>) semaphore(%arg18 : memref<!tpu.dma_semaphore, #tpu.memory_space<semaphore_mem>>)
      %dma_wait3A_391 = arith.constant 0 : i32
      %dma_wait3A_392 = arith.constant 0 : i32
      %dma_wait3A_393 = tpu.memref_slice %arg7[%dma_wait3A_391, %dma_wait3A_392] : memref<125x80xi32, #tpu.memory_space<vmem>> -> memref<1x80xi32, #tpu.memory_space<vmem>>
      %dma_wait3A_394 = tpu.memref_squeeze %dma_wait3A_393 : memref<1x80xi32, #tpu.memory_space<vmem>> -> memref<80xi32, #tpu.memory_space<vmem>>
      %dma_wait3A_395 = arith.constant 0 : i32
      %dma_wait3A_396 = arith.constant 0 : i32
      %dma_wait3A_397 = tpu.memref_slice %arg2[%dma_wait3A_395, %dma_wait3A_396] : memref<10000x160xbf16, #tpu.memory_space<hbm>> -> memref<10000x160xbf16, #tpu.memory_space<hbm>>
      tpu.wait_indirect_dma semaphore(%arg22 : memref<!tpu.dma_semaphore, #tpu.memory_space<semaphore_mem>>) src(%dma_wait3A_397 : memref<10000x160xbf16, #tpu.memory_space<hbm>>) dst(%arg13 : memref<80x160xbf16, #tpu.memory_space<vmem>>)
      %add3A_398 = arith.constant 0 : i32
      %add3A_399 = arith.addi %mul3A_375, %add3A_398 : i32
      %sub3A = arith.constant 4 : i32
      %sub3A_400 = arith.subi %add3A_399, %sub3A : i32
      %dma_start3A_401 = arith.constant 0 : i32
      %dma_start3A_402 = tpu.memref_slice %arg8[%sub3A_400, %dma_start3A_401] : memref<125x80xi32, #tpu.memory_space<vmem>> -> memref<1x80xi32, #tpu.memory_space<vmem>>
      %dma_start3A_403 = tpu.memref_squeeze %dma_start3A_402 : memref<1x80xi32, #tpu.memory_space<vmem>> -> memref<80xi32, #tpu.memory_space<vmem>>
      %dma_start3A_404 = arith.constant 0 : i32
      %dma_start3A_405 = arith.constant 0 : i32
      %dma_start3A_406 = tpu.memref_slice %arg17[%dma_start3A_404, %dma_start3A_405] : memref<10240x160xbf16, #tpu.memory_space<vmem_shared>> -> memref<10240x160xbf16, #tpu.memory_space<vmem_shared>>
      tpu.enqueue_indirect_dma source(%arg13 : memref<80x160xbf16, #tpu.memory_space<vmem>>) target(%dma_start3A_406 : memref<10240x160xbf16, #tpu.memory_space<vmem_shared>>) offsets(%dma_start3A_403 : memref<80xi32, #tpu.memory_space<vmem>>) semaphore(%arg30 : memref<!tpu.dma_semaphore, #tpu.memory_space<semaphore_mem>>) {add = true}
      %dma_wait3A_407 = arith.constant 0 : i32
      %dma_wait3A_408 = arith.constant 0 : i32
      %dma_wait3A_409 = tpu.memref_slice %arg8[%dma_wait3A_407, %dma_wait3A_408] : memref<125x80xi32, #tpu.memory_space<vmem>> -> memref<1x80xi32, #tpu.memory_space<vmem>>
      %dma_wait3A_410 = tpu.memref_squeeze %dma_wait3A_409 : memref<1x80xi32, #tpu.memory_space<vmem>> -> memref<80xi32, #tpu.memory_space<vmem>>
      %dma_wait3A_411 = arith.constant 0 : i32
      %dma_wait3A_412 = arith.constant 0 : i32
      %dma_wait3A_413 = tpu.memref_slice %arg17[%dma_wait3A_411, %dma_wait3A_412] : memref<10240x160xbf16, #tpu.memory_space<vmem_shared>> -> memref<10240x160xbf16, #tpu.memory_space<vmem_shared>>
      tpu.wait_indirect_dma semaphore(%arg27 : memref<!tpu.dma_semaphore, #tpu.memory_space<semaphore_mem>>) src(%arg10 : memref<80x160xbf16, #tpu.memory_space<vmem>>) dst(%dma_wait3A_413 : memref<10240x160xbf16, #tpu.memory_space<vmem_shared>>)
      %add3A_414 = arith.constant 1 : i32
      %add3A_415 = arith.addi %mul3A_375, %add3A_414 : i32
      %dma_start3A_416 = arith.constant 0 : i32
      %dma_start3A_417 = tpu.memref_slice %arg7[%add3A_415, %dma_start3A_416] : memref<125x80xi32, #tpu.memory_space<vmem>> -> memref<1x80xi32, #tpu.memory_space<vmem>>
      %dma_start3A_418 = tpu.memref_squeeze %dma_start3A_417 : memref<1x80xi32, #tpu.memory_space<vmem>> -> memref<80xi32, #tpu.memory_space<vmem>>
      %dma_start3A_419 = arith.constant 0 : i32
      %dma_start3A_420 = arith.constant 0 : i32
      %dma_start3A_421 = tpu.memref_slice %arg2[%dma_start3A_419, %dma_start3A_420] : memref<10000x160xbf16, #tpu.memory_space<hbm>> -> memref<10000x160xbf16, #tpu.memory_space<hbm>>
      tpu.enqueue_indirect_dma source(%dma_start3A_421 : memref<10000x160xbf16, #tpu.memory_space<hbm>>) target(%arg10 : memref<80x160xbf16, #tpu.memory_space<vmem>>) offsets(%dma_start3A_418 : memref<80xi32, #tpu.memory_space<vmem>>) semaphore(%arg19 : memref<!tpu.dma_semaphore, #tpu.memory_space<semaphore_mem>>)
      %dma_wait3A_422 = arith.constant 0 : i32
      %dma_wait3A_423 = arith.constant 0 : i32
      %dma_wait3A_424 = tpu.memref_slice %arg7[%dma_wait3A_422, %dma_wait3A_423] : memref<125x80xi32, #tpu.memory_space<vmem>> -> memref<1x80xi32, #tpu.memory_space<vmem>>
      %dma_wait3A_425 = tpu.memref_squeeze %dma_wait3A_424 : memref<1x80xi32, #tpu.memory_space<vmem>> -> memref<80xi32, #tpu.memory_space<vmem>>
      %dma_wait3A_426 = arith.constant 0 : i32
      %dma_wait3A_427 = arith.constant 0 : i32
      %dma_wait3A_428 = tpu.memref_slice %arg2[%dma_wait3A_426, %dma_wait3A_427] : memref<10000x160xbf16, #tpu.memory_space<hbm>> -> memref<10000x160xbf16, #tpu.memory_space<hbm>>
      tpu.wait_indirect_dma semaphore(%arg23 : memref<!tpu.dma_semaphore, #tpu.memory_space<semaphore_mem>>) src(%dma_wait3A_428 : memref<10000x160xbf16, #tpu.memory_space<hbm>>) dst(%arg14 : memref<80x160xbf16, #tpu.memory_space<vmem>>)
      %add3A_429 = arith.constant 1 : i32
      %add3A_430 = arith.addi %mul3A_375, %add3A_429 : i32
      %sub3A_431 = arith.constant 4 : i32
      %sub3A_432 = arith.subi %add3A_430, %sub3A_431 : i32
      %dma_start3A_433 = arith.constant 0 : i32
      %dma_start3A_434 = tpu.memref_slice %arg8[%sub3A_432, %dma_start3A_433] : memref<125x80xi32, #tpu.memory_space<vmem>> -> memref<1x80xi32, #tpu.memory_space<vmem>>
      %dma_start3A_435 = tpu.memref_squeeze %dma_start3A_434 : memref<1x80xi32, #tpu.memory_space<vmem>> -> memref<80xi32, #tpu.memory_space<vmem>>
      %dma_start3A_436 = arith.constant 0 : i32
      %dma_start3A_437 = arith.constant 0 : i32
      %dma_start3A_438 = tpu.memref_slice %arg17[%dma_start3A_436, %dma_start3A_437] : memref<10240x160xbf16, #tpu.memory_space<vmem_shared>> -> memref<10240x160xbf16, #tpu.memory_space<vmem_shared>>
      tpu.enqueue_indirect_dma source(%arg14 : memref<80x160xbf16, #tpu.memory_space<vmem>>) target(%dma_start3A_438 : memref<10240x160xbf16, #tpu.memory_space<vmem_shared>>) offsets(%dma_start3A_435 : memref<80xi32, #tpu.memory_space<vmem>>) semaphore(%arg31 : memref<!tpu.dma_semaphore, #tpu.memory_space<semaphore_mem>>) {add = true}
      %dma_wait3A_439 = arith.constant 0 : i32
      %dma_wait3A_440 = arith.constant 0 : i32
      %dma_wait3A_441 = tpu.memref_slice %arg8[%dma_wait3A_439, %dma_wait3A_440] : memref<125x80xi32, #tpu.memory_space<vmem>> -> memref<1x80xi32, #tpu.memory_space<vmem>>
      %dma_wait3A_442 = tpu.memref_squeeze %dma_wait3A_441 : memref<1x80xi32, #tpu.memory_space<vmem>> -> memref<80xi32, #tpu.memory_space<vmem>>
      %dma_wait3A_443 = arith.constant 0 : i32
      %dma_wait3A_444 = arith.constant 0 : i32
      %dma_wait3A_445 = tpu.memref_slice %arg17[%dma_wait3A_443, %dma_wait3A_444] : memref<10240x160xbf16, #tpu.memory_space<vmem_shared>> -> memref<10240x160xbf16, #tpu.memory_space<vmem_shared>>
      tpu.wait_indirect_dma semaphore(%arg28 : memref<!tpu.dma_semaphore, #tpu.memory_space<semaphore_mem>>) src(%arg11 : memref<80x160xbf16, #tpu.memory_space<vmem>>) dst(%dma_wait3A_445 : memref<10240x160xbf16, #tpu.memory_space<vmem_shared>>)
      %add3A_446 = arith.constant 2 : i32
      %add3A_447 = arith.addi %mul3A_375, %add3A_446 : i32
      %dma_start3A_448 = arith.constant 0 : i32
      %dma_start3A_449 = tpu.memref_slice %arg7[%add3A_447, %dma_start3A_448] : memref<125x80xi32, #tpu.memory_space<vmem>> -> memref<1x80xi32, #tpu.memory_space<vmem>>
      %dma_start3A_450 = tpu.memref_squeeze %dma_start3A_449 : memref<1x80xi32, #tpu.memory_space<vmem>> -> memref<80xi32, #tpu.memory_space<vmem>>
      %dma_start3A_451 = arith.constant 0 : i32
      %dma_start3A_452 = arith.constant 0 : i32
      %dma_start3A_453 = tpu.memref_slice %arg2[%dma_start3A_451, %dma_start3A_452] : memref<10000x160xbf16, #tpu.memory_space<hbm>> -> memref<10000x160xbf16, #tpu.memory_space<hbm>>
      tpu.enqueue_indirect_dma source(%dma_start3A_453 : memref<10000x160xbf16, #tpu.memory_space<hbm>>) target(%arg11 : memref<80x160xbf16, #tpu.memory_space<vmem>>) offsets(%dma_start3A_450 : memref<80xi32, #tpu.memory_space<vmem>>) semaphore(%arg20 : memref<!tpu.dma_semaphore, #tpu.memory_space<semaphore_mem>>)
      %dma_wait3A_454 = arith.constant 0 : i32
      %dma_wait3A_455 = arith.constant 0 : i32
      %dma_wait3A_456 = tpu.memref_slice %arg7[%dma_wait3A_454, %dma_wait3A_455] : memref<125x80xi32, #tpu.memory_space<vmem>> -> memref<1x80xi32, #tpu.memory_space<vmem>>
      %dma_wait3A_457 = tpu.memref_squeeze %dma_wait3A_456 : memref<1x80xi32, #tpu.memory_space<vmem>> -> memref<80xi32, #tpu.memory_space<vmem>>
      %dma_wait3A_458 = arith.constant 0 : i32
      %dma_wait3A_459 = arith.constant 0 : i32
      %dma_wait3A_460 = tpu.memref_slice %arg2[%dma_wait3A_458, %dma_wait3A_459] : memref<10000x160xbf16, #tpu.memory_space<hbm>> -> memref<10000x160xbf16, #tpu.memory_space<hbm>>
      tpu.wait_indirect_dma semaphore(%arg24 : memref<!tpu.dma_semaphore, #tpu.memory_space<semaphore_mem>>) src(%dma_wait3A_460 : memref<10000x160xbf16, #tpu.memory_space<hbm>>) dst(%arg15 : memref<80x160xbf16, #tpu.memory_space<vmem>>)
      %add3A_461 = arith.constant 2 : i32
      %add3A_462 = arith.addi %mul3A_375, %add3A_461 : i32
      %sub3A_463 = arith.constant 4 : i32
      %sub3A_464 = arith.subi %add3A_462, %sub3A_463 : i32
      %dma_start3A_465 = arith.constant 0 : i32
      %dma_start3A_466 = tpu.memref_slice %arg8[%sub3A_464, %dma_start3A_465] : memref<125x80xi32, #tpu.memory_space<vmem>> -> memref<1x80xi32, #tpu.memory_space<vmem>>
      %dma_start3A_467 = tpu.memref_squeeze %dma_start3A_466 : memref<1x80xi32, #tpu.memory_space<vmem>> -> memref<80xi32, #tpu.memory_space<vmem>>
      %dma_start3A_468 = arith.constant 0 : i32
      %dma_start3A_469 = arith.constant 0 : i32
      %dma_start3A_470 = tpu.memref_slice %arg17[%dma_start3A_468, %dma_start3A_469] : memref<10240x160xbf16, #tpu.memory_space<vmem_shared>> -> memref<10240x160xbf16, #tpu.memory_space<vmem_shared>>
      tpu.enqueue_indirect_dma source(%arg15 : memref<80x160xbf16, #tpu.memory_space<vmem>>) target(%dma_start3A_470 : memref<10240x160xbf16, #tpu.memory_space<vmem_shared>>) offsets(%dma_start3A_467 : memref<80xi32, #tpu.memory_space<vmem>>) semaphore(%arg32 : memref<!tpu.dma_semaphore, #tpu.memory_space<semaphore_mem>>) {add = true}
      %dma_wait3A_471 = arith.constant 0 : i32
      %dma_wait3A_472 = arith.constant 0 : i32
      %dma_wait3A_473 = tpu.memref_slice %arg8[%dma_wait3A_471, %dma_wait3A_472] : memref<125x80xi32, #tpu.memory_space<vmem>> -> memref<1x80xi32, #tpu.memory_space<vmem>>
      %dma_wait3A_474 = tpu.memref_squeeze %dma_wait3A_473 : memref<1x80xi32, #tpu.memory_space<vmem>> -> memref<80xi32, #tpu.memory_space<vmem>>
      %dma_wait3A_475 = arith.constant 0 : i32
      %dma_wait3A_476 = arith.constant 0 : i32
      %dma_wait3A_477 = tpu.memref_slice %arg17[%dma_wait3A_475, %dma_wait3A_476] : memref<10240x160xbf16, #tpu.memory_space<vmem_shared>> -> memref<10240x160xbf16, #tpu.memory_space<vmem_shared>>
      tpu.wait_indirect_dma semaphore(%arg29 : memref<!tpu.dma_semaphore, #tpu.memory_space<semaphore_mem>>) src(%arg12 : memref<80x160xbf16, #tpu.memory_space<vmem>>) dst(%dma_wait3A_477 : memref<10240x160xbf16, #tpu.memory_space<vmem_shared>>)
      %add3A_478 = arith.constant 3 : i32
      %add3A_479 = arith.addi %mul3A_375, %add3A_478 : i32
      %dma_start3A_480 = arith.constant 0 : i32
      %dma_start3A_481 = tpu.memref_slice %arg7[%add3A_479, %dma_start3A_480] : memref<125x80xi32, #tpu.memory_space<vmem>> -> memref<1x80xi32, #tpu.memory_space<vmem>>
      %dma_start3A_482 = tpu.memref_squeeze %dma_start3A_481 : memref<1x80xi32, #tpu.memory_space<vmem>> -> memref<80xi32, #tpu.memory_space<vmem>>
      %dma_start3A_483 = arith.constant 0 : i32
      %dma_start3A_484 = arith.constant 0 : i32
      %dma_start3A_485 = tpu.memref_slice %arg2[%dma_start3A_483, %dma_start3A_484] : memref<10000x160xbf16, #tpu.memory_space<hbm>> -> memref<10000x160xbf16, #tpu.memory_space<hbm>>
      tpu.enqueue_indirect_dma source(%dma_start3A_485 : memref<10000x160xbf16, #tpu.memory_space<hbm>>) target(%arg12 : memref<80x160xbf16, #tpu.memory_space<vmem>>) offsets(%dma_start3A_482 : memref<80xi32, #tpu.memory_space<vmem>>) semaphore(%arg21 : memref<!tpu.dma_semaphore, #tpu.memory_space<semaphore_mem>>)
      %dma_wait3A_486 = arith.constant 0 : i32
      %dma_wait3A_487 = arith.constant 0 : i32
      %dma_wait3A_488 = tpu.memref_slice %arg7[%dma_wait3A_486, %dma_wait3A_487] : memref<125x80xi32, #tpu.memory_space<vmem>> -> memref<1x80xi32, #tpu.memory_space<vmem>>
      %dma_wait3A_489 = tpu.memref_squeeze %dma_wait3A_488 : memref<1x80xi32, #tpu.memory_space<vmem>> -> memref<80xi32, #tpu.memory_space<vmem>>
      %dma_wait3A_490 = arith.constant 0 : i32
      %dma_wait3A_491 = arith.constant 0 : i32
      %dma_wait3A_492 = tpu.memref_slice %arg2[%dma_wait3A_490, %dma_wait3A_491] : memref<10000x160xbf16, #tpu.memory_space<hbm>> -> memref<10000x160xbf16, #tpu.memory_space<hbm>>
      tpu.wait_indirect_dma semaphore(%arg25 : memref<!tpu.dma_semaphore, #tpu.memory_space<semaphore_mem>>) src(%dma_wait3A_492 : memref<10000x160xbf16, #tpu.memory_space<hbm>>) dst(%arg16 : memref<80x160xbf16, #tpu.memory_space<vmem>>)
      %add3A_493 = arith.constant 3 : i32
      %add3A_494 = arith.addi %mul3A_375, %add3A_493 : i32
      %sub3A_495 = arith.constant 4 : i32
      %sub3A_496 = arith.subi %add3A_494, %sub3A_495 : i32
      %dma_start3A_497 = arith.constant 0 : i32
      %dma_start3A_498 = tpu.memref_slice %arg8[%sub3A_496, %dma_start3A_497] : memref<125x80xi32, #tpu.memory_space<vmem>> -> memref<1x80xi32, #tpu.memory_space<vmem>>
      %dma_start3A_499 = tpu.memref_squeeze %dma_start3A_498 : memref<1x80xi32, #tpu.memory_space<vmem>> -> memref<80xi32, #tpu.memory_space<vmem>>
      %dma_start3A_500 = arith.constant 0 : i32
      %dma_start3A_501 = arith.constant 0 : i32
      %dma_start3A_502 = tpu.memref_slice %arg17[%dma_start3A_500, %dma_start3A_501] : memref<10240x160xbf16, #tpu.memory_space<vmem_shared>> -> memref<10240x160xbf16, #tpu.memory_space<vmem_shared>>
      tpu.enqueue_indirect_dma source(%arg16 : memref<80x160xbf16, #tpu.memory_space<vmem>>) target(%dma_start3A_502 : memref<10240x160xbf16, #tpu.memory_space<vmem_shared>>) offsets(%dma_start3A_499 : memref<80xi32, #tpu.memory_space<vmem>>) semaphore(%arg33 : memref<!tpu.dma_semaphore, #tpu.memory_space<semaphore_mem>>) {add = true}
      %dma_wait3A_503 = arith.constant 0 : i32
      %dma_wait3A_504 = arith.constant 0 : i32
      %dma_wait3A_505 = tpu.memref_slice %arg8[%dma_wait3A_503, %dma_wait3A_504] : memref<125x80xi32, #tpu.memory_space<vmem>> -> memref<1x80xi32, #tpu.memory_space<vmem>>
      %dma_wait3A_506 = tpu.memref_squeeze %dma_wait3A_505 : memref<1x80xi32, #tpu.memory_space<vmem>> -> memref<80xi32, #tpu.memory_space<vmem>>
      %dma_wait3A_507 = arith.constant 0 : i32
      %dma_wait3A_508 = arith.constant 0 : i32
      %dma_wait3A_509 = tpu.memref_slice %arg17[%dma_wait3A_507, %dma_wait3A_508] : memref<10240x160xbf16, #tpu.memory_space<vmem_shared>> -> memref<10240x160xbf16, #tpu.memory_space<vmem_shared>>
      tpu.wait_indirect_dma semaphore(%arg30 : memref<!tpu.dma_semaphore, #tpu.memory_space<semaphore_mem>>) src(%arg13 : memref<80x160xbf16, #tpu.memory_space<vmem>>) dst(%dma_wait3A_509 : memref<10240x160xbf16, #tpu.memory_space<vmem_shared>>)
      %add3A_510 = arith.constant 4 : i32
      %add3A_511 = arith.addi %mul3A_375, %add3A_510 : i32
      %dma_start3A_512 = arith.constant 0 : i32
      %dma_start3A_513 = tpu.memref_slice %arg7[%add3A_511, %dma_start3A_512] : memref<125x80xi32, #tpu.memory_space<vmem>> -> memref<1x80xi32, #tpu.memory_space<vmem>>
      %dma_start3A_514 = tpu.memref_squeeze %dma_start3A_513 : memref<1x80xi32, #tpu.memory_space<vmem>> -> memref<80xi32, #tpu.memory_space<vmem>>
      %dma_start3A_515 = arith.constant 0 : i32
      %dma_start3A_516 = arith.constant 0 : i32
      %dma_start3A_517 = tpu.memref_slice %arg2[%dma_start3A_515, %dma_start3A_516] : memref<10000x160xbf16, #tpu.memory_space<hbm>> -> memref<10000x160xbf16, #tpu.memory_space<hbm>>
      tpu.enqueue_indirect_dma source(%dma_start3A_517 : memref<10000x160xbf16, #tpu.memory_space<hbm>>) target(%arg13 : memref<80x160xbf16, #tpu.memory_space<vmem>>) offsets(%dma_start3A_514 : memref<80xi32, #tpu.memory_space<vmem>>) semaphore(%arg22 : memref<!tpu.dma_semaphore, #tpu.memory_space<semaphore_mem>>)
      %dma_wait3A_518 = arith.constant 0 : i32
      %dma_wait3A_519 = arith.constant 0 : i32
      %dma_wait3A_520 = tpu.memref_slice %arg7[%dma_wait3A_518, %dma_wait3A_519] : memref<125x80xi32, #tpu.memory_space<vmem>> -> memref<1x80xi32, #tpu.memory_space<vmem>>
      %dma_wait3A_521 = tpu.memref_squeeze %dma_wait3A_520 : memref<1x80xi32, #tpu.memory_space<vmem>> -> memref<80xi32, #tpu.memory_space<vmem>>
      %dma_wait3A_522 = arith.constant 0 : i32
      %dma_wait3A_523 = arith.constant 0 : i32
      %dma_wait3A_524 = tpu.memref_slice %arg2[%dma_wait3A_522, %dma_wait3A_523] : memref<10000x160xbf16, #tpu.memory_space<hbm>> -> memref<10000x160xbf16, #tpu.memory_space<hbm>>
      tpu.wait_indirect_dma semaphore(%arg18 : memref<!tpu.dma_semaphore, #tpu.memory_space<semaphore_mem>>) src(%dma_wait3A_524 : memref<10000x160xbf16, #tpu.memory_space<hbm>>) dst(%arg9 : memref<80x160xbf16, #tpu.memory_space<vmem>>)
      %add3A_525 = arith.constant 4 : i32
      %add3A_526 = arith.addi %mul3A_375, %add3A_525 : i32
      %sub3A_527 = arith.constant 4 : i32
      %sub3A_528 = arith.subi %add3A_526, %sub3A_527 : i32
      %dma_start3A_529 = arith.constant 0 : i32
      %dma_start3A_530 = tpu.memref_slice %arg8[%sub3A_528, %dma_start3A_529] : memref<125x80xi32, #tpu.memory_space<vmem>> -> memref<1x80xi32, #tpu.memory_space<vmem>>
      %dma_start3A_531 = tpu.memref_squeeze %dma_start3A_530 : memref<1x80xi32, #tpu.memory_space<vmem>> -> memref<80xi32, #tpu.memory_space<vmem>>
      %dma_start3A_532 = arith.constant 0 : i32
      %dma_start3A_533 = arith.constant 0 : i32
      %dma_start3A_534 = tpu.memref_slice %arg17[%dma_start3A_532, %dma_start3A_533] : memref<10240x160xbf16, #tpu.memory_space<vmem_shared>> -> memref<10240x160xbf16, #tpu.memory_space<vmem_shared>>
      tpu.enqueue_indirect_dma source(%arg9 : memref<80x160xbf16, #tpu.memory_space<vmem>>) target(%dma_start3A_534 : memref<10240x160xbf16, #tpu.memory_space<vmem_shared>>) offsets(%dma_start3A_531 : memref<80xi32, #tpu.memory_space<vmem>>) semaphore(%arg26 : memref<!tpu.dma_semaphore, #tpu.memory_space<semaphore_mem>>) {add = true}
      %dma_wait3A_535 = arith.constant 0 : i32
      %dma_wait3A_536 = arith.constant 0 : i32
      %dma_wait3A_537 = tpu.memref_slice %arg8[%dma_wait3A_535, %dma_wait3A_536] : memref<125x80xi32, #tpu.memory_space<vmem>> -> memref<1x80xi32, #tpu.memory_space<vmem>>
      %dma_wait3A_538 = tpu.memref_squeeze %dma_wait3A_537 : memref<1x80xi32, #tpu.memory_space<vmem>> -> memref<80xi32, #tpu.memory_space<vmem>>
      %dma_wait3A_539 = arith.constant 0 : i32
      %dma_wait3A_540 = arith.constant 0 : i32
      %dma_wait3A_541 = tpu.memref_slice %arg17[%dma_wait3A_539, %dma_wait3A_540] : memref<10240x160xbf16, #tpu.memory_space<vmem_shared>> -> memref<10240x160xbf16, #tpu.memory_space<vmem_shared>>
      tpu.wait_indirect_dma semaphore(%arg31 : memref<!tpu.dma_semaphore, #tpu.memory_space<semaphore_mem>>) src(%arg14 : memref<80x160xbf16, #tpu.memory_space<vmem>>) dst(%dma_wait3A_541 : memref<10240x160xbf16, #tpu.memory_space<vmem_shared>>)
      %add3A_542 = arith.constant 5 : i32
      %add3A_543 = arith.addi %mul3A_375, %add3A_542 : i32
      %dma_start3A_544 = arith.constant 0 : i32
      %dma_start3A_545 = tpu.memref_slice %arg7[%add3A_543, %dma_start3A_544] : memref<125x80xi32, #tpu.memory_space<vmem>> -> memref<1x80xi32, #tpu.memory_space<vmem>>
      %dma_start3A_546 = tpu.memref_squeeze %dma_start3A_545 : memref<1x80xi32, #tpu.memory_space<vmem>> -> memref<80xi32, #tpu.memory_space<vmem>>
      %dma_start3A_547 = arith.constant 0 : i32
      %dma_start3A_548 = arith.constant 0 : i32
      %dma_start3A_549 = tpu.memref_slice %arg2[%dma_start3A_547, %dma_start3A_548] : memref<10000x160xbf16, #tpu.memory_space<hbm>> -> memref<10000x160xbf16, #tpu.memory_space<hbm>>
      tpu.enqueue_indirect_dma source(%dma_start3A_549 : memref<10000x160xbf16, #tpu.memory_space<hbm>>) target(%arg14 : memref<80x160xbf16, #tpu.memory_space<vmem>>) offsets(%dma_start3A_546 : memref<80xi32, #tpu.memory_space<vmem>>) semaphore(%arg23 : memref<!tpu.dma_semaphore, #tpu.memory_space<semaphore_mem>>)
      %dma_wait3A_550 = arith.constant 0 : i32
      %dma_wait3A_551 = arith.constant 0 : i32
      %dma_wait3A_552 = tpu.memref_slice %arg7[%dma_wait3A_550, %dma_wait3A_551] : memref<125x80xi32, #tpu.memory_space<vmem>> -> memref<1x80xi32, #tpu.memory_space<vmem>>
      %dma_wait3A_553 = tpu.memref_squeeze %dma_wait3A_552 : memref<1x80xi32, #tpu.memory_space<vmem>> -> memref<80xi32, #tpu.memory_space<vmem>>
      %dma_wait3A_554 = arith.constant 0 : i32
      %dma_wait3A_555 = arith.constant 0 : i32
      %dma_wait3A_556 = tpu.memref_slice %arg2[%dma_wait3A_554, %dma_wait3A_555] : memref<10000x160xbf16, #tpu.memory_space<hbm>> -> memref<10000x160xbf16, #tpu.memory_space<hbm>>
      tpu.wait_indirect_dma semaphore(%arg19 : memref<!tpu.dma_semaphore, #tpu.memory_space<semaphore_mem>>) src(%dma_wait3A_556 : memref<10000x160xbf16, #tpu.memory_space<hbm>>) dst(%arg10 : memref<80x160xbf16, #tpu.memory_space<vmem>>)
      %add3A_557 = arith.constant 5 : i32
      %add3A_558 = arith.addi %mul3A_375, %add3A_557 : i32
      %sub3A_559 = arith.constant 4 : i32
      %sub3A_560 = arith.subi %add3A_558, %sub3A_559 : i32
      %dma_start3A_561 = arith.constant 0 : i32
      %dma_start3A_562 = tpu.memref_slice %arg8[%sub3A_560, %dma_start3A_561] : memref<125x80xi32, #tpu.memory_space<vmem>> -> memref<1x80xi32, #tpu.memory_space<vmem>>
      %dma_start3A_563 = tpu.memref_squeeze %dma_start3A_562 : memref<1x80xi32, #tpu.memory_space<vmem>> -> memref<80xi32, #tpu.memory_space<vmem>>
      %dma_start3A_564 = arith.constant 0 : i32
      %dma_start3A_565 = arith.constant 0 : i32
      %dma_start3A_566 = tpu.memref_slice %arg17[%dma_start3A_564, %dma_start3A_565] : memref<10240x160xbf16, #tpu.memory_space<vmem_shared>> -> memref<10240x160xbf16, #tpu.memory_space<vmem_shared>>
      tpu.enqueue_indirect_dma source(%arg10 : memref<80x160xbf16, #tpu.memory_space<vmem>>) target(%dma_start3A_566 : memref<10240x160xbf16, #tpu.memory_space<vmem_shared>>) offsets(%dma_start3A_563 : memref<80xi32, #tpu.memory_space<vmem>>) semaphore(%arg27 : memref<!tpu.dma_semaphore, #tpu.memory_space<semaphore_mem>>) {add = true}
      %dma_wait3A_567 = arith.constant 0 : i32
      %dma_wait3A_568 = arith.constant 0 : i32
      %dma_wait3A_569 = tpu.memref_slice %arg8[%dma_wait3A_567, %dma_wait3A_568] : memref<125x80xi32, #tpu.memory_space<vmem>> -> memref<1x80xi32, #tpu.memory_space<vmem>>
      %dma_wait3A_570 = tpu.memref_squeeze %dma_wait3A_569 : memref<1x80xi32, #tpu.memory_space<vmem>> -> memref<80xi32, #tpu.memory_space<vmem>>
      %dma_wait3A_571 = arith.constant 0 : i32
      %dma_wait3A_572 = arith.constant 0 : i32
      %dma_wait3A_573 = tpu.memref_slice %arg17[%dma_wait3A_571, %dma_wait3A_572] : memref<10240x160xbf16, #tpu.memory_space<vmem_shared>> -> memref<10240x160xbf16, #tpu.memory_space<vmem_shared>>
      tpu.wait_indirect_dma semaphore(%arg32 : memref<!tpu.dma_semaphore, #tpu.memory_space<semaphore_mem>>) src(%arg15 : memref<80x160xbf16, #tpu.memory_space<vmem>>) dst(%dma_wait3A_573 : memref<10240x160xbf16, #tpu.memory_space<vmem_shared>>)
      %add3A_574 = arith.constant 6 : i32
      %add3A_575 = arith.addi %mul3A_375, %add3A_574 : i32
      %dma_start3A_576 = arith.constant 0 : i32
      %dma_start3A_577 = tpu.memref_slice %arg7[%add3A_575, %dma_start3A_576] : memref<125x80xi32, #tpu.memory_space<vmem>> -> memref<1x80xi32, #tpu.memory_space<vmem>>
      %dma_start3A_578 = tpu.memref_squeeze %dma_start3A_577 : memref<1x80xi32, #tpu.memory_space<vmem>> -> memref<80xi32, #tpu.memory_space<vmem>>
      %dma_start3A_579 = arith.constant 0 : i32
      %dma_start3A_580 = arith.constant 0 : i32
      %dma_start3A_581 = tpu.memref_slice %arg2[%dma_start3A_579, %dma_start3A_580] : memref<10000x160xbf16, #tpu.memory_space<hbm>> -> memref<10000x160xbf16, #tpu.memory_space<hbm>>
      tpu.enqueue_indirect_dma source(%dma_start3A_581 : memref<10000x160xbf16, #tpu.memory_space<hbm>>) target(%arg15 : memref<80x160xbf16, #tpu.memory_space<vmem>>) offsets(%dma_start3A_578 : memref<80xi32, #tpu.memory_space<vmem>>) semaphore(%arg24 : memref<!tpu.dma_semaphore, #tpu.memory_space<semaphore_mem>>)
      %dma_wait3A_582 = arith.constant 0 : i32
      %dma_wait3A_583 = arith.constant 0 : i32
      %dma_wait3A_584 = tpu.memref_slice %arg7[%dma_wait3A_582, %dma_wait3A_583] : memref<125x80xi32, #tpu.memory_space<vmem>> -> memref<1x80xi32, #tpu.memory_space<vmem>>
      %dma_wait3A_585 = tpu.memref_squeeze %dma_wait3A_584 : memref<1x80xi32, #tpu.memory_space<vmem>> -> memref<80xi32, #tpu.memory_space<vmem>>
      %dma_wait3A_586 = arith.constant 0 : i32
      %dma_wait3A_587 = arith.constant 0 : i32
      %dma_wait3A_588 = tpu.memref_slice %arg2[%dma_wait3A_586, %dma_wait3A_587] : memref<10000x160xbf16, #tpu.memory_space<hbm>> -> memref<10000x160xbf16, #tpu.memory_space<hbm>>
      tpu.wait_indirect_dma semaphore(%arg20 : memref<!tpu.dma_semaphore, #tpu.memory_space<semaphore_mem>>) src(%dma_wait3A_588 : memref<10000x160xbf16, #tpu.memory_space<hbm>>) dst(%arg11 : memref<80x160xbf16, #tpu.memory_space<vmem>>)
      %add3A_589 = arith.constant 6 : i32
      %add3A_590 = arith.addi %mul3A_375, %add3A_589 : i32
      %sub3A_591 = arith.constant 4 : i32
      %sub3A_592 = arith.subi %add3A_590, %sub3A_591 : i32
      %dma_start3A_593 = arith.constant 0 : i32
      %dma_start3A_594 = tpu.memref_slice %arg8[%sub3A_592, %dma_start3A_593] : memref<125x80xi32, #tpu.memory_space<vmem>> -> memref<1x80xi32, #tpu.memory_space<vmem>>
      %dma_start3A_595 = tpu.memref_squeeze %dma_start3A_594 : memref<1x80xi32, #tpu.memory_space<vmem>> -> memref<80xi32, #tpu.memory_space<vmem>>
      %dma_start3A_596 = arith.constant 0 : i32
      %dma_start3A_597 = arith.constant 0 : i32
      %dma_start3A_598 = tpu.memref_slice %arg17[%dma_start3A_596, %dma_start3A_597] : memref<10240x160xbf16, #tpu.memory_space<vmem_shared>> -> memref<10240x160xbf16, #tpu.memory_space<vmem_shared>>
      tpu.enqueue_indirect_dma source(%arg11 : memref<80x160xbf16, #tpu.memory_space<vmem>>) target(%dma_start3A_598 : memref<10240x160xbf16, #tpu.memory_space<vmem_shared>>) offsets(%dma_start3A_595 : memref<80xi32, #tpu.memory_space<vmem>>) semaphore(%arg28 : memref<!tpu.dma_semaphore, #tpu.memory_space<semaphore_mem>>) {add = true}
      %dma_wait3A_599 = arith.constant 0 : i32
      %dma_wait3A_600 = arith.constant 0 : i32
      %dma_wait3A_601 = tpu.memref_slice %arg8[%dma_wait3A_599, %dma_wait3A_600] : memref<125x80xi32, #tpu.memory_space<vmem>> -> memref<1x80xi32, #tpu.memory_space<vmem>>
      %dma_wait3A_602 = tpu.memref_squeeze %dma_wait3A_601 : memref<1x80xi32, #tpu.memory_space<vmem>> -> memref<80xi32, #tpu.memory_space<vmem>>
      %dma_wait3A_603 = arith.constant 0 : i32
      %dma_wait3A_604 = arith.constant 0 : i32
      %dma_wait3A_605 = tpu.memref_slice %arg17[%dma_wait3A_603, %dma_wait3A_604] : memref<10240x160xbf16, #tpu.memory_space<vmem_shared>> -> memref<10240x160xbf16, #tpu.memory_space<vmem_shared>>
      tpu.wait_indirect_dma semaphore(%arg33 : memref<!tpu.dma_semaphore, #tpu.memory_space<semaphore_mem>>) src(%arg16 : memref<80x160xbf16, #tpu.memory_space<vmem>>) dst(%dma_wait3A_605 : memref<10240x160xbf16, #tpu.memory_space<vmem_shared>>)
      %add3A_606 = arith.constant 7 : i32
      %add3A_607 = arith.addi %mul3A_375, %add3A_606 : i32
      %dma_start3A_608 = arith.constant 0 : i32
      %dma_start3A_609 = tpu.memref_slice %arg7[%add3A_607, %dma_start3A_608] : memref<125x80xi32, #tpu.memory_space<vmem>> -> memref<1x80xi32, #tpu.memory_space<vmem>>
      %dma_start3A_610 = tpu.memref_squeeze %dma_start3A_609 : memref<1x80xi32, #tpu.memory_space<vmem>> -> memref<80xi32, #tpu.memory_space<vmem>>
      %dma_start3A_611 = arith.constant 0 : i32
      %dma_start3A_612 = arith.constant 0 : i32
      %dma_start3A_613 = tpu.memref_slice %arg2[%dma_start3A_611, %dma_start3A_612] : memref<10000x160xbf16, #tpu.memory_space<hbm>> -> memref<10000x160xbf16, #tpu.memory_space<hbm>>
      tpu.enqueue_indirect_dma source(%dma_start3A_613 : memref<10000x160xbf16, #tpu.memory_space<hbm>>) target(%arg16 : memref<80x160xbf16, #tpu.memory_space<vmem>>) offsets(%dma_start3A_610 : memref<80xi32, #tpu.memory_space<vmem>>) semaphore(%arg25 : memref<!tpu.dma_semaphore, #tpu.memory_space<semaphore_mem>>)
      %dma_wait3A_614 = arith.constant 0 : i32
      %dma_wait3A_615 = arith.constant 0 : i32
      %dma_wait3A_616 = tpu.memref_slice %arg7[%dma_wait3A_614, %dma_wait3A_615] : memref<125x80xi32, #tpu.memory_space<vmem>> -> memref<1x80xi32, #tpu.memory_space<vmem>>
      %dma_wait3A_617 = tpu.memref_squeeze %dma_wait3A_616 : memref<1x80xi32, #tpu.memory_space<vmem>> -> memref<80xi32, #tpu.memory_space<vmem>>
      %dma_wait3A_618 = arith.constant 0 : i32
      %dma_wait3A_619 = arith.constant 0 : i32
      %dma_wait3A_620 = tpu.memref_slice %arg2[%dma_wait3A_618, %dma_wait3A_619] : memref<10000x160xbf16, #tpu.memory_space<hbm>> -> memref<10000x160xbf16, #tpu.memory_space<hbm>>
      tpu.wait_indirect_dma semaphore(%arg21 : memref<!tpu.dma_semaphore, #tpu.memory_space<semaphore_mem>>) src(%dma_wait3A_620 : memref<10000x160xbf16, #tpu.memory_space<hbm>>) dst(%arg12 : memref<80x160xbf16, #tpu.memory_space<vmem>>)
      %add3A_621 = arith.constant 7 : i32
      %add3A_622 = arith.addi %mul3A_375, %add3A_621 : i32
      %sub3A_623 = arith.constant 4 : i32
      %sub3A_624 = arith.subi %add3A_622, %sub3A_623 : i32
      %dma_start3A_625 = arith.constant 0 : i32
      %dma_start3A_626 = tpu.memref_slice %arg8[%sub3A_624, %dma_start3A_625] : memref<125x80xi32, #tpu.memory_space<vmem>> -> memref<1x80xi32, #tpu.memory_space<vmem>>
      %dma_start3A_627 = tpu.memref_squeeze %dma_start3A_626 : memref<1x80xi32, #tpu.memory_space<vmem>> -> memref<80xi32, #tpu.memory_space<vmem>>
      %dma_start3A_628 = arith.constant 0 : i32
      %dma_start3A_629 = arith.constant 0 : i32
      %dma_start3A_630 = tpu.memref_slice %arg17[%dma_start3A_628, %dma_start3A_629] : memref<10240x160xbf16, #tpu.memory_space<vmem_shared>> -> memref<10240x160xbf16, #tpu.memory_space<vmem_shared>>
      tpu.enqueue_indirect_dma source(%arg12 : memref<80x160xbf16, #tpu.memory_space<vmem>>) target(%dma_start3A_630 : memref<10240x160xbf16, #tpu.memory_space<vmem_shared>>) offsets(%dma_start3A_627 : memref<80xi32, #tpu.memory_space<vmem>>) semaphore(%arg29 : memref<!tpu.dma_semaphore, #tpu.memory_space<semaphore_mem>>) {add = true}
    }
    %scan3A_117 = arith.constant 14 : i32
    %dma_wait3A_118 = arith.constant 0 : i32
    %dma_wait3A_119 = arith.constant 0 : i32
    %dma_wait3A_120 = tpu.memref_slice %arg8[%dma_wait3A_118, %dma_wait3A_119] : memref<125x80xi32, #tpu.memory_space<vmem>> -> memref<1x80xi32, #tpu.memory_space<vmem>>
    %dma_wait3A_121 = tpu.memref_squeeze %dma_wait3A_120 : memref<1x80xi32, #tpu.memory_space<vmem>> -> memref<80xi32, #tpu.memory_space<vmem>>
    %dma_wait3A_122 = arith.constant 0 : i32
    %dma_wait3A_123 = arith.constant 0 : i32
    %dma_wait3A_124 = tpu.memref_slice %arg17[%dma_wait3A_122, %dma_wait3A_123] : memref<10240x160xbf16, #tpu.memory_space<vmem_shared>> -> memref<10240x160xbf16, #tpu.memory_space<vmem_shared>>
    tpu.wait_indirect_dma semaphore(%arg26 : memref<!tpu.dma_semaphore, #tpu.memory_space<semaphore_mem>>) src(%arg9 : memref<80x160xbf16, #tpu.memory_space<vmem>>) dst(%dma_wait3A_124 : memref<10240x160xbf16, #tpu.memory_space<vmem_shared>>)
    %dma_start3A_125 = arith.constant 120 : i32
    %dma_start3A_126 = arith.constant 0 : i32
    %dma_start3A_127 = tpu.memref_slice %arg7[%dma_start3A_125, %dma_start3A_126] : memref<125x80xi32, #tpu.memory_space<vmem>> -> memref<1x80xi32, #tpu.memory_space<vmem>>
    %dma_start3A_128 = tpu.memref_squeeze %dma_start3A_127 : memref<1x80xi32, #tpu.memory_space<vmem>> -> memref<80xi32, #tpu.memory_space<vmem>>
    %dma_start3A_129 = arith.constant 0 : i32
    %dma_start3A_130 = arith.constant 0 : i32
    %dma_start3A_131 = tpu.memref_slice %arg2[%dma_start3A_129, %dma_start3A_130] : memref<10000x160xbf16, #tpu.memory_space<hbm>> -> memref<10000x160xbf16, #tpu.memory_space<hbm>>
    tpu.enqueue_indirect_dma source(%dma_start3A_131 : memref<10000x160xbf16, #tpu.memory_space<hbm>>) target(%arg9 : memref<80x160xbf16, #tpu.memory_space<vmem>>) offsets(%dma_start3A_128 : memref<80xi32, #tpu.memory_space<vmem>>) semaphore(%arg18 : memref<!tpu.dma_semaphore, #tpu.memory_space<semaphore_mem>>)
    %dma_wait3A_132 = arith.constant 0 : i32
    %dma_wait3A_133 = arith.constant 0 : i32
    %dma_wait3A_134 = tpu.memref_slice %arg7[%dma_wait3A_132, %dma_wait3A_133] : memref<125x80xi32, #tpu.memory_space<vmem>> -> memref<1x80xi32, #tpu.memory_space<vmem>>
    %dma_wait3A_135 = tpu.memref_squeeze %dma_wait3A_134 : memref<1x80xi32, #tpu.memory_space<vmem>> -> memref<80xi32, #tpu.memory_space<vmem>>
    %dma_wait3A_136 = arith.constant 0 : i32
    %dma_wait3A_137 = arith.constant 0 : i32
    %dma_wait3A_138 = tpu.memref_slice %arg2[%dma_wait3A_136, %dma_wait3A_137] : memref<10000x160xbf16, #tpu.memory_space<hbm>> -> memref<10000x160xbf16, #tpu.memory_space<hbm>>
    tpu.wait_indirect_dma semaphore(%arg22 : memref<!tpu.dma_semaphore, #tpu.memory_space<semaphore_mem>>) src(%dma_wait3A_138 : memref<10000x160xbf16, #tpu.memory_space<hbm>>) dst(%arg13 : memref<80x160xbf16, #tpu.memory_space<vmem>>)
    %dma_start3A_139 = arith.constant 116 : i32
    %dma_start3A_140 = arith.constant 0 : i32
    %dma_start3A_141 = tpu.memref_slice %arg8[%dma_start3A_139, %dma_start3A_140] : memref<125x80xi32, #tpu.memory_space<vmem>> -> memref<1x80xi32, #tpu.memory_space<vmem>>
    %dma_start3A_142 = tpu.memref_squeeze %dma_start3A_141 : memref<1x80xi32, #tpu.memory_space<vmem>> -> memref<80xi32, #tpu.memory_space<vmem>>
    %dma_start3A_143 = arith.constant 0 : i32
    %dma_start3A_144 = arith.constant 0 : i32
    %dma_start3A_145 = tpu.memref_slice %arg17[%dma_start3A_143, %dma_start3A_144] : memref<10240x160xbf16, #tpu.memory_space<vmem_shared>> -> memref<10240x160xbf16, #tpu.memory_space<vmem_shared>>
    tpu.enqueue_indirect_dma source(%arg13 : memref<80x160xbf16, #tpu.memory_space<vmem>>) target(%dma_start3A_145 : memref<10240x160xbf16, #tpu.memory_space<vmem_shared>>) offsets(%dma_start3A_142 : memref<80xi32, #tpu.memory_space<vmem>>) semaphore(%arg30 : memref<!tpu.dma_semaphore, #tpu.memory_space<semaphore_mem>>) {add = true}
    %dma_wait3A_146 = arith.constant 0 : i32
    %dma_wait3A_147 = arith.constant 0 : i32
    %dma_wait3A_148 = tpu.memref_slice %arg8[%dma_wait3A_146, %dma_wait3A_147] : memref<125x80xi32, #tpu.memory_space<vmem>> -> memref<1x80xi32, #tpu.memory_space<vmem>>
    %dma_wait3A_149 = tpu.memref_squeeze %dma_wait3A_148 : memref<1x80xi32, #tpu.memory_space<vmem>> -> memref<80xi32, #tpu.memory_space<vmem>>
    %dma_wait3A_150 = arith.constant 0 : i32
    %dma_wait3A_151 = arith.constant 0 : i32
    %dma_wait3A_152 = tpu.memref_slice %arg17[%dma_wait3A_150, %dma_wait3A_151] : memref<10240x160xbf16, #tpu.memory_space<vmem_shared>> -> memref<10240x160xbf16, #tpu.memory_space<vmem_shared>>
    tpu.wait_indirect_dma semaphore(%arg27 : memref<!tpu.dma_semaphore, #tpu.memory_space<semaphore_mem>>) src(%arg10 : memref<80x160xbf16, #tpu.memory_space<vmem>>) dst(%dma_wait3A_152 : memref<10240x160xbf16, #tpu.memory_space<vmem_shared>>)
    %dma_start3A_153 = arith.constant 121 : i32
    %dma_start3A_154 = arith.constant 0 : i32
    %dma_start3A_155 = tpu.memref_slice %arg7[%dma_start3A_153, %dma_start3A_154] : memref<125x80xi32, #tpu.memory_space<vmem>> -> memref<1x80xi32, #tpu.memory_space<vmem>>
    %dma_start3A_156 = tpu.memref_squeeze %dma_start3A_155 : memref<1x80xi32, #tpu.memory_space<vmem>> -> memref<80xi32, #tpu.memory_space<vmem>>
    %dma_start3A_157 = arith.constant 0 : i32
    %dma_start3A_158 = arith.constant 0 : i32
    %dma_start3A_159 = tpu.memref_slice %arg2[%dma_start3A_157, %dma_start3A_158] : memref<10000x160xbf16, #tpu.memory_space<hbm>> -> memref<10000x160xbf16, #tpu.memory_space<hbm>>
    tpu.enqueue_indirect_dma source(%dma_start3A_159 : memref<10000x160xbf16, #tpu.memory_space<hbm>>) target(%arg10 : memref<80x160xbf16, #tpu.memory_space<vmem>>) offsets(%dma_start3A_156 : memref<80xi32, #tpu.memory_space<vmem>>) semaphore(%arg19 : memref<!tpu.dma_semaphore, #tpu.memory_space<semaphore_mem>>)
    %dma_wait3A_160 = arith.constant 0 : i32
    %dma_wait3A_161 = arith.constant 0 : i32
    %dma_wait3A_162 = tpu.memref_slice %arg7[%dma_wait3A_160, %dma_wait3A_161] : memref<125x80xi32, #tpu.memory_space<vmem>> -> memref<1x80xi32, #tpu.memory_space<vmem>>
    %dma_wait3A_163 = tpu.memref_squeeze %dma_wait3A_162 : memref<1x80xi32, #tpu.memory_space<vmem>> -> memref<80xi32, #tpu.memory_space<vmem>>
    %dma_wait3A_164 = arith.constant 0 : i32
    %dma_wait3A_165 = arith.constant 0 : i32
    %dma_wait3A_166 = tpu.memref_slice %arg2[%dma_wait3A_164, %dma_wait3A_165] : memref<10000x160xbf16, #tpu.memory_space<hbm>> -> memref<10000x160xbf16, #tpu.memory_space<hbm>>
    tpu.wait_indirect_dma semaphore(%arg23 : memref<!tpu.dma_semaphore, #tpu.memory_space<semaphore_mem>>) src(%dma_wait3A_166 : memref<10000x160xbf16, #tpu.memory_space<hbm>>) dst(%arg14 : memref<80x160xbf16, #tpu.memory_space<vmem>>)
    %dma_start3A_167 = arith.constant 117 : i32
    %dma_start3A_168 = arith.constant 0 : i32
    %dma_start3A_169 = tpu.memref_slice %arg8[%dma_start3A_167, %dma_start3A_168] : memref<125x80xi32, #tpu.memory_space<vmem>> -> memref<1x80xi32, #tpu.memory_space<vmem>>
    %dma_start3A_170 = tpu.memref_squeeze %dma_start3A_169 : memref<1x80xi32, #tpu.memory_space<vmem>> -> memref<80xi32, #tpu.memory_space<vmem>>
    %dma_start3A_171 = arith.constant 0 : i32
    %dma_start3A_172 = arith.constant 0 : i32
    %dma_start3A_173 = tpu.memref_slice %arg17[%dma_start3A_171, %dma_start3A_172] : memref<10240x160xbf16, #tpu.memory_space<vmem_shared>> -> memref<10240x160xbf16, #tpu.memory_space<vmem_shared>>
    tpu.enqueue_indirect_dma source(%arg14 : memref<80x160xbf16, #tpu.memory_space<vmem>>) target(%dma_start3A_173 : memref<10240x160xbf16, #tpu.memory_space<vmem_shared>>) offsets(%dma_start3A_170 : memref<80xi32, #tpu.memory_space<vmem>>) semaphore(%arg31 : memref<!tpu.dma_semaphore, #tpu.memory_space<semaphore_mem>>) {add = true}
    %dma_wait3A_174 = arith.constant 0 : i32
    %dma_wait3A_175 = arith.constant 0 : i32
    %dma_wait3A_176 = tpu.memref_slice %arg8[%dma_wait3A_174, %dma_wait3A_175] : memref<125x80xi32, #tpu.memory_space<vmem>> -> memref<1x80xi32, #tpu.memory_space<vmem>>
    %dma_wait3A_177 = tpu.memref_squeeze %dma_wait3A_176 : memref<1x80xi32, #tpu.memory_space<vmem>> -> memref<80xi32, #tpu.memory_space<vmem>>
    %dma_wait3A_178 = arith.constant 0 : i32
    %dma_wait3A_179 = arith.constant 0 : i32
    %dma_wait3A_180 = tpu.memref_slice %arg17[%dma_wait3A_178, %dma_wait3A_179] : memref<10240x160xbf16, #tpu.memory_space<vmem_shared>> -> memref<10240x160xbf16, #tpu.memory_space<vmem_shared>>
    tpu.wait_indirect_dma semaphore(%arg28 : memref<!tpu.dma_semaphore, #tpu.memory_space<semaphore_mem>>) src(%arg11 : memref<80x160xbf16, #tpu.memory_space<vmem>>) dst(%dma_wait3A_180 : memref<10240x160xbf16, #tpu.memory_space<vmem_shared>>)
    %dma_start3A_181 = arith.constant 122 : i32
    %dma_start3A_182 = arith.constant 0 : i32
    %dma_start3A_183 = tpu.memref_slice %arg7[%dma_start3A_181, %dma_start3A_182] : memref<125x80xi32, #tpu.memory_space<vmem>> -> memref<1x80xi32, #tpu.memory_space<vmem>>
    %dma_start3A_184 = tpu.memref_squeeze %dma_start3A_183 : memref<1x80xi32, #tpu.memory_space<vmem>> -> memref<80xi32, #tpu.memory_space<vmem>>
    %dma_start3A_185 = arith.constant 0 : i32
    %dma_start3A_186 = arith.constant 0 : i32
    %dma_start3A_187 = tpu.memref_slice %arg2[%dma_start3A_185, %dma_start3A_186] : memref<10000x160xbf16, #tpu.memory_space<hbm>> -> memref<10000x160xbf16, #tpu.memory_space<hbm>>
    tpu.enqueue_indirect_dma source(%dma_start3A_187 : memref<10000x160xbf16, #tpu.memory_space<hbm>>) target(%arg11 : memref<80x160xbf16, #tpu.memory_space<vmem>>) offsets(%dma_start3A_184 : memref<80xi32, #tpu.memory_space<vmem>>) semaphore(%arg20 : memref<!tpu.dma_semaphore, #tpu.memory_space<semaphore_mem>>)
    %dma_wait3A_188 = arith.constant 0 : i32
    %dma_wait3A_189 = arith.constant 0 : i32
    %dma_wait3A_190 = tpu.memref_slice %arg7[%dma_wait3A_188, %dma_wait3A_189] : memref<125x80xi32, #tpu.memory_space<vmem>> -> memref<1x80xi32, #tpu.memory_space<vmem>>
    %dma_wait3A_191 = tpu.memref_squeeze %dma_wait3A_190 : memref<1x80xi32, #tpu.memory_space<vmem>> -> memref<80xi32, #tpu.memory_space<vmem>>
    %dma_wait3A_192 = arith.constant 0 : i32
    %dma_wait3A_193 = arith.constant 0 : i32
    %dma_wait3A_194 = tpu.memref_slice %arg2[%dma_wait3A_192, %dma_wait3A_193] : memref<10000x160xbf16, #tpu.memory_space<hbm>> -> memref<10000x160xbf16, #tpu.memory_space<hbm>>
    tpu.wait_indirect_dma semaphore(%arg24 : memref<!tpu.dma_semaphore, #tpu.memory_space<semaphore_mem>>) src(%dma_wait3A_194 : memref<10000x160xbf16, #tpu.memory_space<hbm>>) dst(%arg15 : memref<80x160xbf16, #tpu.memory_space<vmem>>)
    %dma_start3A_195 = arith.constant 118 : i32
    %dma_start3A_196 = arith.constant 0 : i32
    %dma_start3A_197 = tpu.memref_slice %arg8[%dma_start3A_195, %dma_start3A_196] : memref<125x80xi32, #tpu.memory_space<vmem>> -> memref<1x80xi32, #tpu.memory_space<vmem>>
    %dma_start3A_198 = tpu.memref_squeeze %dma_start3A_197 : memref<1x80xi32, #tpu.memory_space<vmem>> -> memref<80xi32, #tpu.memory_space<vmem>>
    %dma_start3A_199 = arith.constant 0 : i32
    %dma_start3A_200 = arith.constant 0 : i32
    %dma_start3A_201 = tpu.memref_slice %arg17[%dma_start3A_199, %dma_start3A_200] : memref<10240x160xbf16, #tpu.memory_space<vmem_shared>> -> memref<10240x160xbf16, #tpu.memory_space<vmem_shared>>
    tpu.enqueue_indirect_dma source(%arg15 : memref<80x160xbf16, #tpu.memory_space<vmem>>) target(%dma_start3A_201 : memref<10240x160xbf16, #tpu.memory_space<vmem_shared>>) offsets(%dma_start3A_198 : memref<80xi32, #tpu.memory_space<vmem>>) semaphore(%arg32 : memref<!tpu.dma_semaphore, #tpu.memory_space<semaphore_mem>>) {add = true}
    %dma_wait3A_202 = arith.constant 0 : i32
    %dma_wait3A_203 = arith.constant 0 : i32
    %dma_wait3A_204 = tpu.memref_slice %arg8[%dma_wait3A_202, %dma_wait3A_203] : memref<125x80xi32, #tpu.memory_space<vmem>> -> memref<1x80xi32, #tpu.memory_space<vmem>>
    %dma_wait3A_205 = tpu.memref_squeeze %dma_wait3A_204 : memref<1x80xi32, #tpu.memory_space<vmem>> -> memref<80xi32, #tpu.memory_space<vmem>>
    %dma_wait3A_206 = arith.constant 0 : i32
    %dma_wait3A_207 = arith.constant 0 : i32
    %dma_wait3A_208 = tpu.memref_slice %arg17[%dma_wait3A_206, %dma_wait3A_207] : memref<10240x160xbf16, #tpu.memory_space<vmem_shared>> -> memref<10240x160xbf16, #tpu.memory_space<vmem_shared>>
    tpu.wait_indirect_dma semaphore(%arg29 : memref<!tpu.dma_semaphore, #tpu.memory_space<semaphore_mem>>) src(%arg12 : memref<80x160xbf16, #tpu.memory_space<vmem>>) dst(%dma_wait3A_208 : memref<10240x160xbf16, #tpu.memory_space<vmem_shared>>)
    %dma_start3A_209 = arith.constant 123 : i32
    %dma_start3A_210 = arith.constant 0 : i32
    %dma_start3A_211 = tpu.memref_slice %arg7[%dma_start3A_209, %dma_start3A_210] : memref<125x80xi32, #tpu.memory_space<vmem>> -> memref<1x80xi32, #tpu.memory_space<vmem>>
    %dma_start3A_212 = tpu.memref_squeeze %dma_start3A_211 : memref<1x80xi32, #tpu.memory_space<vmem>> -> memref<80xi32, #tpu.memory_space<vmem>>
    %dma_start3A_213 = arith.constant 0 : i32
    %dma_start3A_214 = arith.constant 0 : i32
    %dma_start3A_215 = tpu.memref_slice %arg2[%dma_start3A_213, %dma_start3A_214] : memref<10000x160xbf16, #tpu.memory_space<hbm>> -> memref<10000x160xbf16, #tpu.memory_space<hbm>>
    tpu.enqueue_indirect_dma source(%dma_start3A_215 : memref<10000x160xbf16, #tpu.memory_space<hbm>>) target(%arg12 : memref<80x160xbf16, #tpu.memory_space<vmem>>) offsets(%dma_start3A_212 : memref<80xi32, #tpu.memory_space<vmem>>) semaphore(%arg21 : memref<!tpu.dma_semaphore, #tpu.memory_space<semaphore_mem>>)
    %dma_wait3A_216 = arith.constant 0 : i32
    %dma_wait3A_217 = arith.constant 0 : i32
    %dma_wait3A_218 = tpu.memref_slice %arg7[%dma_wait3A_216, %dma_wait3A_217] : memref<125x80xi32, #tpu.memory_space<vmem>> -> memref<1x80xi32, #tpu.memory_space<vmem>>
    %dma_wait3A_219 = tpu.memref_squeeze %dma_wait3A_218 : memref<1x80xi32, #tpu.memory_space<vmem>> -> memref<80xi32, #tpu.memory_space<vmem>>
    %dma_wait3A_220 = arith.constant 0 : i32
    %dma_wait3A_221 = arith.constant 0 : i32
    %dma_wait3A_222 = tpu.memref_slice %arg2[%dma_wait3A_220, %dma_wait3A_221] : memref<10000x160xbf16, #tpu.memory_space<hbm>> -> memref<10000x160xbf16, #tpu.memory_space<hbm>>
    tpu.wait_indirect_dma semaphore(%arg25 : memref<!tpu.dma_semaphore, #tpu.memory_space<semaphore_mem>>) src(%dma_wait3A_222 : memref<10000x160xbf16, #tpu.memory_space<hbm>>) dst(%arg16 : memref<80x160xbf16, #tpu.memory_space<vmem>>)
    %dma_start3A_223 = arith.constant 119 : i32
    %dma_start3A_224 = arith.constant 0 : i32
    %dma_start3A_225 = tpu.memref_slice %arg8[%dma_start3A_223, %dma_start3A_224] : memref<125x80xi32, #tpu.memory_space<vmem>> -> memref<1x80xi32, #tpu.memory_space<vmem>>
    %dma_start3A_226 = tpu.memref_squeeze %dma_start3A_225 : memref<1x80xi32, #tpu.memory_space<vmem>> -> memref<80xi32, #tpu.memory_space<vmem>>
    %dma_start3A_227 = arith.constant 0 : i32
    %dma_start3A_228 = arith.constant 0 : i32
    %dma_start3A_229 = tpu.memref_slice %arg17[%dma_start3A_227, %dma_start3A_228] : memref<10240x160xbf16, #tpu.memory_space<vmem_shared>> -> memref<10240x160xbf16, #tpu.memory_space<vmem_shared>>
    tpu.enqueue_indirect_dma source(%arg16 : memref<80x160xbf16, #tpu.memory_space<vmem>>) target(%dma_start3A_229 : memref<10240x160xbf16, #tpu.memory_space<vmem_shared>>) offsets(%dma_start3A_226 : memref<80xi32, #tpu.memory_space<vmem>>) semaphore(%arg33 : memref<!tpu.dma_semaphore, #tpu.memory_space<semaphore_mem>>) {add = true}
    %dma_wait3A_230 = arith.constant 0 : i32
    %dma_wait3A_231 = arith.constant 0 : i32
    %dma_wait3A_232 = tpu.memref_slice %arg8[%dma_wait3A_230, %dma_wait3A_231] : memref<125x80xi32, #tpu.memory_space<vmem>> -> memref<1x80xi32, #tpu.memory_space<vmem>>
    %dma_wait3A_233 = tpu.memref_squeeze %dma_wait3A_232 : memref<1x80xi32, #tpu.memory_space<vmem>> -> memref<80xi32, #tpu.memory_space<vmem>>
    %dma_wait3A_234 = arith.constant 0 : i32
    %dma_wait3A_235 = arith.constant 0 : i32
    %dma_wait3A_236 = tpu.memref_slice %arg17[%dma_wait3A_234, %dma_wait3A_235] : memref<10240x160xbf16, #tpu.memory_space<vmem_shared>> -> memref<10240x160xbf16, #tpu.memory_space<vmem_shared>>
    tpu.wait_indirect_dma semaphore(%arg30 : memref<!tpu.dma_semaphore, #tpu.memory_space<semaphore_mem>>) src(%arg13 : memref<80x160xbf16, #tpu.memory_space<vmem>>) dst(%dma_wait3A_236 : memref<10240x160xbf16, #tpu.memory_space<vmem_shared>>)
    %dma_start3A_237 = arith.constant 124 : i32
    %dma_start3A_238 = arith.constant 0 : i32
    %dma_start3A_239 = tpu.memref_slice %arg7[%dma_start3A_237, %dma_start3A_238] : memref<125x80xi32, #tpu.memory_space<vmem>> -> memref<1x80xi32, #tpu.memory_space<vmem>>
    %dma_start3A_240 = tpu.memref_squeeze %dma_start3A_239 : memref<1x80xi32, #tpu.memory_space<vmem>> -> memref<80xi32, #tpu.memory_space<vmem>>
    %dma_start3A_241 = arith.constant 0 : i32
    %dma_start3A_242 = arith.constant 0 : i32
    %dma_start3A_243 = tpu.memref_slice %arg2[%dma_start3A_241, %dma_start3A_242] : memref<10000x160xbf16, #tpu.memory_space<hbm>> -> memref<10000x160xbf16, #tpu.memory_space<hbm>>
    tpu.enqueue_indirect_dma source(%dma_start3A_243 : memref<10000x160xbf16, #tpu.memory_space<hbm>>) target(%arg13 : memref<80x160xbf16, #tpu.memory_space<vmem>>) offsets(%dma_start3A_240 : memref<80xi32, #tpu.memory_space<vmem>>) semaphore(%arg22 : memref<!tpu.dma_semaphore, #tpu.memory_space<semaphore_mem>>)
    %dma_wait3A_244 = arith.constant 0 : i32
    %dma_wait3A_245 = arith.constant 0 : i32
    %dma_wait3A_246 = tpu.memref_slice %arg7[%dma_wait3A_244, %dma_wait3A_245] : memref<125x80xi32, #tpu.memory_space<vmem>> -> memref<1x80xi32, #tpu.memory_space<vmem>>
    %dma_wait3A_247 = tpu.memref_squeeze %dma_wait3A_246 : memref<1x80xi32, #tpu.memory_space<vmem>> -> memref<80xi32, #tpu.memory_space<vmem>>
    %dma_wait3A_248 = arith.constant 0 : i32
    %dma_wait3A_249 = arith.constant 0 : i32
    %dma_wait3A_250 = tpu.memref_slice %arg2[%dma_wait3A_248, %dma_wait3A_249] : memref<10000x160xbf16, #tpu.memory_space<hbm>> -> memref<10000x160xbf16, #tpu.memory_space<hbm>>
    tpu.wait_indirect_dma semaphore(%arg18 : memref<!tpu.dma_semaphore, #tpu.memory_space<semaphore_mem>>) src(%dma_wait3A_250 : memref<10000x160xbf16, #tpu.memory_space<hbm>>) dst(%arg9 : memref<80x160xbf16, #tpu.memory_space<vmem>>)
    %dma_start3A_251 = arith.constant 120 : i32
    %dma_start3A_252 = arith.constant 0 : i32
    %dma_start3A_253 = tpu.memref_slice %arg8[%dma_start3A_251, %dma_start3A_252] : memref<125x80xi32, #tpu.memory_space<vmem>> -> memref<1x80xi32, #tpu.memory_space<vmem>>
    %dma_start3A_254 = tpu.memref_squeeze %dma_start3A_253 : memref<1x80xi32, #tpu.memory_space<vmem>> -> memref<80xi32, #tpu.memory_space<vmem>>
    %dma_start3A_255 = arith.constant 0 : i32
    %dma_start3A_256 = arith.constant 0 : i32
    %dma_start3A_257 = tpu.memref_slice %arg17[%dma_start3A_255, %dma_start3A_256] : memref<10240x160xbf16, #tpu.memory_space<vmem_shared>> -> memref<10240x160xbf16, #tpu.memory_space<vmem_shared>>
    tpu.enqueue_indirect_dma source(%arg9 : memref<80x160xbf16, #tpu.memory_space<vmem>>) target(%dma_start3A_257 : memref<10240x160xbf16, #tpu.memory_space<vmem_shared>>) offsets(%dma_start3A_254 : memref<80xi32, #tpu.memory_space<vmem>>) semaphore(%arg26 : memref<!tpu.dma_semaphore, #tpu.memory_space<semaphore_mem>>) {add = true}
    %dma_wait3A_258 = arith.constant 0 : i32
    %dma_wait3A_259 = arith.constant 0 : i32
    %dma_wait3A_260 = tpu.memref_slice %arg7[%dma_wait3A_258, %dma_wait3A_259] : memref<125x80xi32, #tpu.memory_space<vmem>> -> memref<1x80xi32, #tpu.memory_space<vmem>>
    %dma_wait3A_261 = tpu.memref_squeeze %dma_wait3A_260 : memref<1x80xi32, #tpu.memory_space<vmem>> -> memref<80xi32, #tpu.memory_space<vmem>>
    %dma_wait3A_262 = arith.constant 0 : i32
    %dma_wait3A_263 = arith.constant 0 : i32
    %dma_wait3A_264 = tpu.memref_slice %arg2[%dma_wait3A_262, %dma_wait3A_263] : memref<10000x160xbf16, #tpu.memory_space<hbm>> -> memref<10000x160xbf16, #tpu.memory_space<hbm>>
    tpu.wait_indirect_dma semaphore(%arg19 : memref<!tpu.dma_semaphore, #tpu.memory_space<semaphore_mem>>) src(%dma_wait3A_264 : memref<10000x160xbf16, #tpu.memory_space<hbm>>) dst(%arg10 : memref<80x160xbf16, #tpu.memory_space<vmem>>)
    %dma_start3A_265 = arith.constant 121 : i32
    %dma_start3A_266 = arith.constant 0 : i32
    %dma_start3A_267 = tpu.memref_slice %arg8[%dma_start3A_265, %dma_start3A_266] : memref<125x80xi32, #tpu.memory_space<vmem>> -> memref<1x80xi32, #tpu.memory_space<vmem>>
    %dma_start3A_268 = tpu.memref_squeeze %dma_start3A_267 : memref<1x80xi32, #tpu.memory_space<vmem>> -> memref<80xi32, #tpu.memory_space<vmem>>
    %dma_start3A_269 = arith.constant 0 : i32
    %dma_start3A_270 = arith.constant 0 : i32
    %dma_start3A_271 = tpu.memref_slice %arg17[%dma_start3A_269, %dma_start3A_270] : memref<10240x160xbf16, #tpu.memory_space<vmem_shared>> -> memref<10240x160xbf16, #tpu.memory_space<vmem_shared>>
    tpu.enqueue_indirect_dma source(%arg10 : memref<80x160xbf16, #tpu.memory_space<vmem>>) target(%dma_start3A_271 : memref<10240x160xbf16, #tpu.memory_space<vmem_shared>>) offsets(%dma_start3A_268 : memref<80xi32, #tpu.memory_space<vmem>>) semaphore(%arg27 : memref<!tpu.dma_semaphore, #tpu.memory_space<semaphore_mem>>) {add = true}
    %dma_wait3A_272 = arith.constant 0 : i32
    %dma_wait3A_273 = arith.constant 0 : i32
    %dma_wait3A_274 = tpu.memref_slice %arg7[%dma_wait3A_272, %dma_wait3A_273] : memref<125x80xi32, #tpu.memory_space<vmem>> -> memref<1x80xi32, #tpu.memory_space<vmem>>
    %dma_wait3A_275 = tpu.memref_squeeze %dma_wait3A_274 : memref<1x80xi32, #tpu.memory_space<vmem>> -> memref<80xi32, #tpu.memory_space<vmem>>
    %dma_wait3A_276 = arith.constant 0 : i32
    %dma_wait3A_277 = arith.constant 0 : i32
    %dma_wait3A_278 = tpu.memref_slice %arg2[%dma_wait3A_276, %dma_wait3A_277] : memref<10000x160xbf16, #tpu.memory_space<hbm>> -> memref<10000x160xbf16, #tpu.memory_space<hbm>>
    tpu.wait_indirect_dma semaphore(%arg20 : memref<!tpu.dma_semaphore, #tpu.memory_space<semaphore_mem>>) src(%dma_wait3A_278 : memref<10000x160xbf16, #tpu.memory_space<hbm>>) dst(%arg11 : memref<80x160xbf16, #tpu.memory_space<vmem>>)
    %dma_start3A_279 = arith.constant 122 : i32
    %dma_start3A_280 = arith.constant 0 : i32
    %dma_start3A_281 = tpu.memref_slice %arg8[%dma_start3A_279, %dma_start3A_280] : memref<125x80xi32, #tpu.memory_space<vmem>> -> memref<1x80xi32, #tpu.memory_space<vmem>>
    %dma_start3A_282 = tpu.memref_squeeze %dma_start3A_281 : memref<1x80xi32, #tpu.memory_space<vmem>> -> memref<80xi32, #tpu.memory_space<vmem>>
    %dma_start3A_283 = arith.constant 0 : i32
    %dma_start3A_284 = arith.constant 0 : i32
    %dma_start3A_285 = tpu.memref_slice %arg17[%dma_start3A_283, %dma_start3A_284] : memref<10240x160xbf16, #tpu.memory_space<vmem_shared>> -> memref<10240x160xbf16, #tpu.memory_space<vmem_shared>>
    tpu.enqueue_indirect_dma source(%arg11 : memref<80x160xbf16, #tpu.memory_space<vmem>>) target(%dma_start3A_285 : memref<10240x160xbf16, #tpu.memory_space<vmem_shared>>) offsets(%dma_start3A_282 : memref<80xi32, #tpu.memory_space<vmem>>) semaphore(%arg28 : memref<!tpu.dma_semaphore, #tpu.memory_space<semaphore_mem>>) {add = true}
    %dma_wait3A_286 = arith.constant 0 : i32
    %dma_wait3A_287 = arith.constant 0 : i32
    %dma_wait3A_288 = tpu.memref_slice %arg7[%dma_wait3A_286, %dma_wait3A_287] : memref<125x80xi32, #tpu.memory_space<vmem>> -> memref<1x80xi32, #tpu.memory_space<vmem>>
    %dma_wait3A_289 = tpu.memref_squeeze %dma_wait3A_288 : memref<1x80xi32, #tpu.memory_space<vmem>> -> memref<80xi32, #tpu.memory_space<vmem>>
    %dma_wait3A_290 = arith.constant 0 : i32
    %dma_wait3A_291 = arith.constant 0 : i32
    %dma_wait3A_292 = tpu.memref_slice %arg2[%dma_wait3A_290, %dma_wait3A_291] : memref<10000x160xbf16, #tpu.memory_space<hbm>> -> memref<10000x160xbf16, #tpu.memory_space<hbm>>
    tpu.wait_indirect_dma semaphore(%arg21 : memref<!tpu.dma_semaphore, #tpu.memory_space<semaphore_mem>>) src(%dma_wait3A_292 : memref<10000x160xbf16, #tpu.memory_space<hbm>>) dst(%arg12 : memref<80x160xbf16, #tpu.memory_space<vmem>>)
    %dma_start3A_293 = arith.constant 123 : i32
    %dma_start3A_294 = arith.constant 0 : i32
    %dma_start3A_295 = tpu.memref_slice %arg8[%dma_start3A_293, %dma_start3A_294] : memref<125x80xi32, #tpu.memory_space<vmem>> -> memref<1x80xi32, #tpu.memory_space<vmem>>
    %dma_start3A_296 = tpu.memref_squeeze %dma_start3A_295 : memref<1x80xi32, #tpu.memory_space<vmem>> -> memref<80xi32, #tpu.memory_space<vmem>>
    %dma_start3A_297 = arith.constant 0 : i32
    %dma_start3A_298 = arith.constant 0 : i32
    %dma_start3A_299 = tpu.memref_slice %arg17[%dma_start3A_297, %dma_start3A_298] : memref<10240x160xbf16, #tpu.memory_space<vmem_shared>> -> memref<10240x160xbf16, #tpu.memory_space<vmem_shared>>
    tpu.enqueue_indirect_dma source(%arg12 : memref<80x160xbf16, #tpu.memory_space<vmem>>) target(%dma_start3A_299 : memref<10240x160xbf16, #tpu.memory_space<vmem_shared>>) offsets(%dma_start3A_296 : memref<80xi32, #tpu.memory_space<vmem>>) semaphore(%arg29 : memref<!tpu.dma_semaphore, #tpu.memory_space<semaphore_mem>>) {add = true}
    %dma_wait3A_300 = arith.constant 0 : i32
    %dma_wait3A_301 = arith.constant 0 : i32
    %dma_wait3A_302 = tpu.memref_slice %arg7[%dma_wait3A_300, %dma_wait3A_301] : memref<125x80xi32, #tpu.memory_space<vmem>> -> memref<1x80xi32, #tpu.memory_space<vmem>>
    %dma_wait3A_303 = tpu.memref_squeeze %dma_wait3A_302 : memref<1x80xi32, #tpu.memory_space<vmem>> -> memref<80xi32, #tpu.memory_space<vmem>>
    %dma_wait3A_304 = arith.constant 0 : i32
    %dma_wait3A_305 = arith.constant 0 : i32
    %dma_wait3A_306 = tpu.memref_slice %arg2[%dma_wait3A_304, %dma_wait3A_305] : memref<10000x160xbf16, #tpu.memory_space<hbm>> -> memref<10000x160xbf16, #tpu.memory_space<hbm>>
    tpu.wait_indirect_dma semaphore(%arg22 : memref<!tpu.dma_semaphore, #tpu.memory_space<semaphore_mem>>) src(%dma_wait3A_306 : memref<10000x160xbf16, #tpu.memory_space<hbm>>) dst(%arg13 : memref<80x160xbf16, #tpu.memory_space<vmem>>)
    %dma_start3A_307 = arith.constant 124 : i32
    %dma_start3A_308 = arith.constant 0 : i32
    %dma_start3A_309 = tpu.memref_slice %arg8[%dma_start3A_307, %dma_start3A_308] : memref<125x80xi32, #tpu.memory_space<vmem>> -> memref<1x80xi32, #tpu.memory_space<vmem>>
    %dma_start3A_310 = tpu.memref_squeeze %dma_start3A_309 : memref<1x80xi32, #tpu.memory_space<vmem>> -> memref<80xi32, #tpu.memory_space<vmem>>
    %dma_start3A_311 = arith.constant 0 : i32
    %dma_start3A_312 = arith.constant 0 : i32
    %dma_start3A_313 = tpu.memref_slice %arg17[%dma_start3A_311, %dma_start3A_312] : memref<10240x160xbf16, #tpu.memory_space<vmem_shared>> -> memref<10240x160xbf16, #tpu.memory_space<vmem_shared>>
    tpu.enqueue_indirect_dma source(%arg13 : memref<80x160xbf16, #tpu.memory_space<vmem>>) target(%dma_start3A_313 : memref<10240x160xbf16, #tpu.memory_space<vmem_shared>>) offsets(%dma_start3A_310 : memref<80xi32, #tpu.memory_space<vmem>>) semaphore(%arg30 : memref<!tpu.dma_semaphore, #tpu.memory_space<semaphore_mem>>) {add = true}
    %dma_wait3A_314 = arith.constant 0 : i32
    %dma_wait3A_315 = arith.constant 0 : i32
    %dma_wait3A_316 = tpu.memref_slice %arg8[%dma_wait3A_314, %dma_wait3A_315] : memref<125x80xi32, #tpu.memory_space<vmem>> -> memref<1x80xi32, #tpu.memory_space<vmem>>
    %dma_wait3A_317 = tpu.memref_squeeze %dma_wait3A_316 : memref<1x80xi32, #tpu.memory_space<vmem>> -> memref<80xi32, #tpu.memory_space<vmem>>
    %dma_wait3A_318 = arith.constant 0 : i32
    %dma_wait3A_319 = arith.constant 0 : i32
    %dma_wait3A_320 = tpu.memref_slice %arg17[%dma_wait3A_318, %dma_wait3A_319] : memref<10240x160xbf16, #tpu.memory_space<vmem_shared>> -> memref<10240x160xbf16, #tpu.memory_space<vmem_shared>>
    tpu.wait_indirect_dma semaphore(%arg26 : memref<!tpu.dma_semaphore, #tpu.memory_space<semaphore_mem>>) src(%arg9 : memref<80x160xbf16, #tpu.memory_space<vmem>>) dst(%dma_wait3A_320 : memref<10240x160xbf16, #tpu.memory_space<vmem_shared>>)
    %dma_wait3A_321 = arith.constant 0 : i32
    %dma_wait3A_322 = arith.constant 0 : i32
    %dma_wait3A_323 = tpu.memref_slice %arg8[%dma_wait3A_321, %dma_wait3A_322] : memref<125x80xi32, #tpu.memory_space<vmem>> -> memref<1x80xi32, #tpu.memory_space<vmem>>
    %dma_wait3A_324 = tpu.memref_squeeze %dma_wait3A_323 : memref<1x80xi32, #tpu.memory_space<vmem>> -> memref<80xi32, #tpu.memory_space<vmem>>
    %dma_wait3A_325 = arith.constant 0 : i32
    %dma_wait3A_326 = arith.constant 0 : i32
    %dma_wait3A_327 = tpu.memref_slice %arg17[%dma_wait3A_325, %dma_wait3A_326] : memref<10240x160xbf16, #tpu.memory_space<vmem_shared>> -> memref<10240x160xbf16, #tpu.memory_space<vmem_shared>>
    tpu.wait_indirect_dma semaphore(%arg27 : memref<!tpu.dma_semaphore, #tpu.memory_space<semaphore_mem>>) src(%arg10 : memref<80x160xbf16, #tpu.memory_space<vmem>>) dst(%dma_wait3A_327 : memref<10240x160xbf16, #tpu.memory_space<vmem_shared>>)
    %dma_wait3A_328 = arith.constant 0 : i32
    %dma_wait3A_329 = arith.constant 0 : i32
    %dma_wait3A_330 = tpu.memref_slice %arg8[%dma_wait3A_328, %dma_wait3A_329] : memref<125x80xi32, #tpu.memory_space<vmem>> -> memref<1x80xi32, #tpu.memory_space<vmem>>
    %dma_wait3A_331 = tpu.memref_squeeze %dma_wait3A_330 : memref<1x80xi32, #tpu.memory_space<vmem>> -> memref<80xi32, #tpu.memory_space<vmem>>
    %dma_wait3A_332 = arith.constant 0 : i32
    %dma_wait3A_333 = arith.constant 0 : i32
    %dma_wait3A_334 = tpu.memref_slice %arg17[%dma_wait3A_332, %dma_wait3A_333] : memref<10240x160xbf16, #tpu.memory_space<vmem_shared>> -> memref<10240x160xbf16, #tpu.memory_space<vmem_shared>>
    tpu.wait_indirect_dma semaphore(%arg28 : memref<!tpu.dma_semaphore, #tpu.memory_space<semaphore_mem>>) src(%arg11 : memref<80x160xbf16, #tpu.memory_space<vmem>>) dst(%dma_wait3A_334 : memref<10240x160xbf16, #tpu.memory_space<vmem_shared>>)
    %dma_wait3A_335 = arith.constant 0 : i32
    %dma_wait3A_336 = arith.constant 0 : i32
    %dma_wait3A_337 = tpu.memref_slice %arg8[%dma_wait3A_335, %dma_wait3A_336] : memref<125x80xi32, #tpu.memory_space<vmem>> -> memref<1x80xi32, #tpu.memory_space<vmem>>
    %dma_wait3A_338 = tpu.memref_squeeze %dma_wait3A_337 : memref<1x80xi32, #tpu.memory_space<vmem>> -> memref<80xi32, #tpu.memory_space<vmem>>
    %dma_wait3A_339 = arith.constant 0 : i32
    %dma_wait3A_340 = arith.constant 0 : i32
    %dma_wait3A_341 = tpu.memref_slice %arg17[%dma_wait3A_339, %dma_wait3A_340] : memref<10240x160xbf16, #tpu.memory_space<vmem_shared>> -> memref<10240x160xbf16, #tpu.memory_space<vmem_shared>>
    tpu.wait_indirect_dma semaphore(%arg29 : memref<!tpu.dma_semaphore, #tpu.memory_space<semaphore_mem>>) src(%arg12 : memref<80x160xbf16, #tpu.memory_space<vmem>>) dst(%dma_wait3A_341 : memref<10240x160xbf16, #tpu.memory_space<vmem_shared>>)
    %dma_wait3A_342 = arith.constant 0 : i32
    %dma_wait3A_343 = arith.constant 0 : i32
    %dma_wait3A_344 = tpu.memref_slice %arg8[%dma_wait3A_342, %dma_wait3A_343] : memref<125x80xi32, #tpu.memory_space<vmem>> -> memref<1x80xi32, #tpu.memory_space<vmem>>
    %dma_wait3A_345 = tpu.memref_squeeze %dma_wait3A_344 : memref<1x80xi32, #tpu.memory_space<vmem>> -> memref<80xi32, #tpu.memory_space<vmem>>
    %dma_wait3A_346 = arith.constant 0 : i32
    %dma_wait3A_347 = arith.constant 0 : i32
    %dma_wait3A_348 = tpu.memref_slice %arg17[%dma_wait3A_346, %dma_wait3A_347] : memref<10240x160xbf16, #tpu.memory_space<vmem_shared>> -> memref<10240x160xbf16, #tpu.memory_space<vmem_shared>>
    tpu.wait_indirect_dma semaphore(%arg30 : memref<!tpu.dma_semaphore, #tpu.memory_space<semaphore_mem>>) src(%arg13 : memref<80x160xbf16, #tpu.memory_space<vmem>>) dst(%dma_wait3A_348 : memref<10240x160xbf16, #tpu.memory_space<vmem_shared>>)
    %dma_wait3A_349 = arith.constant 0 : i32
    %dma_wait3A_350 = arith.constant 0 : i32
    %dma_wait3A_351 = tpu.memref_slice %arg8[%dma_wait3A_349, %dma_wait3A_350] : memref<125x80xi32, #tpu.memory_space<vmem>> -> memref<1x80xi32, #tpu.memory_space<vmem>>
    %dma_wait3A_352 = tpu.memref_squeeze %dma_wait3A_351 : memref<1x80xi32, #tpu.memory_space<vmem>> -> memref<80xi32, #tpu.memory_space<vmem>>
    %dma_wait3A_353 = arith.constant 0 : i32
    %dma_wait3A_354 = arith.constant 0 : i32
    %dma_wait3A_355 = tpu.memref_slice %arg17[%dma_wait3A_353, %dma_wait3A_354] : memref<10240x160xbf16, #tpu.memory_space<vmem_shared>> -> memref<10240x160xbf16, #tpu.memory_space<vmem_shared>>
    tpu.wait_indirect_dma semaphore(%arg31 : memref<!tpu.dma_semaphore, #tpu.memory_space<semaphore_mem>>) src(%arg14 : memref<80x160xbf16, #tpu.memory_space<vmem>>) dst(%dma_wait3A_355 : memref<10240x160xbf16, #tpu.memory_space<vmem_shared>>)
    %dma_wait3A_356 = arith.constant 0 : i32
    %dma_wait3A_357 = arith.constant 0 : i32
    %dma_wait3A_358 = tpu.memref_slice %arg8[%dma_wait3A_356, %dma_wait3A_357] : memref<125x80xi32, #tpu.memory_space<vmem>> -> memref<1x80xi32, #tpu.memory_space<vmem>>
    %dma_wait3A_359 = tpu.memref_squeeze %dma_wait3A_358 : memref<1x80xi32, #tpu.memory_space<vmem>> -> memref<80xi32, #tpu.memory_space<vmem>>
    %dma_wait3A_360 = arith.constant 0 : i32
    %dma_wait3A_361 = arith.constant 0 : i32
    %dma_wait3A_362 = tpu.memref_slice %arg17[%dma_wait3A_360, %dma_wait3A_361] : memref<10240x160xbf16, #tpu.memory_space<vmem_shared>> -> memref<10240x160xbf16, #tpu.memory_space<vmem_shared>>
    tpu.wait_indirect_dma semaphore(%arg32 : memref<!tpu.dma_semaphore, #tpu.memory_space<semaphore_mem>>) src(%arg15 : memref<80x160xbf16, #tpu.memory_space<vmem>>) dst(%dma_wait3A_362 : memref<10240x160xbf16, #tpu.memory_space<vmem_shared>>)
    %dma_wait3A_363 = arith.constant 0 : i32
    %dma_wait3A_364 = arith.constant 0 : i32
    %dma_wait3A_365 = tpu.memref_slice %arg8[%dma_wait3A_363, %dma_wait3A_364] : memref<125x80xi32, #tpu.memory_space<vmem>> -> memref<1x80xi32, #tpu.memory_space<vmem>>
    %dma_wait3A_366 = tpu.memref_squeeze %dma_wait3A_365 : memref<1x80xi32, #tpu.memory_space<vmem>> -> memref<80xi32, #tpu.memory_space<vmem>>
    %dma_wait3A_367 = arith.constant 0 : i32
    %dma_wait3A_368 = arith.constant 0 : i32
    %dma_wait3A_369 = tpu.memref_slice %arg17[%dma_wait3A_367, %dma_wait3A_368] : memref<10240x160xbf16, #tpu.memory_space<vmem_shared>> -> memref<10240x160xbf16, #tpu.memory_space<vmem_shared>>
    tpu.wait_indirect_dma semaphore(%arg33 : memref<!tpu.dma_semaphore, #tpu.memory_space<semaphore_mem>>) src(%arg16 : memref<80x160xbf16, #tpu.memory_space<vmem>>) dst(%dma_wait3A_369 : memref<10240x160xbf16, #tpu.memory_space<vmem_shared>>)
    %barrier3A_370 = arith.constant 0 : index
    tpu.barrier barrier_id(%barrier3A_370)
    %mul3A_371 = arith.constant 640 : i32
    %mul3A_372 = arith.muli %arg1, %mul3A_371 : i32
    "tpu.region"() ({
      %run_scoped3A = tpu.sem_alloc : memref<!tpu.dma_semaphore, #tpu.memory_space<semaphore_mem>>
      %dma_start3A_373 = arith.constant 0 : i32
      %dma_start3A_374 = tpu.memref_slice %arg6[%arg0, %mul3A_372, %dma_start3A_373] : memref<2x10240x160xbf16, #tpu.memory_space<hbm>> -> memref<1x640x160xbf16, #tpu.memory_space<hbm>>
      %dma_start3A_375 = tpu.memref_squeeze %dma_start3A_374 : memref<1x640x160xbf16, #tpu.memory_space<hbm>> -> memref<640x160xbf16, #tpu.memory_space<hbm>>
      %dma_start3A_376 = arith.constant 0 : i32
      %dma_start3A_377 = tpu.memref_slice %arg17[%mul3A_372, %dma_start3A_376] : memref<10240x160xbf16, #tpu.memory_space<vmem_shared>> -> memref<640x160xbf16, #tpu.memory_space<vmem_shared>>
      tpu.enqueue_dma source(%dma_start3A_377 : memref<640x160xbf16, #tpu.memory_space<vmem_shared>>) target(%dma_start3A_375 : memref<640x160xbf16, #tpu.memory_space<hbm>>) target_semaphore(%run_scoped3A : memref<!tpu.dma_semaphore, #tpu.memory_space<semaphore_mem>>)
      %dma_wait3A_378 = arith.constant 0 : i32
      %dma_wait3A_379 = tpu.memref_slice %arg6[%arg0, %mul3A_372, %dma_wait3A_378] : memref<2x10240x160xbf16, #tpu.memory_space<hbm>> -> memref<1x640x160xbf16, #tpu.memory_space<hbm>>
      %dma_wait3A_380 = tpu.memref_squeeze %dma_wait3A_379 : memref<1x640x160xbf16, #tpu.memory_space<hbm>> -> memref<640x160xbf16, #tpu.memory_space<hbm>>
      %dma_wait3A_381 = arith.constant 0 : i32
      %dma_wait3A_382 = tpu.memref_slice %arg17[%mul3A_372, %dma_wait3A_381] : memref<10240x160xbf16, #tpu.memory_space<vmem_shared>> -> memref<640x160xbf16, #tpu.memory_space<vmem_shared>>
      tpu.wait_dma2 semaphore(%run_scoped3A : memref<!tpu.dma_semaphore, #tpu.memory_space<semaphore_mem>>) src(%dma_wait3A_382 : memref<640x160xbf16, #tpu.memory_space<vmem_shared>>) dst(%dma_wait3A_380 : memref<640x160xbf16, #tpu.memory_space<hbm>>)
      tpu.yield
    }) : () -> ()
    return
  }
}

#map = affine_map<(d0, d1) -> (0, 0)>
#map1 = affine_map<(d0, d1) -> (0, 0, 0)>
module attributes {stable_mosaic.version = 14 : i64} {
  func.func @sage_sc_agg(%arg0: i32, %arg1: i32, %arg2: memref<10000x160xbf16, #tpu.memory_space<hbm>>, %arg3: memref<32x125x80xi32, #tpu.memory_space<hbm>>, %arg4: memref<32x125x80xi32, #tpu.memory_space<hbm>>, %arg5: memref<640x160xbf16, #tpu.memory_space<hbm>>, %arg6: memref<2x10240x160xbf16, #tpu.memory_space<hbm>>, %arg7: memref<125x80xi32, #tpu.memory_space<vmem>>, %arg8: memref<125x80xi32, #tpu.memory_space<vmem>>, %arg9: memref<80x160xbf16, #tpu.memory_space<vmem>>, %arg10: memref<80x160xbf16, #tpu.memory_space<vmem>>, %arg11: memref<80x160xbf16, #tpu.memory_space<vmem>>, %arg12: memref<80x160xbf16, #tpu.memory_space<vmem>>, %arg13: memref<80x160xbf16, #tpu.memory_space<vmem>>, %arg14: memref<80x160xbf16, #tpu.memory_space<vmem>>, %arg15: memref<80x160xbf16, #tpu.memory_space<vmem>>, %arg16: memref<80x160xbf16, #tpu.memory_space<vmem>>, %arg17: memref<10240x160xbf16, #tpu.memory_space<vmem_shared>>, %arg18: memref<!tpu.dma_semaphore, #tpu.memory_space<semaphore_mem>>, %arg19: memref<!tpu.dma_semaphore, #tpu.memory_space<semaphore_mem>>, %arg20: memref<!tpu.dma_semaphore, #tpu.memory_space<semaphore_mem>>, %arg21: memref<!tpu.dma_semaphore, #tpu.memory_space<semaphore_mem>>, %arg22: memref<!tpu.dma_semaphore, #tpu.memory_space<semaphore_mem>>, %arg23: memref<!tpu.dma_semaphore, #tpu.memory_space<semaphore_mem>>, %arg24: memref<!tpu.dma_semaphore, #tpu.memory_space<semaphore_mem>>, %arg25: memref<!tpu.dma_semaphore, #tpu.memory_space<semaphore_mem>>, %arg26: memref<!tpu.dma_semaphore, #tpu.memory_space<semaphore_mem>>, %arg27: memref<!tpu.dma_semaphore, #tpu.memory_space<semaphore_mem>>, %arg28: memref<!tpu.dma_semaphore, #tpu.memory_space<semaphore_mem>>, %arg29: memref<!tpu.dma_semaphore, #tpu.memory_space<semaphore_mem>>, %arg30: memref<!tpu.dma_semaphore, #tpu.memory_space<semaphore_mem>>, %arg31: memref<!tpu.dma_semaphore, #tpu.memory_space<semaphore_mem>>, %arg32: memref<!tpu.dma_semaphore, #tpu.memory_space<semaphore_mem>>, %arg33: memref<!tpu.dma_semaphore, #tpu.memory_space<semaphore_mem>>) attributes {dimension_semantics = [#tpu.dimension_semantics<core_parallel>, #tpu.dimension_semantics<subcore_parallel>], iteration_bounds = array<i64: 2, 16>, scalar_prefetch = 0 : i64, scratch_operands = 27 : i64, tpu.core_type = #tpu.core_type<sc_vector_subcore>, window_params = [{transform_indices = #map}, {transform_indices = #map1}, {transform_indices = #map1}, {transform_indices = #map}, {transform_indices = #map1}]} {
    %mul3A = arith.constant 16 : i32
    %mul3A_0 = arith.muli %arg0, %mul3A : i32
    %add3A = arith.addi %mul3A_0, %arg1 : i32
    "tpu.region"() ({
      %run_scoped3A = tpu.sem_alloc : memref<!tpu.dma_semaphore, #tpu.memory_space<semaphore_mem>>
      %dma_start3A_373 = arith.constant 0 : i32
      %dma_start3A_374 = arith.constant 0 : i32
      %dma_start3A_375 = tpu.memref_slice %arg3[%add3A, %dma_start3A_373, %dma_start3A_374] : memref<32x125x80xi32, #tpu.memory_space<hbm>> -> memref<1x125x80xi32, #tpu.memory_space<hbm>>
      %dma_start3A_376 = tpu.memref_squeeze %dma_start3A_375 : memref<1x125x80xi32, #tpu.memory_space<hbm>> -> memref<125x80xi32, #tpu.memory_space<hbm>>
      %dma_start3A_377 = arith.constant 0 : i32
      %dma_start3A_378 = arith.constant 0 : i32
      %dma_start3A_379 = tpu.memref_slice %arg3[%add3A, %dma_start3A_377, %dma_start3A_378] : memref<32x125x80xi32, #tpu.memory_space<hbm>> -> memref<1x125x80xi32, #tpu.memory_space<hbm>>
      %dma_start3A_380 = tpu.memref_squeeze %dma_start3A_379 : memref<1x125x80xi32, #tpu.memory_space<hbm>> -> memref<125x80xi32, #tpu.memory_space<hbm>>
      tpu.enqueue_dma source(%dma_start3A_380 : memref<125x80xi32, #tpu.memory_space<hbm>>) target(%arg7 : memref<125x80xi32, #tpu.memory_space<vmem>>) target_semaphore(%run_scoped3A : memref<!tpu.dma_semaphore, #tpu.memory_space<semaphore_mem>>)
      %dma_wait3A_381 = arith.constant 0 : i32
      %dma_wait3A_382 = arith.constant 0 : i32
      %dma_wait3A_383 = tpu.memref_slice %arg3[%add3A, %dma_wait3A_381, %dma_wait3A_382] : memref<32x125x80xi32, #tpu.memory_space<hbm>> -> memref<1x125x80xi32, #tpu.memory_space<hbm>>
      %dma_wait3A_384 = tpu.memref_squeeze %dma_wait3A_383 : memref<1x125x80xi32, #tpu.memory_space<hbm>> -> memref<125x80xi32, #tpu.memory_space<hbm>>
      %dma_wait3A_385 = arith.constant 0 : i32
      %dma_wait3A_386 = arith.constant 0 : i32
      %dma_wait3A_387 = tpu.memref_slice %arg3[%add3A, %dma_wait3A_385, %dma_wait3A_386] : memref<32x125x80xi32, #tpu.memory_space<hbm>> -> memref<1x125x80xi32, #tpu.memory_space<hbm>>
      %dma_wait3A_388 = tpu.memref_squeeze %dma_wait3A_387 : memref<1x125x80xi32, #tpu.memory_space<hbm>> -> memref<125x80xi32, #tpu.memory_space<hbm>>
      tpu.wait_dma2 semaphore(%run_scoped3A : memref<!tpu.dma_semaphore, #tpu.memory_space<semaphore_mem>>) src(%dma_wait3A_388 : memref<125x80xi32, #tpu.memory_space<hbm>>) dst(%arg7 : memref<125x80xi32, #tpu.memory_space<vmem>>)
      tpu.yield
    }) : () -> ()
    "tpu.region"() ({
      %run_scoped3A = tpu.sem_alloc : memref<!tpu.dma_semaphore, #tpu.memory_space<semaphore_mem>>
      %dma_start3A_373 = arith.constant 0 : i32
      %dma_start3A_374 = arith.constant 0 : i32
      %dma_start3A_375 = tpu.memref_slice %arg4[%add3A, %dma_start3A_373, %dma_start3A_374] : memref<32x125x80xi32, #tpu.memory_space<hbm>> -> memref<1x125x80xi32, #tpu.memory_space<hbm>>
      %dma_start3A_376 = tpu.memref_squeeze %dma_start3A_375 : memref<1x125x80xi32, #tpu.memory_space<hbm>> -> memref<125x80xi32, #tpu.memory_space<hbm>>
      %dma_start3A_377 = arith.constant 0 : i32
      %dma_start3A_378 = arith.constant 0 : i32
      %dma_start3A_379 = tpu.memref_slice %arg4[%add3A, %dma_start3A_377, %dma_start3A_378] : memref<32x125x80xi32, #tpu.memory_space<hbm>> -> memref<1x125x80xi32, #tpu.memory_space<hbm>>
      %dma_start3A_380 = tpu.memref_squeeze %dma_start3A_379 : memref<1x125x80xi32, #tpu.memory_space<hbm>> -> memref<125x80xi32, #tpu.memory_space<hbm>>
      tpu.enqueue_dma source(%dma_start3A_380 : memref<125x80xi32, #tpu.memory_space<hbm>>) target(%arg8 : memref<125x80xi32, #tpu.memory_space<vmem>>) target_semaphore(%run_scoped3A : memref<!tpu.dma_semaphore, #tpu.memory_space<semaphore_mem>>)
      %dma_wait3A_381 = arith.constant 0 : i32
      %dma_wait3A_382 = arith.constant 0 : i32
      %dma_wait3A_383 = tpu.memref_slice %arg4[%add3A, %dma_wait3A_381, %dma_wait3A_382] : memref<32x125x80xi32, #tpu.memory_space<hbm>> -> memref<1x125x80xi32, #tpu.memory_space<hbm>>
      %dma_wait3A_384 = tpu.memref_squeeze %dma_wait3A_383 : memref<1x125x80xi32, #tpu.memory_space<hbm>> -> memref<125x80xi32, #tpu.memory_space<hbm>>
      %dma_wait3A_385 = arith.constant 0 : i32
      %dma_wait3A_386 = arith.constant 0 : i32
      %dma_wait3A_387 = tpu.memref_slice %arg4[%add3A, %dma_wait3A_385, %dma_wait3A_386] : memref<32x125x80xi32, #tpu.memory_space<hbm>> -> memref<1x125x80xi32, #tpu.memory_space<hbm>>
      %dma_wait3A_388 = tpu.memref_squeeze %dma_wait3A_387 : memref<1x125x80xi32, #tpu.memory_space<hbm>> -> memref<125x80xi32, #tpu.memory_space<hbm>>
      tpu.wait_dma2 semaphore(%run_scoped3A : memref<!tpu.dma_semaphore, #tpu.memory_space<semaphore_mem>>) src(%dma_wait3A_388 : memref<125x80xi32, #tpu.memory_space<hbm>>) dst(%arg8 : memref<125x80xi32, #tpu.memory_space<vmem>>)
      tpu.yield
    }) : () -> ()
    %mul3A_1 = arith.constant 640 : i32
    %mul3A_2 = arith.muli %arg1, %mul3A_1 : i32
    "tpu.region"() ({
      %run_scoped3A = tpu.sem_alloc : memref<!tpu.dma_semaphore, #tpu.memory_space<semaphore_mem>>
      %dma_start3A_373 = arith.constant 0 : i32
      %dma_start3A_374 = tpu.memref_slice %arg17[%mul3A_2, %dma_start3A_373] : memref<10240x160xbf16, #tpu.memory_space<vmem_shared>> -> memref<640x160xbf16, #tpu.memory_space<vmem_shared>>
      tpu.enqueue_dma source(%arg5 : memref<640x160xbf16, #tpu.memory_space<hbm>>) target(%dma_start3A_374 : memref<640x160xbf16, #tpu.memory_space<vmem_shared>>) target_semaphore(%run_scoped3A : memref<!tpu.dma_semaphore, #tpu.memory_space<semaphore_mem>>)
      %dma_wait3A_375 = arith.constant 0 : i32
      %dma_wait3A_376 = tpu.memref_slice %arg17[%mul3A_2, %dma_wait3A_375] : memref<10240x160xbf16, #tpu.memory_space<vmem_shared>> -> memref<640x160xbf16, #tpu.memory_space<vmem_shared>>
      tpu.wait_dma2 semaphore(%run_scoped3A : memref<!tpu.dma_semaphore, #tpu.memory_space<semaphore_mem>>) src(%arg5 : memref<640x160xbf16, #tpu.memory_space<hbm>>) dst(%dma_wait3A_376 : memref<640x160xbf16, #tpu.memory_space<vmem_shared>>)
      tpu.yield
    }) : () -> ()
    %barrier3A = arith.constant 0 : index
    tpu.barrier barrier_id(%barrier3A)
    %dma_start3A = arith.constant 0 : i32
    %dma_start3A_3 = arith.constant 0 : i32
    %dma_start3A_4 = tpu.memref_slice %arg7[%dma_start3A, %dma_start3A_3] : memref<125x80xi32, #tpu.memory_space<vmem>> -> memref<1x80xi32, #tpu.memory_space<vmem>>
    %dma_start3A_5 = tpu.memref_squeeze %dma_start3A_4 : memref<1x80xi32, #tpu.memory_space<vmem>> -> memref<80xi32, #tpu.memory_space<vmem>>
    %dma_start3A_6 = arith.constant 0 : i32
    %dma_start3A_7 = arith.constant 0 : i32
    %dma_start3A_8 = tpu.memref_slice %arg2[%dma_start3A_6, %dma_start3A_7] : memref<10000x160xbf16, #tpu.memory_space<hbm>> -> memref<10000x160xbf16, #tpu.memory_space<hbm>>
    tpu.enqueue_indirect_dma source(%dma_start3A_8 : memref<10000x160xbf16, #tpu.memory_space<hbm>>) target(%arg9 : memref<80x160xbf16, #tpu.memory_space<vmem>>) offsets(%dma_start3A_5 : memref<80xi32, #tpu.memory_space<vmem>>) semaphore(%arg18 : memref<!tpu.dma_semaphore, #tpu.memory_space<semaphore_mem>>)
    %dma_start3A_9 = arith.constant 1 : i32
    %dma_start3A_10 = arith.constant 0 : i32
    %dma_start3A_11 = tpu.memref_slice %arg7[%dma_start3A_9, %dma_start3A_10] : memref<125x80xi32, #tpu.memory_space<vmem>> -> memref<1x80xi32, #tpu.memory_space<vmem>>
    %dma_start3A_12 = tpu.memref_squeeze %dma_start3A_11 : memref<1x80xi32, #tpu.memory_space<vmem>> -> memref<80xi32, #tpu.memory_space<vmem>>
    %dma_start3A_13 = arith.constant 0 : i32
    %dma_start3A_14 = arith.constant 0 : i32
    %dma_start3A_15 = tpu.memref_slice %arg2[%dma_start3A_13, %dma_start3A_14] : memref<10000x160xbf16, #tpu.memory_space<hbm>> -> memref<10000x160xbf16, #tpu.memory_space<hbm>>
    tpu.enqueue_indirect_dma source(%dma_start3A_15 : memref<10000x160xbf16, #tpu.memory_space<hbm>>) target(%arg10 : memref<80x160xbf16, #tpu.memory_space<vmem>>) offsets(%dma_start3A_12 : memref<80xi32, #tpu.memory_space<vmem>>) semaphore(%arg19 : memref<!tpu.dma_semaphore, #tpu.memory_space<semaphore_mem>>)
    %dma_start3A_16 = arith.constant 2 : i32
    %dma_start3A_17 = arith.constant 0 : i32
    %dma_start3A_18 = tpu.memref_slice %arg7[%dma_start3A_16, %dma_start3A_17] : memref<125x80xi32, #tpu.memory_space<vmem>> -> memref<1x80xi32, #tpu.memory_space<vmem>>
    %dma_start3A_19 = tpu.memref_squeeze %dma_start3A_18 : memref<1x80xi32, #tpu.memory_space<vmem>> -> memref<80xi32, #tpu.memory_space<vmem>>
    %dma_start3A_20 = arith.constant 0 : i32
    %dma_start3A_21 = arith.constant 0 : i32
    %dma_start3A_22 = tpu.memref_slice %arg2[%dma_start3A_20, %dma_start3A_21] : memref<10000x160xbf16, #tpu.memory_space<hbm>> -> memref<10000x160xbf16, #tpu.memory_space<hbm>>
    tpu.enqueue_indirect_dma source(%dma_start3A_22 : memref<10000x160xbf16, #tpu.memory_space<hbm>>) target(%arg11 : memref<80x160xbf16, #tpu.memory_space<vmem>>) offsets(%dma_start3A_19 : memref<80xi32, #tpu.memory_space<vmem>>) semaphore(%arg20 : memref<!tpu.dma_semaphore, #tpu.memory_space<semaphore_mem>>)
    %dma_start3A_23 = arith.constant 3 : i32
    %dma_start3A_24 = arith.constant 0 : i32
    %dma_start3A_25 = tpu.memref_slice %arg7[%dma_start3A_23, %dma_start3A_24] : memref<125x80xi32, #tpu.memory_space<vmem>> -> memref<1x80xi32, #tpu.memory_space<vmem>>
    %dma_start3A_26 = tpu.memref_squeeze %dma_start3A_25 : memref<1x80xi32, #tpu.memory_space<vmem>> -> memref<80xi32, #tpu.memory_space<vmem>>
    %dma_start3A_27 = arith.constant 0 : i32
    %dma_start3A_28 = arith.constant 0 : i32
    %dma_start3A_29 = tpu.memref_slice %arg2[%dma_start3A_27, %dma_start3A_28] : memref<10000x160xbf16, #tpu.memory_space<hbm>> -> memref<10000x160xbf16, #tpu.memory_space<hbm>>
    tpu.enqueue_indirect_dma source(%dma_start3A_29 : memref<10000x160xbf16, #tpu.memory_space<hbm>>) target(%arg12 : memref<80x160xbf16, #tpu.memory_space<vmem>>) offsets(%dma_start3A_26 : memref<80xi32, #tpu.memory_space<vmem>>) semaphore(%arg21 : memref<!tpu.dma_semaphore, #tpu.memory_space<semaphore_mem>>)
    %dma_start3A_30 = arith.constant 4 : i32
    %dma_start3A_31 = arith.constant 0 : i32
    %dma_start3A_32 = tpu.memref_slice %arg7[%dma_start3A_30, %dma_start3A_31] : memref<125x80xi32, #tpu.memory_space<vmem>> -> memref<1x80xi32, #tpu.memory_space<vmem>>
    %dma_start3A_33 = tpu.memref_squeeze %dma_start3A_32 : memref<1x80xi32, #tpu.memory_space<vmem>> -> memref<80xi32, #tpu.memory_space<vmem>>
    %dma_start3A_34 = arith.constant 0 : i32
    %dma_start3A_35 = arith.constant 0 : i32
    %dma_start3A_36 = tpu.memref_slice %arg2[%dma_start3A_34, %dma_start3A_35] : memref<10000x160xbf16, #tpu.memory_space<hbm>> -> memref<10000x160xbf16, #tpu.memory_space<hbm>>
    tpu.enqueue_indirect_dma source(%dma_start3A_36 : memref<10000x160xbf16, #tpu.memory_space<hbm>>) target(%arg13 : memref<80x160xbf16, #tpu.memory_space<vmem>>) offsets(%dma_start3A_33 : memref<80xi32, #tpu.memory_space<vmem>>) semaphore(%arg22 : memref<!tpu.dma_semaphore, #tpu.memory_space<semaphore_mem>>)
    %dma_wait3A = arith.constant 0 : i32
    %dma_wait3A_37 = arith.constant 0 : i32
    %dma_wait3A_38 = tpu.memref_slice %arg7[%dma_wait3A, %dma_wait3A_37] : memref<125x80xi32, #tpu.memory_space<vmem>> -> memref<1x80xi32, #tpu.memory_space<vmem>>
    %dma_wait3A_39 = tpu.memref_squeeze %dma_wait3A_38 : memref<1x80xi32, #tpu.memory_space<vmem>> -> memref<80xi32, #tpu.memory_space<vmem>>
    %dma_wait3A_40 = arith.constant 0 : i32
    %dma_wait3A_41 = arith.constant 0 : i32
    %dma_wait3A_42 = tpu.memref_slice %arg2[%dma_wait3A_40, %dma_wait3A_41] : memref<10000x160xbf16, #tpu.memory_space<hbm>> -> memref<10000x160xbf16, #tpu.memory_space<hbm>>
    tpu.wait_indirect_dma semaphore(%arg18 : memref<!tpu.dma_semaphore, #tpu.memory_space<semaphore_mem>>) src(%dma_wait3A_42 : memref<10000x160xbf16, #tpu.memory_space<hbm>>) dst(%arg9 : memref<80x160xbf16, #tpu.memory_space<vmem>>)
    %dma_start3A_43 = arith.constant 0 : i32
    %dma_start3A_44 = arith.constant 0 : i32
    %dma_start3A_45 = tpu.memref_slice %arg8[%dma_start3A_43, %dma_start3A_44] : memref<125x80xi32, #tpu.memory_space<vmem>> -> memref<1x80xi32, #tpu.memory_space<vmem>>
    %dma_start3A_46 = tpu.memref_squeeze %dma_start3A_45 : memref<1x80xi32, #tpu.memory_space<vmem>> -> memref<80xi32, #tpu.memory_space<vmem>>
    %dma_start3A_47 = arith.constant 0 : i32
    %dma_start3A_48 = arith.constant 0 : i32
    %dma_start3A_49 = tpu.memref_slice %arg17[%dma_start3A_47, %dma_start3A_48] : memref<10240x160xbf16, #tpu.memory_space<vmem_shared>> -> memref<10240x160xbf16, #tpu.memory_space<vmem_shared>>
    tpu.enqueue_indirect_dma source(%arg9 : memref<80x160xbf16, #tpu.memory_space<vmem>>) target(%dma_start3A_49 : memref<10240x160xbf16, #tpu.memory_space<vmem_shared>>) offsets(%dma_start3A_46 : memref<80xi32, #tpu.memory_space<vmem>>) semaphore(%arg26 : memref<!tpu.dma_semaphore, #tpu.memory_space<semaphore_mem>>) {add = true}
    %dma_start3A_50 = arith.constant 5 : i32
    %dma_start3A_51 = arith.constant 0 : i32
    %dma_start3A_52 = tpu.memref_slice %arg7[%dma_start3A_50, %dma_start3A_51] : memref<125x80xi32, #tpu.memory_space<vmem>> -> memref<1x80xi32, #tpu.memory_space<vmem>>
    %dma_start3A_53 = tpu.memref_squeeze %dma_start3A_52 : memref<1x80xi32, #tpu.memory_space<vmem>> -> memref<80xi32, #tpu.memory_space<vmem>>
    %dma_start3A_54 = arith.constant 0 : i32
    %dma_start3A_55 = arith.constant 0 : i32
    %dma_start3A_56 = tpu.memref_slice %arg2[%dma_start3A_54, %dma_start3A_55] : memref<10000x160xbf16, #tpu.memory_space<hbm>> -> memref<10000x160xbf16, #tpu.memory_space<hbm>>
    tpu.enqueue_indirect_dma source(%dma_start3A_56 : memref<10000x160xbf16, #tpu.memory_space<hbm>>) target(%arg14 : memref<80x160xbf16, #tpu.memory_space<vmem>>) offsets(%dma_start3A_53 : memref<80xi32, #tpu.memory_space<vmem>>) semaphore(%arg23 : memref<!tpu.dma_semaphore, #tpu.memory_space<semaphore_mem>>)
    %dma_wait3A_57 = arith.constant 0 : i32
    %dma_wait3A_58 = arith.constant 0 : i32
    %dma_wait3A_59 = tpu.memref_slice %arg7[%dma_wait3A_57, %dma_wait3A_58] : memref<125x80xi32, #tpu.memory_space<vmem>> -> memref<1x80xi32, #tpu.memory_space<vmem>>
    %dma_wait3A_60 = tpu.memref_squeeze %dma_wait3A_59 : memref<1x80xi32, #tpu.memory_space<vmem>> -> memref<80xi32, #tpu.memory_space<vmem>>
    %dma_wait3A_61 = arith.constant 0 : i32
    %dma_wait3A_62 = arith.constant 0 : i32
    %dma_wait3A_63 = tpu.memref_slice %arg2[%dma_wait3A_61, %dma_wait3A_62] : memref<10000x160xbf16, #tpu.memory_space<hbm>> -> memref<10000x160xbf16, #tpu.memory_space<hbm>>
    tpu.wait_indirect_dma semaphore(%arg19 : memref<!tpu.dma_semaphore, #tpu.memory_space<semaphore_mem>>) src(%dma_wait3A_63 : memref<10000x160xbf16, #tpu.memory_space<hbm>>) dst(%arg10 : memref<80x160xbf16, #tpu.memory_space<vmem>>)
    %dma_start3A_64 = arith.constant 1 : i32
    %dma_start3A_65 = arith.constant 0 : i32
    %dma_start3A_66 = tpu.memref_slice %arg8[%dma_start3A_64, %dma_start3A_65] : memref<125x80xi32, #tpu.memory_space<vmem>> -> memref<1x80xi32, #tpu.memory_space<vmem>>
    %dma_start3A_67 = tpu.memref_squeeze %dma_start3A_66 : memref<1x80xi32, #tpu.memory_space<vmem>> -> memref<80xi32, #tpu.memory_space<vmem>>
    %dma_start3A_68 = arith.constant 0 : i32
    %dma_start3A_69 = arith.constant 0 : i32
    %dma_start3A_70 = tpu.memref_slice %arg17[%dma_start3A_68, %dma_start3A_69] : memref<10240x160xbf16, #tpu.memory_space<vmem_shared>> -> memref<10240x160xbf16, #tpu.memory_space<vmem_shared>>
    tpu.enqueue_indirect_dma source(%arg10 : memref<80x160xbf16, #tpu.memory_space<vmem>>) target(%dma_start3A_70 : memref<10240x160xbf16, #tpu.memory_space<vmem_shared>>) offsets(%dma_start3A_67 : memref<80xi32, #tpu.memory_space<vmem>>) semaphore(%arg27 : memref<!tpu.dma_semaphore, #tpu.memory_space<semaphore_mem>>) {add = true}
    %dma_start3A_71 = arith.constant 6 : i32
    %dma_start3A_72 = arith.constant 0 : i32
    %dma_start3A_73 = tpu.memref_slice %arg7[%dma_start3A_71, %dma_start3A_72] : memref<125x80xi32, #tpu.memory_space<vmem>> -> memref<1x80xi32, #tpu.memory_space<vmem>>
    %dma_start3A_74 = tpu.memref_squeeze %dma_start3A_73 : memref<1x80xi32, #tpu.memory_space<vmem>> -> memref<80xi32, #tpu.memory_space<vmem>>
    %dma_start3A_75 = arith.constant 0 : i32
    %dma_start3A_76 = arith.constant 0 : i32
    %dma_start3A_77 = tpu.memref_slice %arg2[%dma_start3A_75, %dma_start3A_76] : memref<10000x160xbf16, #tpu.memory_space<hbm>> -> memref<10000x160xbf16, #tpu.memory_space<hbm>>
    tpu.enqueue_indirect_dma source(%dma_start3A_77 : memref<10000x160xbf16, #tpu.memory_space<hbm>>) target(%arg15 : memref<80x160xbf16, #tpu.memory_space<vmem>>) offsets(%dma_start3A_74 : memref<80xi32, #tpu.memory_space<vmem>>) semaphore(%arg24 : memref<!tpu.dma_semaphore, #tpu.memory_space<semaphore_mem>>)
    %dma_wait3A_78 = arith.constant 0 : i32
    %dma_wait3A_79 = arith.constant 0 : i32
    %dma_wait3A_80 = tpu.memref_slice %arg7[%dma_wait3A_78, %dma_wait3A_79] : memref<125x80xi32, #tpu.memory_space<vmem>> -> memref<1x80xi32, #tpu.memory_space<vmem>>
    %dma_wait3A_81 = tpu.memref_squeeze %dma_wait3A_80 : memref<1x80xi32, #tpu.memory_space<vmem>> -> memref<80xi32, #tpu.memory_space<vmem>>
    %dma_wait3A_82 = arith.constant 0 : i32
    %dma_wait3A_83 = arith.constant 0 : i32
    %dma_wait3A_84 = tpu.memref_slice %arg2[%dma_wait3A_82, %dma_wait3A_83] : memref<10000x160xbf16, #tpu.memory_space<hbm>> -> memref<10000x160xbf16, #tpu.memory_space<hbm>>
    tpu.wait_indirect_dma semaphore(%arg20 : memref<!tpu.dma_semaphore, #tpu.memory_space<semaphore_mem>>) src(%dma_wait3A_84 : memref<10000x160xbf16, #tpu.memory_space<hbm>>) dst(%arg11 : memref<80x160xbf16, #tpu.memory_space<vmem>>)
    %dma_start3A_85 = arith.constant 2 : i32
    %dma_start3A_86 = arith.constant 0 : i32
    %dma_start3A_87 = tpu.memref_slice %arg8[%dma_start3A_85, %dma_start3A_86] : memref<125x80xi32, #tpu.memory_space<vmem>> -> memref<1x80xi32, #tpu.memory_space<vmem>>
    %dma_start3A_88 = tpu.memref_squeeze %dma_start3A_87 : memref<1x80xi32, #tpu.memory_space<vmem>> -> memref<80xi32, #tpu.memory_space<vmem>>
    %dma_start3A_89 = arith.constant 0 : i32
    %dma_start3A_90 = arith.constant 0 : i32
    %dma_start3A_91 = tpu.memref_slice %arg17[%dma_start3A_89, %dma_start3A_90] : memref<10240x160xbf16, #tpu.memory_space<vmem_shared>> -> memref<10240x160xbf16, #tpu.memory_space<vmem_shared>>
    tpu.enqueue_indirect_dma source(%arg11 : memref<80x160xbf16, #tpu.memory_space<vmem>>) target(%dma_start3A_91 : memref<10240x160xbf16, #tpu.memory_space<vmem_shared>>) offsets(%dma_start3A_88 : memref<80xi32, #tpu.memory_space<vmem>>) semaphore(%arg28 : memref<!tpu.dma_semaphore, #tpu.memory_space<semaphore_mem>>) {add = true}
    %dma_start3A_92 = arith.constant 7 : i32
    %dma_start3A_93 = arith.constant 0 : i32
    %dma_start3A_94 = tpu.memref_slice %arg7[%dma_start3A_92, %dma_start3A_93] : memref<125x80xi32, #tpu.memory_space<vmem>> -> memref<1x80xi32, #tpu.memory_space<vmem>>
    %dma_start3A_95 = tpu.memref_squeeze %dma_start3A_94 : memref<1x80xi32, #tpu.memory_space<vmem>> -> memref<80xi32, #tpu.memory_space<vmem>>
    %dma_start3A_96 = arith.constant 0 : i32
    %dma_start3A_97 = arith.constant 0 : i32
    %dma_start3A_98 = tpu.memref_slice %arg2[%dma_start3A_96, %dma_start3A_97] : memref<10000x160xbf16, #tpu.memory_space<hbm>> -> memref<10000x160xbf16, #tpu.memory_space<hbm>>
    tpu.enqueue_indirect_dma source(%dma_start3A_98 : memref<10000x160xbf16, #tpu.memory_space<hbm>>) target(%arg16 : memref<80x160xbf16, #tpu.memory_space<vmem>>) offsets(%dma_start3A_95 : memref<80xi32, #tpu.memory_space<vmem>>) semaphore(%arg25 : memref<!tpu.dma_semaphore, #tpu.memory_space<semaphore_mem>>)
    %dma_wait3A_99 = arith.constant 0 : i32
    %dma_wait3A_100 = arith.constant 0 : i32
    %dma_wait3A_101 = tpu.memref_slice %arg7[%dma_wait3A_99, %dma_wait3A_100] : memref<125x80xi32, #tpu.memory_space<vmem>> -> memref<1x80xi32, #tpu.memory_space<vmem>>
    %dma_wait3A_102 = tpu.memref_squeeze %dma_wait3A_101 : memref<1x80xi32, #tpu.memory_space<vmem>> -> memref<80xi32, #tpu.memory_space<vmem>>
    %dma_wait3A_103 = arith.constant 0 : i32
    %dma_wait3A_104 = arith.constant 0 : i32
    %dma_wait3A_105 = tpu.memref_slice %arg2[%dma_wait3A_103, %dma_wait3A_104] : memref<10000x160xbf16, #tpu.memory_space<hbm>> -> memref<10000x160xbf16, #tpu.memory_space<hbm>>
    tpu.wait_indirect_dma semaphore(%arg21 : memref<!tpu.dma_semaphore, #tpu.memory_space<semaphore_mem>>) src(%dma_wait3A_105 : memref<10000x160xbf16, #tpu.memory_space<hbm>>) dst(%arg12 : memref<80x160xbf16, #tpu.memory_space<vmem>>)
    %dma_start3A_106 = arith.constant 3 : i32
    %dma_start3A_107 = arith.constant 0 : i32
    %dma_start3A_108 = tpu.memref_slice %arg8[%dma_start3A_106, %dma_start3A_107] : memref<125x80xi32, #tpu.memory_space<vmem>> -> memref<1x80xi32, #tpu.memory_space<vmem>>
    %dma_start3A_109 = tpu.memref_squeeze %dma_start3A_108 : memref<1x80xi32, #tpu.memory_space<vmem>> -> memref<80xi32, #tpu.memory_space<vmem>>
    %dma_start3A_110 = arith.constant 0 : i32
    %dma_start3A_111 = arith.constant 0 : i32
    %dma_start3A_112 = tpu.memref_slice %arg17[%dma_start3A_110, %dma_start3A_111] : memref<10240x160xbf16, #tpu.memory_space<vmem_shared>> -> memref<10240x160xbf16, #tpu.memory_space<vmem_shared>>
    tpu.enqueue_indirect_dma source(%arg12 : memref<80x160xbf16, #tpu.memory_space<vmem>>) target(%dma_start3A_112 : memref<10240x160xbf16, #tpu.memory_space<vmem_shared>>) offsets(%dma_start3A_109 : memref<80xi32, #tpu.memory_space<vmem>>) semaphore(%arg29 : memref<!tpu.dma_semaphore, #tpu.memory_space<semaphore_mem>>) {add = true}
    %scan3A = arith.constant 0 : i32
    %scan3A_113 = arith.constant 1 : i32
    %scan3A_114 = arith.constant 14 : i32
    %scan3A_115 = arith.addi %scan3A_113, %scan3A_114 : i32
    %scan3A_116 = arith.constant 1 : i32
    scf.for %scan3A_373 = %scan3A_113 to %scan3A_115 step %scan3A_116  : i32 {
      %mul3A_374 = arith.constant 8 : i32
      %mul3A_375 = arith.muli %mul3A_374, %scan3A_373 : i32
      %dma_wait3A_376 = arith.constant 0 : i32
      %dma_wait3A_377 = arith.constant 0 : i32
      %dma_wait3A_378 = tpu.memref_slice %arg8[%dma_wait3A_376, %dma_wait3A_377] : memref<125x80xi32, #tpu.memory_space<vmem>> -> memref<1x80xi32, #tpu.memory_space<vmem>>
      %dma_wait3A_379 = tpu.memref_squeeze %dma_wait3A_378 : memref<1x80xi32, #tpu.memory_space<vmem>> -> memref<80xi32, #tpu.memory_space<vmem>>
      %dma_wait3A_380 = arith.constant 0 : i32
      %dma_wait3A_381 = arith.constant 0 : i32
      %dma_wait3A_382 = tpu.memref_slice %arg17[%dma_wait3A_380, %dma_wait3A_381] : memref<10240x160xbf16, #tpu.memory_space<vmem_shared>> -> memref<10240x160xbf16, #tpu.memory_space<vmem_shared>>
      tpu.wait_indirect_dma semaphore(%arg26 : memref<!tpu.dma_semaphore, #tpu.memory_space<semaphore_mem>>) src(%arg9 : memref<80x160xbf16, #tpu.memory_space<vmem>>) dst(%dma_wait3A_382 : memref<10240x160xbf16, #tpu.memory_space<vmem_shared>>)
      %add3A_383 = arith.constant 0 : i32
      %add3A_384 = arith.addi %mul3A_375, %add3A_383 : i32
      %dma_start3A_385 = arith.constant 0 : i32
      %dma_start3A_386 = tpu.memref_slice %arg7[%add3A_384, %dma_start3A_385] : memref<125x80xi32, #tpu.memory_space<vmem>> -> memref<1x80xi32, #tpu.memory_space<vmem>>
      %dma_start3A_387 = tpu.memref_squeeze %dma_start3A_386 : memref<1x80xi32, #tpu.memory_space<vmem>> -> memref<80xi32, #tpu.memory_space<vmem>>
      %dma_start3A_388 = arith.constant 0 : i32
      %dma_start3A_389 = arith.constant 0 : i32
      %dma_start3A_390 = tpu.memref_slice %arg2[%dma_start3A_388, %dma_start3A_389] : memref<10000x160xbf16, #tpu.memory_space<hbm>> -> memref<10000x160xbf16, #tpu.memory_space<hbm>>
      tpu.enqueue_indirect_dma source(%dma_start3A_390 : memref<10000x160xbf16, #tpu.memory_space<hbm>>) target(%arg9 : memref<80x160xbf16, #tpu.memory_space<vmem>>) offsets(%dma_start3A_387 : memref<80xi32, #tpu.memory_space<vmem>>) semaphore(%arg18 : memref<!tpu.dma_semaphore, #tpu.memory_space<semaphore_mem>>)
      %dma_wait3A_391 = arith.constant 0 : i32
      %dma_wait3A_392 = arith.constant 0 : i32
      %dma_wait3A_393 = tpu.memref_slice %arg7[%dma_wait3A_391, %dma_wait3A_392] : memref<125x80xi32, #tpu.memory_space<vmem>> -> memref<1x80xi32, #tpu.memory_space<vmem>>
      %dma_wait3A_394 = tpu.memref_squeeze %dma_wait3A_393 : memref<1x80xi32, #tpu.memory_space<vmem>> -> memref<80xi32, #tpu.memory_space<vmem>>
      %dma_wait3A_395 = arith.constant 0 : i32
      %dma_wait3A_396 = arith.constant 0 : i32
      %dma_wait3A_397 = tpu.memref_slice %arg2[%dma_wait3A_395, %dma_wait3A_396] : memref<10000x160xbf16, #tpu.memory_space<hbm>> -> memref<10000x160xbf16, #tpu.memory_space<hbm>>
      tpu.wait_indirect_dma semaphore(%arg22 : memref<!tpu.dma_semaphore, #tpu.memory_space<semaphore_mem>>) src(%dma_wait3A_397 : memref<10000x160xbf16, #tpu.memory_space<hbm>>) dst(%arg13 : memref<80x160xbf16, #tpu.memory_space<vmem>>)
      %add3A_398 = arith.constant 0 : i32
      %add3A_399 = arith.addi %mul3A_375, %add3A_398 : i32
      %sub3A = arith.constant 4 : i32
      %sub3A_400 = arith.subi %add3A_399, %sub3A : i32
      %dma_start3A_401 = arith.constant 0 : i32
      %dma_start3A_402 = tpu.memref_slice %arg8[%sub3A_400, %dma_start3A_401] : memref<125x80xi32, #tpu.memory_space<vmem>> -> memref<1x80xi32, #tpu.memory_space<vmem>>
      %dma_start3A_403 = tpu.memref_squeeze %dma_start3A_402 : memref<1x80xi32, #tpu.memory_space<vmem>> -> memref<80xi32, #tpu.memory_space<vmem>>
      %dma_start3A_404 = arith.constant 0 : i32
      %dma_start3A_405 = arith.constant 0 : i32
      %dma_start3A_406 = tpu.memref_slice %arg17[%dma_start3A_404, %dma_start3A_405] : memref<10240x160xbf16, #tpu.memory_space<vmem_shared>> -> memref<10240x160xbf16, #tpu.memory_space<vmem_shared>>
      tpu.enqueue_indirect_dma source(%arg13 : memref<80x160xbf16, #tpu.memory_space<vmem>>) target(%dma_start3A_406 : memref<10240x160xbf16, #tpu.memory_space<vmem_shared>>) offsets(%dma_start3A_403 : memref<80xi32, #tpu.memory_space<vmem>>) semaphore(%arg30 : memref<!tpu.dma_semaphore, #tpu.memory_space<semaphore_mem>>) {add = true}
      %dma_wait3A_407 = arith.constant 0 : i32
      %dma_wait3A_408 = arith.constant 0 : i32
      %dma_wait3A_409 = tpu.memref_slice %arg8[%dma_wait3A_407, %dma_wait3A_408] : memref<125x80xi32, #tpu.memory_space<vmem>> -> memref<1x80xi32, #tpu.memory_space<vmem>>
      %dma_wait3A_410 = tpu.memref_squeeze %dma_wait3A_409 : memref<1x80xi32, #tpu.memory_space<vmem>> -> memref<80xi32, #tpu.memory_space<vmem>>
      %dma_wait3A_411 = arith.constant 0 : i32
      %dma_wait3A_412 = arith.constant 0 : i32
      %dma_wait3A_413 = tpu.memref_slice %arg17[%dma_wait3A_411, %dma_wait3A_412] : memref<10240x160xbf16, #tpu.memory_space<vmem_shared>> -> memref<10240x160xbf16, #tpu.memory_space<vmem_shared>>
      tpu.wait_indirect_dma semaphore(%arg27 : memref<!tpu.dma_semaphore, #tpu.memory_space<semaphore_mem>>) src(%arg10 : memref<80x160xbf16, #tpu.memory_space<vmem>>) dst(%dma_wait3A_413 : memref<10240x160xbf16, #tpu.memory_space<vmem_shared>>)
      %add3A_414 = arith.constant 1 : i32
      %add3A_415 = arith.addi %mul3A_375, %add3A_414 : i32
      %dma_start3A_416 = arith.constant 0 : i32
      %dma_start3A_417 = tpu.memref_slice %arg7[%add3A_415, %dma_start3A_416] : memref<125x80xi32, #tpu.memory_space<vmem>> -> memref<1x80xi32, #tpu.memory_space<vmem>>
      %dma_start3A_418 = tpu.memref_squeeze %dma_start3A_417 : memref<1x80xi32, #tpu.memory_space<vmem>> -> memref<80xi32, #tpu.memory_space<vmem>>
      %dma_start3A_419 = arith.constant 0 : i32
      %dma_start3A_420 = arith.constant 0 : i32
      %dma_start3A_421 = tpu.memref_slice %arg2[%dma_start3A_419, %dma_start3A_420] : memref<10000x160xbf16, #tpu.memory_space<hbm>> -> memref<10000x160xbf16, #tpu.memory_space<hbm>>
      tpu.enqueue_indirect_dma source(%dma_start3A_421 : memref<10000x160xbf16, #tpu.memory_space<hbm>>) target(%arg10 : memref<80x160xbf16, #tpu.memory_space<vmem>>) offsets(%dma_start3A_418 : memref<80xi32, #tpu.memory_space<vmem>>) semaphore(%arg19 : memref<!tpu.dma_semaphore, #tpu.memory_space<semaphore_mem>>)
      %dma_wait3A_422 = arith.constant 0 : i32
      %dma_wait3A_423 = arith.constant 0 : i32
      %dma_wait3A_424 = tpu.memref_slice %arg7[%dma_wait3A_422, %dma_wait3A_423] : memref<125x80xi32, #tpu.memory_space<vmem>> -> memref<1x80xi32, #tpu.memory_space<vmem>>
      %dma_wait3A_425 = tpu.memref_squeeze %dma_wait3A_424 : memref<1x80xi32, #tpu.memory_space<vmem>> -> memref<80xi32, #tpu.memory_space<vmem>>
      %dma_wait3A_426 = arith.constant 0 : i32
      %dma_wait3A_427 = arith.constant 0 : i32
      %dma_wait3A_428 = tpu.memref_slice %arg2[%dma_wait3A_426, %dma_wait3A_427] : memref<10000x160xbf16, #tpu.memory_space<hbm>> -> memref<10000x160xbf16, #tpu.memory_space<hbm>>
      tpu.wait_indirect_dma semaphore(%arg23 : memref<!tpu.dma_semaphore, #tpu.memory_space<semaphore_mem>>) src(%dma_wait3A_428 : memref<10000x160xbf16, #tpu.memory_space<hbm>>) dst(%arg14 : memref<80x160xbf16, #tpu.memory_space<vmem>>)
      %add3A_429 = arith.constant 1 : i32
      %add3A_430 = arith.addi %mul3A_375, %add3A_429 : i32
      %sub3A_431 = arith.constant 4 : i32
      %sub3A_432 = arith.subi %add3A_430, %sub3A_431 : i32
      %dma_start3A_433 = arith.constant 0 : i32
      %dma_start3A_434 = tpu.memref_slice %arg8[%sub3A_432, %dma_start3A_433] : memref<125x80xi32, #tpu.memory_space<vmem>> -> memref<1x80xi32, #tpu.memory_space<vmem>>
      %dma_start3A_435 = tpu.memref_squeeze %dma_start3A_434 : memref<1x80xi32, #tpu.memory_space<vmem>> -> memref<80xi32, #tpu.memory_space<vmem>>
      %dma_start3A_436 = arith.constant 0 : i32
      %dma_start3A_437 = arith.constant 0 : i32
      %dma_start3A_438 = tpu.memref_slice %arg17[%dma_start3A_436, %dma_start3A_437] : memref<10240x160xbf16, #tpu.memory_space<vmem_shared>> -> memref<10240x160xbf16, #tpu.memory_space<vmem_shared>>
      tpu.enqueue_indirect_dma source(%arg14 : memref<80x160xbf16, #tpu.memory_space<vmem>>) target(%dma_start3A_438 : memref<10240x160xbf16, #tpu.memory_space<vmem_shared>>) offsets(%dma_start3A_435 : memref<80xi32, #tpu.memory_space<vmem>>) semaphore(%arg31 : memref<!tpu.dma_semaphore, #tpu.memory_space<semaphore_mem>>) {add = true}
      %dma_wait3A_439 = arith.constant 0 : i32
      %dma_wait3A_440 = arith.constant 0 : i32
      %dma_wait3A_441 = tpu.memref_slice %arg8[%dma_wait3A_439, %dma_wait3A_440] : memref<125x80xi32, #tpu.memory_space<vmem>> -> memref<1x80xi32, #tpu.memory_space<vmem>>
      %dma_wait3A_442 = tpu.memref_squeeze %dma_wait3A_441 : memref<1x80xi32, #tpu.memory_space<vmem>> -> memref<80xi32, #tpu.memory_space<vmem>>
      %dma_wait3A_443 = arith.constant 0 : i32
      %dma_wait3A_444 = arith.constant 0 : i32
      %dma_wait3A_445 = tpu.memref_slice %arg17[%dma_wait3A_443, %dma_wait3A_444] : memref<10240x160xbf16, #tpu.memory_space<vmem_shared>> -> memref<10240x160xbf16, #tpu.memory_space<vmem_shared>>
      tpu.wait_indirect_dma semaphore(%arg28 : memref<!tpu.dma_semaphore, #tpu.memory_space<semaphore_mem>>) src(%arg11 : memref<80x160xbf16, #tpu.memory_space<vmem>>) dst(%dma_wait3A_445 : memref<10240x160xbf16, #tpu.memory_space<vmem_shared>>)
      %add3A_446 = arith.constant 2 : i32
      %add3A_447 = arith.addi %mul3A_375, %add3A_446 : i32
      %dma_start3A_448 = arith.constant 0 : i32
      %dma_start3A_449 = tpu.memref_slice %arg7[%add3A_447, %dma_start3A_448] : memref<125x80xi32, #tpu.memory_space<vmem>> -> memref<1x80xi32, #tpu.memory_space<vmem>>
      %dma_start3A_450 = tpu.memref_squeeze %dma_start3A_449 : memref<1x80xi32, #tpu.memory_space<vmem>> -> memref<80xi32, #tpu.memory_space<vmem>>
      %dma_start3A_451 = arith.constant 0 : i32
      %dma_start3A_452 = arith.constant 0 : i32
      %dma_start3A_453 = tpu.memref_slice %arg2[%dma_start3A_451, %dma_start3A_452] : memref<10000x160xbf16, #tpu.memory_space<hbm>> -> memref<10000x160xbf16, #tpu.memory_space<hbm>>
      tpu.enqueue_indirect_dma source(%dma_start3A_453 : memref<10000x160xbf16, #tpu.memory_space<hbm>>) target(%arg11 : memref<80x160xbf16, #tpu.memory_space<vmem>>) offsets(%dma_start3A_450 : memref<80xi32, #tpu.memory_space<vmem>>) semaphore(%arg20 : memref<!tpu.dma_semaphore, #tpu.memory_space<semaphore_mem>>)
      %dma_wait3A_454 = arith.constant 0 : i32
      %dma_wait3A_455 = arith.constant 0 : i32
      %dma_wait3A_456 = tpu.memref_slice %arg7[%dma_wait3A_454, %dma_wait3A_455] : memref<125x80xi32, #tpu.memory_space<vmem>> -> memref<1x80xi32, #tpu.memory_space<vmem>>
      %dma_wait3A_457 = tpu.memref_squeeze %dma_wait3A_456 : memref<1x80xi32, #tpu.memory_space<vmem>> -> memref<80xi32, #tpu.memory_space<vmem>>
      %dma_wait3A_458 = arith.constant 0 : i32
      %dma_wait3A_459 = arith.constant 0 : i32
      %dma_wait3A_460 = tpu.memref_slice %arg2[%dma_wait3A_458, %dma_wait3A_459] : memref<10000x160xbf16, #tpu.memory_space<hbm>> -> memref<10000x160xbf16, #tpu.memory_space<hbm>>
      tpu.wait_indirect_dma semaphore(%arg24 : memref<!tpu.dma_semaphore, #tpu.memory_space<semaphore_mem>>) src(%dma_wait3A_460 : memref<10000x160xbf16, #tpu.memory_space<hbm>>) dst(%arg15 : memref<80x160xbf16, #tpu.memory_space<vmem>>)
      %add3A_461 = arith.constant 2 : i32
      %add3A_462 = arith.addi %mul3A_375, %add3A_461 : i32
      %sub3A_463 = arith.constant 4 : i32
      %sub3A_464 = arith.subi %add3A_462, %sub3A_463 : i32
      %dma_start3A_465 = arith.constant 0 : i32
      %dma_start3A_466 = tpu.memref_slice %arg8[%sub3A_464, %dma_start3A_465] : memref<125x80xi32, #tpu.memory_space<vmem>> -> memref<1x80xi32, #tpu.memory_space<vmem>>
      %dma_start3A_467 = tpu.memref_squeeze %dma_start3A_466 : memref<1x80xi32, #tpu.memory_space<vmem>> -> memref<80xi32, #tpu.memory_space<vmem>>
      %dma_start3A_468 = arith.constant 0 : i32
      %dma_start3A_469 = arith.constant 0 : i32
      %dma_start3A_470 = tpu.memref_slice %arg17[%dma_start3A_468, %dma_start3A_469] : memref<10240x160xbf16, #tpu.memory_space<vmem_shared>> -> memref<10240x160xbf16, #tpu.memory_space<vmem_shared>>
      tpu.enqueue_indirect_dma source(%arg15 : memref<80x160xbf16, #tpu.memory_space<vmem>>) target(%dma_start3A_470 : memref<10240x160xbf16, #tpu.memory_space<vmem_shared>>) offsets(%dma_start3A_467 : memref<80xi32, #tpu.memory_space<vmem>>) semaphore(%arg32 : memref<!tpu.dma_semaphore, #tpu.memory_space<semaphore_mem>>) {add = true}
      %dma_wait3A_471 = arith.constant 0 : i32
      %dma_wait3A_472 = arith.constant 0 : i32
      %dma_wait3A_473 = tpu.memref_slice %arg8[%dma_wait3A_471, %dma_wait3A_472] : memref<125x80xi32, #tpu.memory_space<vmem>> -> memref<1x80xi32, #tpu.memory_space<vmem>>
      %dma_wait3A_474 = tpu.memref_squeeze %dma_wait3A_473 : memref<1x80xi32, #tpu.memory_space<vmem>> -> memref<80xi32, #tpu.memory_space<vmem>>
      %dma_wait3A_475 = arith.constant 0 : i32
      %dma_wait3A_476 = arith.constant 0 : i32
      %dma_wait3A_477 = tpu.memref_slice %arg17[%dma_wait3A_475, %dma_wait3A_476] : memref<10240x160xbf16, #tpu.memory_space<vmem_shared>> -> memref<10240x160xbf16, #tpu.memory_space<vmem_shared>>
      tpu.wait_indirect_dma semaphore(%arg29 : memref<!tpu.dma_semaphore, #tpu.memory_space<semaphore_mem>>) src(%arg12 : memref<80x160xbf16, #tpu.memory_space<vmem>>) dst(%dma_wait3A_477 : memref<10240x160xbf16, #tpu.memory_space<vmem_shared>>)
      %add3A_478 = arith.constant 3 : i32
      %add3A_479 = arith.addi %mul3A_375, %add3A_478 : i32
      %dma_start3A_480 = arith.constant 0 : i32
      %dma_start3A_481 = tpu.memref_slice %arg7[%add3A_479, %dma_start3A_480] : memref<125x80xi32, #tpu.memory_space<vmem>> -> memref<1x80xi32, #tpu.memory_space<vmem>>
      %dma_start3A_482 = tpu.memref_squeeze %dma_start3A_481 : memref<1x80xi32, #tpu.memory_space<vmem>> -> memref<80xi32, #tpu.memory_space<vmem>>
      %dma_start3A_483 = arith.constant 0 : i32
      %dma_start3A_484 = arith.constant 0 : i32
      %dma_start3A_485 = tpu.memref_slice %arg2[%dma_start3A_483, %dma_start3A_484] : memref<10000x160xbf16, #tpu.memory_space<hbm>> -> memref<10000x160xbf16, #tpu.memory_space<hbm>>
      tpu.enqueue_indirect_dma source(%dma_start3A_485 : memref<10000x160xbf16, #tpu.memory_space<hbm>>) target(%arg12 : memref<80x160xbf16, #tpu.memory_space<vmem>>) offsets(%dma_start3A_482 : memref<80xi32, #tpu.memory_space<vmem>>) semaphore(%arg21 : memref<!tpu.dma_semaphore, #tpu.memory_space<semaphore_mem>>)
      %dma_wait3A_486 = arith.constant 0 : i32
      %dma_wait3A_487 = arith.constant 0 : i32
      %dma_wait3A_488 = tpu.memref_slice %arg7[%dma_wait3A_486, %dma_wait3A_487] : memref<125x80xi32, #tpu.memory_space<vmem>> -> memref<1x80xi32, #tpu.memory_space<vmem>>
      %dma_wait3A_489 = tpu.memref_squeeze %dma_wait3A_488 : memref<1x80xi32, #tpu.memory_space<vmem>> -> memref<80xi32, #tpu.memory_space<vmem>>
      %dma_wait3A_490 = arith.constant 0 : i32
      %dma_wait3A_491 = arith.constant 0 : i32
      %dma_wait3A_492 = tpu.memref_slice %arg2[%dma_wait3A_490, %dma_wait3A_491] : memref<10000x160xbf16, #tpu.memory_space<hbm>> -> memref<10000x160xbf16, #tpu.memory_space<hbm>>
      tpu.wait_indirect_dma semaphore(%arg25 : memref<!tpu.dma_semaphore, #tpu.memory_space<semaphore_mem>>) src(%dma_wait3A_492 : memref<10000x160xbf16, #tpu.memory_space<hbm>>) dst(%arg16 : memref<80x160xbf16, #tpu.memory_space<vmem>>)
      %add3A_493 = arith.constant 3 : i32
      %add3A_494 = arith.addi %mul3A_375, %add3A_493 : i32
      %sub3A_495 = arith.constant 4 : i32
      %sub3A_496 = arith.subi %add3A_494, %sub3A_495 : i32
      %dma_start3A_497 = arith.constant 0 : i32
      %dma_start3A_498 = tpu.memref_slice %arg8[%sub3A_496, %dma_start3A_497] : memref<125x80xi32, #tpu.memory_space<vmem>> -> memref<1x80xi32, #tpu.memory_space<vmem>>
      %dma_start3A_499 = tpu.memref_squeeze %dma_start3A_498 : memref<1x80xi32, #tpu.memory_space<vmem>> -> memref<80xi32, #tpu.memory_space<vmem>>
      %dma_start3A_500 = arith.constant 0 : i32
      %dma_start3A_501 = arith.constant 0 : i32
      %dma_start3A_502 = tpu.memref_slice %arg17[%dma_start3A_500, %dma_start3A_501] : memref<10240x160xbf16, #tpu.memory_space<vmem_shared>> -> memref<10240x160xbf16, #tpu.memory_space<vmem_shared>>
      tpu.enqueue_indirect_dma source(%arg16 : memref<80x160xbf16, #tpu.memory_space<vmem>>) target(%dma_start3A_502 : memref<10240x160xbf16, #tpu.memory_space<vmem_shared>>) offsets(%dma_start3A_499 : memref<80xi32, #tpu.memory_space<vmem>>) semaphore(%arg33 : memref<!tpu.dma_semaphore, #tpu.memory_space<semaphore_mem>>) {add = true}
      %dma_wait3A_503 = arith.constant 0 : i32
      %dma_wait3A_504 = arith.constant 0 : i32
      %dma_wait3A_505 = tpu.memref_slice %arg8[%dma_wait3A_503, %dma_wait3A_504] : memref<125x80xi32, #tpu.memory_space<vmem>> -> memref<1x80xi32, #tpu.memory_space<vmem>>
      %dma_wait3A_506 = tpu.memref_squeeze %dma_wait3A_505 : memref<1x80xi32, #tpu.memory_space<vmem>> -> memref<80xi32, #tpu.memory_space<vmem>>
      %dma_wait3A_507 = arith.constant 0 : i32
      %dma_wait3A_508 = arith.constant 0 : i32
      %dma_wait3A_509 = tpu.memref_slice %arg17[%dma_wait3A_507, %dma_wait3A_508] : memref<10240x160xbf16, #tpu.memory_space<vmem_shared>> -> memref<10240x160xbf16, #tpu.memory_space<vmem_shared>>
      tpu.wait_indirect_dma semaphore(%arg30 : memref<!tpu.dma_semaphore, #tpu.memory_space<semaphore_mem>>) src(%arg13 : memref<80x160xbf16, #tpu.memory_space<vmem>>) dst(%dma_wait3A_509 : memref<10240x160xbf16, #tpu.memory_space<vmem_shared>>)
      %add3A_510 = arith.constant 4 : i32
      %add3A_511 = arith.addi %mul3A_375, %add3A_510 : i32
      %dma_start3A_512 = arith.constant 0 : i32
      %dma_start3A_513 = tpu.memref_slice %arg7[%add3A_511, %dma_start3A_512] : memref<125x80xi32, #tpu.memory_space<vmem>> -> memref<1x80xi32, #tpu.memory_space<vmem>>
      %dma_start3A_514 = tpu.memref_squeeze %dma_start3A_513 : memref<1x80xi32, #tpu.memory_space<vmem>> -> memref<80xi32, #tpu.memory_space<vmem>>
      %dma_start3A_515 = arith.constant 0 : i32
      %dma_start3A_516 = arith.constant 0 : i32
      %dma_start3A_517 = tpu.memref_slice %arg2[%dma_start3A_515, %dma_start3A_516] : memref<10000x160xbf16, #tpu.memory_space<hbm>> -> memref<10000x160xbf16, #tpu.memory_space<hbm>>
      tpu.enqueue_indirect_dma source(%dma_start3A_517 : memref<10000x160xbf16, #tpu.memory_space<hbm>>) target(%arg13 : memref<80x160xbf16, #tpu.memory_space<vmem>>) offsets(%dma_start3A_514 : memref<80xi32, #tpu.memory_space<vmem>>) semaphore(%arg22 : memref<!tpu.dma_semaphore, #tpu.memory_space<semaphore_mem>>)
      %dma_wait3A_518 = arith.constant 0 : i32
      %dma_wait3A_519 = arith.constant 0 : i32
      %dma_wait3A_520 = tpu.memref_slice %arg7[%dma_wait3A_518, %dma_wait3A_519] : memref<125x80xi32, #tpu.memory_space<vmem>> -> memref<1x80xi32, #tpu.memory_space<vmem>>
      %dma_wait3A_521 = tpu.memref_squeeze %dma_wait3A_520 : memref<1x80xi32, #tpu.memory_space<vmem>> -> memref<80xi32, #tpu.memory_space<vmem>>
      %dma_wait3A_522 = arith.constant 0 : i32
      %dma_wait3A_523 = arith.constant 0 : i32
      %dma_wait3A_524 = tpu.memref_slice %arg2[%dma_wait3A_522, %dma_wait3A_523] : memref<10000x160xbf16, #tpu.memory_space<hbm>> -> memref<10000x160xbf16, #tpu.memory_space<hbm>>
      tpu.wait_indirect_dma semaphore(%arg18 : memref<!tpu.dma_semaphore, #tpu.memory_space<semaphore_mem>>) src(%dma_wait3A_524 : memref<10000x160xbf16, #tpu.memory_space<hbm>>) dst(%arg9 : memref<80x160xbf16, #tpu.memory_space<vmem>>)
      %add3A_525 = arith.constant 4 : i32
      %add3A_526 = arith.addi %mul3A_375, %add3A_525 : i32
      %sub3A_527 = arith.constant 4 : i32
      %sub3A_528 = arith.subi %add3A_526, %sub3A_527 : i32
      %dma_start3A_529 = arith.constant 0 : i32
      %dma_start3A_530 = tpu.memref_slice %arg8[%sub3A_528, %dma_start3A_529] : memref<125x80xi32, #tpu.memory_space<vmem>> -> memref<1x80xi32, #tpu.memory_space<vmem>>
      %dma_start3A_531 = tpu.memref_squeeze %dma_start3A_530 : memref<1x80xi32, #tpu.memory_space<vmem>> -> memref<80xi32, #tpu.memory_space<vmem>>
      %dma_start3A_532 = arith.constant 0 : i32
      %dma_start3A_533 = arith.constant 0 : i32
      %dma_start3A_534 = tpu.memref_slice %arg17[%dma_start3A_532, %dma_start3A_533] : memref<10240x160xbf16, #tpu.memory_space<vmem_shared>> -> memref<10240x160xbf16, #tpu.memory_space<vmem_shared>>
      tpu.enqueue_indirect_dma source(%arg9 : memref<80x160xbf16, #tpu.memory_space<vmem>>) target(%dma_start3A_534 : memref<10240x160xbf16, #tpu.memory_space<vmem_shared>>) offsets(%dma_start3A_531 : memref<80xi32, #tpu.memory_space<vmem>>) semaphore(%arg26 : memref<!tpu.dma_semaphore, #tpu.memory_space<semaphore_mem>>) {add = true}
      %dma_wait3A_535 = arith.constant 0 : i32
      %dma_wait3A_536 = arith.constant 0 : i32
      %dma_wait3A_537 = tpu.memref_slice %arg8[%dma_wait3A_535, %dma_wait3A_536] : memref<125x80xi32, #tpu.memory_space<vmem>> -> memref<1x80xi32, #tpu.memory_space<vmem>>
      %dma_wait3A_538 = tpu.memref_squeeze %dma_wait3A_537 : memref<1x80xi32, #tpu.memory_space<vmem>> -> memref<80xi32, #tpu.memory_space<vmem>>
      %dma_wait3A_539 = arith.constant 0 : i32
      %dma_wait3A_540 = arith.constant 0 : i32
      %dma_wait3A_541 = tpu.memref_slice %arg17[%dma_wait3A_539, %dma_wait3A_540] : memref<10240x160xbf16, #tpu.memory_space<vmem_shared>> -> memref<10240x160xbf16, #tpu.memory_space<vmem_shared>>
      tpu.wait_indirect_dma semaphore(%arg31 : memref<!tpu.dma_semaphore, #tpu.memory_space<semaphore_mem>>) src(%arg14 : memref<80x160xbf16, #tpu.memory_space<vmem>>) dst(%dma_wait3A_541 : memref<10240x160xbf16, #tpu.memory_space<vmem_shared>>)
      %add3A_542 = arith.constant 5 : i32
      %add3A_543 = arith.addi %mul3A_375, %add3A_542 : i32
      %dma_start3A_544 = arith.constant 0 : i32
      %dma_start3A_545 = tpu.memref_slice %arg7[%add3A_543, %dma_start3A_544] : memref<125x80xi32, #tpu.memory_space<vmem>> -> memref<1x80xi32, #tpu.memory_space<vmem>>
      %dma_start3A_546 = tpu.memref_squeeze %dma_start3A_545 : memref<1x80xi32, #tpu.memory_space<vmem>> -> memref<80xi32, #tpu.memory_space<vmem>>
      %dma_start3A_547 = arith.constant 0 : i32
      %dma_start3A_548 = arith.constant 0 : i32
      %dma_start3A_549 = tpu.memref_slice %arg2[%dma_start3A_547, %dma_start3A_548] : memref<10000x160xbf16, #tpu.memory_space<hbm>> -> memref<10000x160xbf16, #tpu.memory_space<hbm>>
      tpu.enqueue_indirect_dma source(%dma_start3A_549 : memref<10000x160xbf16, #tpu.memory_space<hbm>>) target(%arg14 : memref<80x160xbf16, #tpu.memory_space<vmem>>) offsets(%dma_start3A_546 : memref<80xi32, #tpu.memory_space<vmem>>) semaphore(%arg23 : memref<!tpu.dma_semaphore, #tpu.memory_space<semaphore_mem>>)
      %dma_wait3A_550 = arith.constant 0 : i32
      %dma_wait3A_551 = arith.constant 0 : i32
      %dma_wait3A_552 = tpu.memref_slice %arg7[%dma_wait3A_550, %dma_wait3A_551] : memref<125x80xi32, #tpu.memory_space<vmem>> -> memref<1x80xi32, #tpu.memory_space<vmem>>
      %dma_wait3A_553 = tpu.memref_squeeze %dma_wait3A_552 : memref<1x80xi32, #tpu.memory_space<vmem>> -> memref<80xi32, #tpu.memory_space<vmem>>
      %dma_wait3A_554 = arith.constant 0 : i32
      %dma_wait3A_555 = arith.constant 0 : i32
      %dma_wait3A_556 = tpu.memref_slice %arg2[%dma_wait3A_554, %dma_wait3A_555] : memref<10000x160xbf16, #tpu.memory_space<hbm>> -> memref<10000x160xbf16, #tpu.memory_space<hbm>>
      tpu.wait_indirect_dma semaphore(%arg19 : memref<!tpu.dma_semaphore, #tpu.memory_space<semaphore_mem>>) src(%dma_wait3A_556 : memref<10000x160xbf16, #tpu.memory_space<hbm>>) dst(%arg10 : memref<80x160xbf16, #tpu.memory_space<vmem>>)
      %add3A_557 = arith.constant 5 : i32
      %add3A_558 = arith.addi %mul3A_375, %add3A_557 : i32
      %sub3A_559 = arith.constant 4 : i32
      %sub3A_560 = arith.subi %add3A_558, %sub3A_559 : i32
      %dma_start3A_561 = arith.constant 0 : i32
      %dma_start3A_562 = tpu.memref_slice %arg8[%sub3A_560, %dma_start3A_561] : memref<125x80xi32, #tpu.memory_space<vmem>> -> memref<1x80xi32, #tpu.memory_space<vmem>>
      %dma_start3A_563 = tpu.memref_squeeze %dma_start3A_562 : memref<1x80xi32, #tpu.memory_space<vmem>> -> memref<80xi32, #tpu.memory_space<vmem>>
      %dma_start3A_564 = arith.constant 0 : i32
      %dma_start3A_565 = arith.constant 0 : i32
      %dma_start3A_566 = tpu.memref_slice %arg17[%dma_start3A_564, %dma_start3A_565] : memref<10240x160xbf16, #tpu.memory_space<vmem_shared>> -> memref<10240x160xbf16, #tpu.memory_space<vmem_shared>>
      tpu.enqueue_indirect_dma source(%arg10 : memref<80x160xbf16, #tpu.memory_space<vmem>>) target(%dma_start3A_566 : memref<10240x160xbf16, #tpu.memory_space<vmem_shared>>) offsets(%dma_start3A_563 : memref<80xi32, #tpu.memory_space<vmem>>) semaphore(%arg27 : memref<!tpu.dma_semaphore, #tpu.memory_space<semaphore_mem>>) {add = true}
      %dma_wait3A_567 = arith.constant 0 : i32
      %dma_wait3A_568 = arith.constant 0 : i32
      %dma_wait3A_569 = tpu.memref_slice %arg8[%dma_wait3A_567, %dma_wait3A_568] : memref<125x80xi32, #tpu.memory_space<vmem>> -> memref<1x80xi32, #tpu.memory_space<vmem>>
      %dma_wait3A_570 = tpu.memref_squeeze %dma_wait3A_569 : memref<1x80xi32, #tpu.memory_space<vmem>> -> memref<80xi32, #tpu.memory_space<vmem>>
      %dma_wait3A_571 = arith.constant 0 : i32
      %dma_wait3A_572 = arith.constant 0 : i32
      %dma_wait3A_573 = tpu.memref_slice %arg17[%dma_wait3A_571, %dma_wait3A_572] : memref<10240x160xbf16, #tpu.memory_space<vmem_shared>> -> memref<10240x160xbf16, #tpu.memory_space<vmem_shared>>
      tpu.wait_indirect_dma semaphore(%arg32 : memref<!tpu.dma_semaphore, #tpu.memory_space<semaphore_mem>>) src(%arg15 : memref<80x160xbf16, #tpu.memory_space<vmem>>) dst(%dma_wait3A_573 : memref<10240x160xbf16, #tpu.memory_space<vmem_shared>>)
      %add3A_574 = arith.constant 6 : i32
      %add3A_575 = arith.addi %mul3A_375, %add3A_574 : i32
      %dma_start3A_576 = arith.constant 0 : i32
      %dma_start3A_577 = tpu.memref_slice %arg7[%add3A_575, %dma_start3A_576] : memref<125x80xi32, #tpu.memory_space<vmem>> -> memref<1x80xi32, #tpu.memory_space<vmem>>
      %dma_start3A_578 = tpu.memref_squeeze %dma_start3A_577 : memref<1x80xi32, #tpu.memory_space<vmem>> -> memref<80xi32, #tpu.memory_space<vmem>>
      %dma_start3A_579 = arith.constant 0 : i32
      %dma_start3A_580 = arith.constant 0 : i32
      %dma_start3A_581 = tpu.memref_slice %arg2[%dma_start3A_579, %dma_start3A_580] : memref<10000x160xbf16, #tpu.memory_space<hbm>> -> memref<10000x160xbf16, #tpu.memory_space<hbm>>
      tpu.enqueue_indirect_dma source(%dma_start3A_581 : memref<10000x160xbf16, #tpu.memory_space<hbm>>) target(%arg15 : memref<80x160xbf16, #tpu.memory_space<vmem>>) offsets(%dma_start3A_578 : memref<80xi32, #tpu.memory_space<vmem>>) semaphore(%arg24 : memref<!tpu.dma_semaphore, #tpu.memory_space<semaphore_mem>>)
      %dma_wait3A_582 = arith.constant 0 : i32
      %dma_wait3A_583 = arith.constant 0 : i32
      %dma_wait3A_584 = tpu.memref_slice %arg7[%dma_wait3A_582, %dma_wait3A_583] : memref<125x80xi32, #tpu.memory_space<vmem>> -> memref<1x80xi32, #tpu.memory_space<vmem>>
      %dma_wait3A_585 = tpu.memref_squeeze %dma_wait3A_584 : memref<1x80xi32, #tpu.memory_space<vmem>> -> memref<80xi32, #tpu.memory_space<vmem>>
      %dma_wait3A_586 = arith.constant 0 : i32
      %dma_wait3A_587 = arith.constant 0 : i32
      %dma_wait3A_588 = tpu.memref_slice %arg2[%dma_wait3A_586, %dma_wait3A_587] : memref<10000x160xbf16, #tpu.memory_space<hbm>> -> memref<10000x160xbf16, #tpu.memory_space<hbm>>
      tpu.wait_indirect_dma semaphore(%arg20 : memref<!tpu.dma_semaphore, #tpu.memory_space<semaphore_mem>>) src(%dma_wait3A_588 : memref<10000x160xbf16, #tpu.memory_space<hbm>>) dst(%arg11 : memref<80x160xbf16, #tpu.memory_space<vmem>>)
      %add3A_589 = arith.constant 6 : i32
      %add3A_590 = arith.addi %mul3A_375, %add3A_589 : i32
      %sub3A_591 = arith.constant 4 : i32
      %sub3A_592 = arith.subi %add3A_590, %sub3A_591 : i32
      %dma_start3A_593 = arith.constant 0 : i32
      %dma_start3A_594 = tpu.memref_slice %arg8[%sub3A_592, %dma_start3A_593] : memref<125x80xi32, #tpu.memory_space<vmem>> -> memref<1x80xi32, #tpu.memory_space<vmem>>
      %dma_start3A_595 = tpu.memref_squeeze %dma_start3A_594 : memref<1x80xi32, #tpu.memory_space<vmem>> -> memref<80xi32, #tpu.memory_space<vmem>>
      %dma_start3A_596 = arith.constant 0 : i32
      %dma_start3A_597 = arith.constant 0 : i32
      %dma_start3A_598 = tpu.memref_slice %arg17[%dma_start3A_596, %dma_start3A_597] : memref<10240x160xbf16, #tpu.memory_space<vmem_shared>> -> memref<10240x160xbf16, #tpu.memory_space<vmem_shared>>
      tpu.enqueue_indirect_dma source(%arg11 : memref<80x160xbf16, #tpu.memory_space<vmem>>) target(%dma_start3A_598 : memref<10240x160xbf16, #tpu.memory_space<vmem_shared>>) offsets(%dma_start3A_595 : memref<80xi32, #tpu.memory_space<vmem>>) semaphore(%arg28 : memref<!tpu.dma_semaphore, #tpu.memory_space<semaphore_mem>>) {add = true}
      %dma_wait3A_599 = arith.constant 0 : i32
      %dma_wait3A_600 = arith.constant 0 : i32
      %dma_wait3A_601 = tpu.memref_slice %arg8[%dma_wait3A_599, %dma_wait3A_600] : memref<125x80xi32, #tpu.memory_space<vmem>> -> memref<1x80xi32, #tpu.memory_space<vmem>>
      %dma_wait3A_602 = tpu.memref_squeeze %dma_wait3A_601 : memref<1x80xi32, #tpu.memory_space<vmem>> -> memref<80xi32, #tpu.memory_space<vmem>>
      %dma_wait3A_603 = arith.constant 0 : i32
      %dma_wait3A_604 = arith.constant 0 : i32
      %dma_wait3A_605 = tpu.memref_slice %arg17[%dma_wait3A_603, %dma_wait3A_604] : memref<10240x160xbf16, #tpu.memory_space<vmem_shared>> -> memref<10240x160xbf16, #tpu.memory_space<vmem_shared>>
      tpu.wait_indirect_dma semaphore(%arg33 : memref<!tpu.dma_semaphore, #tpu.memory_space<semaphore_mem>>) src(%arg16 : memref<80x160xbf16, #tpu.memory_space<vmem>>) dst(%dma_wait3A_605 : memref<10240x160xbf16, #tpu.memory_space<vmem_shared>>)
      %add3A_606 = arith.constant 7 : i32
      %add3A_607 = arith.addi %mul3A_375, %add3A_606 : i32
      %dma_start3A_608 = arith.constant 0 : i32
      %dma_start3A_609 = tpu.memref_slice %arg7[%add3A_607, %dma_start3A_608] : memref<125x80xi32, #tpu.memory_space<vmem>> -> memref<1x80xi32, #tpu.memory_space<vmem>>
      %dma_start3A_610 = tpu.memref_squeeze %dma_start3A_609 : memref<1x80xi32, #tpu.memory_space<vmem>> -> memref<80xi32, #tpu.memory_space<vmem>>
      %dma_start3A_611 = arith.constant 0 : i32
      %dma_start3A_612 = arith.constant 0 : i32
      %dma_start3A_613 = tpu.memref_slice %arg2[%dma_start3A_611, %dma_start3A_612] : memref<10000x160xbf16, #tpu.memory_space<hbm>> -> memref<10000x160xbf16, #tpu.memory_space<hbm>>
      tpu.enqueue_indirect_dma source(%dma_start3A_613 : memref<10000x160xbf16, #tpu.memory_space<hbm>>) target(%arg16 : memref<80x160xbf16, #tpu.memory_space<vmem>>) offsets(%dma_start3A_610 : memref<80xi32, #tpu.memory_space<vmem>>) semaphore(%arg25 : memref<!tpu.dma_semaphore, #tpu.memory_space<semaphore_mem>>)
      %dma_wait3A_614 = arith.constant 0 : i32
      %dma_wait3A_615 = arith.constant 0 : i32
      %dma_wait3A_616 = tpu.memref_slice %arg7[%dma_wait3A_614, %dma_wait3A_615] : memref<125x80xi32, #tpu.memory_space<vmem>> -> memref<1x80xi32, #tpu.memory_space<vmem>>
      %dma_wait3A_617 = tpu.memref_squeeze %dma_wait3A_616 : memref<1x80xi32, #tpu.memory_space<vmem>> -> memref<80xi32, #tpu.memory_space<vmem>>
      %dma_wait3A_618 = arith.constant 0 : i32
      %dma_wait3A_619 = arith.constant 0 : i32
      %dma_wait3A_620 = tpu.memref_slice %arg2[%dma_wait3A_618, %dma_wait3A_619] : memref<10000x160xbf16, #tpu.memory_space<hbm>> -> memref<10000x160xbf16, #tpu.memory_space<hbm>>
      tpu.wait_indirect_dma semaphore(%arg21 : memref<!tpu.dma_semaphore, #tpu.memory_space<semaphore_mem>>) src(%dma_wait3A_620 : memref<10000x160xbf16, #tpu.memory_space<hbm>>) dst(%arg12 : memref<80x160xbf16, #tpu.memory_space<vmem>>)
      %add3A_621 = arith.constant 7 : i32
      %add3A_622 = arith.addi %mul3A_375, %add3A_621 : i32
      %sub3A_623 = arith.constant 4 : i32
      %sub3A_624 = arith.subi %add3A_622, %sub3A_623 : i32
      %dma_start3A_625 = arith.constant 0 : i32
      %dma_start3A_626 = tpu.memref_slice %arg8[%sub3A_624, %dma_start3A_625] : memref<125x80xi32, #tpu.memory_space<vmem>> -> memref<1x80xi32, #tpu.memory_space<vmem>>
      %dma_start3A_627 = tpu.memref_squeeze %dma_start3A_626 : memref<1x80xi32, #tpu.memory_space<vmem>> -> memref<80xi32, #tpu.memory_space<vmem>>
      %dma_start3A_628 = arith.constant 0 : i32
      %dma_start3A_629 = arith.constant 0 : i32
      %dma_start3A_630 = tpu.memref_slice %arg17[%dma_start3A_628, %dma_start3A_629] : memref<10240x160xbf16, #tpu.memory_space<vmem_shared>> -> memref<10240x160xbf16, #tpu.memory_space<vmem_shared>>
      tpu.enqueue_indirect_dma source(%arg12 : memref<80x160xbf16, #tpu.memory_space<vmem>>) target(%dma_start3A_630 : memref<10240x160xbf16, #tpu.memory_space<vmem_shared>>) offsets(%dma_start3A_627 : memref<80xi32, #tpu.memory_space<vmem>>) semaphore(%arg29 : memref<!tpu.dma_semaphore, #tpu.memory_space<semaphore_mem>>) {add = true}
    }
    %scan3A_117 = arith.constant 14 : i32
    %dma_wait3A_118 = arith.constant 0 : i32
    %dma_wait3A_119 = arith.constant 0 : i32
    %dma_wait3A_120 = tpu.memref_slice %arg8[%dma_wait3A_118, %dma_wait3A_119] : memref<125x80xi32, #tpu.memory_space<vmem>> -> memref<1x80xi32, #tpu.memory_space<vmem>>
    %dma_wait3A_121 = tpu.memref_squeeze %dma_wait3A_120 : memref<1x80xi32, #tpu.memory_space<vmem>> -> memref<80xi32, #tpu.memory_space<vmem>>
    %dma_wait3A_122 = arith.constant 0 : i32
    %dma_wait3A_123 = arith.constant 0 : i32
    %dma_wait3A_124 = tpu.memref_slice %arg17[%dma_wait3A_122, %dma_wait3A_123] : memref<10240x160xbf16, #tpu.memory_space<vmem_shared>> -> memref<10240x160xbf16, #tpu.memory_space<vmem_shared>>
    tpu.wait_indirect_dma semaphore(%arg26 : memref<!tpu.dma_semaphore, #tpu.memory_space<semaphore_mem>>) src(%arg9 : memref<80x160xbf16, #tpu.memory_space<vmem>>) dst(%dma_wait3A_124 : memref<10240x160xbf16, #tpu.memory_space<vmem_shared>>)
    %dma_start3A_125 = arith.constant 120 : i32
    %dma_start3A_126 = arith.constant 0 : i32
    %dma_start3A_127 = tpu.memref_slice %arg7[%dma_start3A_125, %dma_start3A_126] : memref<125x80xi32, #tpu.memory_space<vmem>> -> memref<1x80xi32, #tpu.memory_space<vmem>>
    %dma_start3A_128 = tpu.memref_squeeze %dma_start3A_127 : memref<1x80xi32, #tpu.memory_space<vmem>> -> memref<80xi32, #tpu.memory_space<vmem>>
    %dma_start3A_129 = arith.constant 0 : i32
    %dma_start3A_130 = arith.constant 0 : i32
    %dma_start3A_131 = tpu.memref_slice %arg2[%dma_start3A_129, %dma_start3A_130] : memref<10000x160xbf16, #tpu.memory_space<hbm>> -> memref<10000x160xbf16, #tpu.memory_space<hbm>>
    tpu.enqueue_indirect_dma source(%dma_start3A_131 : memref<10000x160xbf16, #tpu.memory_space<hbm>>) target(%arg9 : memref<80x160xbf16, #tpu.memory_space<vmem>>) offsets(%dma_start3A_128 : memref<80xi32, #tpu.memory_space<vmem>>) semaphore(%arg18 : memref<!tpu.dma_semaphore, #tpu.memory_space<semaphore_mem>>)
    %dma_wait3A_132 = arith.constant 0 : i32
    %dma_wait3A_133 = arith.constant 0 : i32
    %dma_wait3A_134 = tpu.memref_slice %arg7[%dma_wait3A_132, %dma_wait3A_133] : memref<125x80xi32, #tpu.memory_space<vmem>> -> memref<1x80xi32, #tpu.memory_space<vmem>>
    %dma_wait3A_135 = tpu.memref_squeeze %dma_wait3A_134 : memref<1x80xi32, #tpu.memory_space<vmem>> -> memref<80xi32, #tpu.memory_space<vmem>>
    %dma_wait3A_136 = arith.constant 0 : i32
    %dma_wait3A_137 = arith.constant 0 : i32
    %dma_wait3A_138 = tpu.memref_slice %arg2[%dma_wait3A_136, %dma_wait3A_137] : memref<10000x160xbf16, #tpu.memory_space<hbm>> -> memref<10000x160xbf16, #tpu.memory_space<hbm>>
    tpu.wait_indirect_dma semaphore(%arg22 : memref<!tpu.dma_semaphore, #tpu.memory_space<semaphore_mem>>) src(%dma_wait3A_138 : memref<10000x160xbf16, #tpu.memory_space<hbm>>) dst(%arg13 : memref<80x160xbf16, #tpu.memory_space<vmem>>)
    %dma_start3A_139 = arith.constant 116 : i32
    %dma_start3A_140 = arith.constant 0 : i32
    %dma_start3A_141 = tpu.memref_slice %arg8[%dma_start3A_139, %dma_start3A_140] : memref<125x80xi32, #tpu.memory_space<vmem>> -> memref<1x80xi32, #tpu.memory_space<vmem>>
    %dma_start3A_142 = tpu.memref_squeeze %dma_start3A_141 : memref<1x80xi32, #tpu.memory_space<vmem>> -> memref<80xi32, #tpu.memory_space<vmem>>
    %dma_start3A_143 = arith.constant 0 : i32
    %dma_start3A_144 = arith.constant 0 : i32
    %dma_start3A_145 = tpu.memref_slice %arg17[%dma_start3A_143, %dma_start3A_144] : memref<10240x160xbf16, #tpu.memory_space<vmem_shared>> -> memref<10240x160xbf16, #tpu.memory_space<vmem_shared>>
    tpu.enqueue_indirect_dma source(%arg13 : memref<80x160xbf16, #tpu.memory_space<vmem>>) target(%dma_start3A_145 : memref<10240x160xbf16, #tpu.memory_space<vmem_shared>>) offsets(%dma_start3A_142 : memref<80xi32, #tpu.memory_space<vmem>>) semaphore(%arg30 : memref<!tpu.dma_semaphore, #tpu.memory_space<semaphore_mem>>) {add = true}
    %dma_wait3A_146 = arith.constant 0 : i32
    %dma_wait3A_147 = arith.constant 0 : i32
    %dma_wait3A_148 = tpu.memref_slice %arg8[%dma_wait3A_146, %dma_wait3A_147] : memref<125x80xi32, #tpu.memory_space<vmem>> -> memref<1x80xi32, #tpu.memory_space<vmem>>
    %dma_wait3A_149 = tpu.memref_squeeze %dma_wait3A_148 : memref<1x80xi32, #tpu.memory_space<vmem>> -> memref<80xi32, #tpu.memory_space<vmem>>
    %dma_wait3A_150 = arith.constant 0 : i32
    %dma_wait3A_151 = arith.constant 0 : i32
    %dma_wait3A_152 = tpu.memref_slice %arg17[%dma_wait3A_150, %dma_wait3A_151] : memref<10240x160xbf16, #tpu.memory_space<vmem_shared>> -> memref<10240x160xbf16, #tpu.memory_space<vmem_shared>>
    tpu.wait_indirect_dma semaphore(%arg27 : memref<!tpu.dma_semaphore, #tpu.memory_space<semaphore_mem>>) src(%arg10 : memref<80x160xbf16, #tpu.memory_space<vmem>>) dst(%dma_wait3A_152 : memref<10240x160xbf16, #tpu.memory_space<vmem_shared>>)
    %dma_start3A_153 = arith.constant 121 : i32
    %dma_start3A_154 = arith.constant 0 : i32
    %dma_start3A_155 = tpu.memref_slice %arg7[%dma_start3A_153, %dma_start3A_154] : memref<125x80xi32, #tpu.memory_space<vmem>> -> memref<1x80xi32, #tpu.memory_space<vmem>>
    %dma_start3A_156 = tpu.memref_squeeze %dma_start3A_155 : memref<1x80xi32, #tpu.memory_space<vmem>> -> memref<80xi32, #tpu.memory_space<vmem>>
    %dma_start3A_157 = arith.constant 0 : i32
    %dma_start3A_158 = arith.constant 0 : i32
    %dma_start3A_159 = tpu.memref_slice %arg2[%dma_start3A_157, %dma_start3A_158] : memref<10000x160xbf16, #tpu.memory_space<hbm>> -> memref<10000x160xbf16, #tpu.memory_space<hbm>>
    tpu.enqueue_indirect_dma source(%dma_start3A_159 : memref<10000x160xbf16, #tpu.memory_space<hbm>>) target(%arg10 : memref<80x160xbf16, #tpu.memory_space<vmem>>) offsets(%dma_start3A_156 : memref<80xi32, #tpu.memory_space<vmem>>) semaphore(%arg19 : memref<!tpu.dma_semaphore, #tpu.memory_space<semaphore_mem>>)
    %dma_wait3A_160 = arith.constant 0 : i32
    %dma_wait3A_161 = arith.constant 0 : i32
    %dma_wait3A_162 = tpu.memref_slice %arg7[%dma_wait3A_160, %dma_wait3A_161] : memref<125x80xi32, #tpu.memory_space<vmem>> -> memref<1x80xi32, #tpu.memory_space<vmem>>
    %dma_wait3A_163 = tpu.memref_squeeze %dma_wait3A_162 : memref<1x80xi32, #tpu.memory_space<vmem>> -> memref<80xi32, #tpu.memory_space<vmem>>
    %dma_wait3A_164 = arith.constant 0 : i32
    %dma_wait3A_165 = arith.constant 0 : i32
    %dma_wait3A_166 = tpu.memref_slice %arg2[%dma_wait3A_164, %dma_wait3A_165] : memref<10000x160xbf16, #tpu.memory_space<hbm>> -> memref<10000x160xbf16, #tpu.memory_space<hbm>>
    tpu.wait_indirect_dma semaphore(%arg23 : memref<!tpu.dma_semaphore, #tpu.memory_space<semaphore_mem>>) src(%dma_wait3A_166 : memref<10000x160xbf16, #tpu.memory_space<hbm>>) dst(%arg14 : memref<80x160xbf16, #tpu.memory_space<vmem>>)
    %dma_start3A_167 = arith.constant 117 : i32
    %dma_start3A_168 = arith.constant 0 : i32
    %dma_start3A_169 = tpu.memref_slice %arg8[%dma_start3A_167, %dma_start3A_168] : memref<125x80xi32, #tpu.memory_space<vmem>> -> memref<1x80xi32, #tpu.memory_space<vmem>>
    %dma_start3A_170 = tpu.memref_squeeze %dma_start3A_169 : memref<1x80xi32, #tpu.memory_space<vmem>> -> memref<80xi32, #tpu.memory_space<vmem>>
    %dma_start3A_171 = arith.constant 0 : i32
    %dma_start3A_172 = arith.constant 0 : i32
    %dma_start3A_173 = tpu.memref_slice %arg17[%dma_start3A_171, %dma_start3A_172] : memref<10240x160xbf16, #tpu.memory_space<vmem_shared>> -> memref<10240x160xbf16, #tpu.memory_space<vmem_shared>>
    tpu.enqueue_indirect_dma source(%arg14 : memref<80x160xbf16, #tpu.memory_space<vmem>>) target(%dma_start3A_173 : memref<10240x160xbf16, #tpu.memory_space<vmem_shared>>) offsets(%dma_start3A_170 : memref<80xi32, #tpu.memory_space<vmem>>) semaphore(%arg31 : memref<!tpu.dma_semaphore, #tpu.memory_space<semaphore_mem>>) {add = true}
    %dma_wait3A_174 = arith.constant 0 : i32
    %dma_wait3A_175 = arith.constant 0 : i32
    %dma_wait3A_176 = tpu.memref_slice %arg8[%dma_wait3A_174, %dma_wait3A_175] : memref<125x80xi32, #tpu.memory_space<vmem>> -> memref<1x80xi32, #tpu.memory_space<vmem>>
    %dma_wait3A_177 = tpu.memref_squeeze %dma_wait3A_176 : memref<1x80xi32, #tpu.memory_space<vmem>> -> memref<80xi32, #tpu.memory_space<vmem>>
    %dma_wait3A_178 = arith.constant 0 : i32
    %dma_wait3A_179 = arith.constant 0 : i32
    %dma_wait3A_180 = tpu.memref_slice %arg17[%dma_wait3A_178, %dma_wait3A_179] : memref<10240x160xbf16, #tpu.memory_space<vmem_shared>> -> memref<10240x160xbf16, #tpu.memory_space<vmem_shared>>
    tpu.wait_indirect_dma semaphore(%arg28 : memref<!tpu.dma_semaphore, #tpu.memory_space<semaphore_mem>>) src(%arg11 : memref<80x160xbf16, #tpu.memory_space<vmem>>) dst(%dma_wait3A_180 : memref<10240x160xbf16, #tpu.memory_space<vmem_shared>>)
    %dma_start3A_181 = arith.constant 122 : i32
    %dma_start3A_182 = arith.constant 0 : i32
    %dma_start3A_183 = tpu.memref_slice %arg7[%dma_start3A_181, %dma_start3A_182] : memref<125x80xi32, #tpu.memory_space<vmem>> -> memref<1x80xi32, #tpu.memory_space<vmem>>
    %dma_start3A_184 = tpu.memref_squeeze %dma_start3A_183 : memref<1x80xi32, #tpu.memory_space<vmem>> -> memref<80xi32, #tpu.memory_space<vmem>>
    %dma_start3A_185 = arith.constant 0 : i32
    %dma_start3A_186 = arith.constant 0 : i32
    %dma_start3A_187 = tpu.memref_slice %arg2[%dma_start3A_185, %dma_start3A_186] : memref<10000x160xbf16, #tpu.memory_space<hbm>> -> memref<10000x160xbf16, #tpu.memory_space<hbm>>
    tpu.enqueue_indirect_dma source(%dma_start3A_187 : memref<10000x160xbf16, #tpu.memory_space<hbm>>) target(%arg11 : memref<80x160xbf16, #tpu.memory_space<vmem>>) offsets(%dma_start3A_184 : memref<80xi32, #tpu.memory_space<vmem>>) semaphore(%arg20 : memref<!tpu.dma_semaphore, #tpu.memory_space<semaphore_mem>>)
    %dma_wait3A_188 = arith.constant 0 : i32
    %dma_wait3A_189 = arith.constant 0 : i32
    %dma_wait3A_190 = tpu.memref_slice %arg7[%dma_wait3A_188, %dma_wait3A_189] : memref<125x80xi32, #tpu.memory_space<vmem>> -> memref<1x80xi32, #tpu.memory_space<vmem>>
    %dma_wait3A_191 = tpu.memref_squeeze %dma_wait3A_190 : memref<1x80xi32, #tpu.memory_space<vmem>> -> memref<80xi32, #tpu.memory_space<vmem>>
    %dma_wait3A_192 = arith.constant 0 : i32
    %dma_wait3A_193 = arith.constant 0 : i32
    %dma_wait3A_194 = tpu.memref_slice %arg2[%dma_wait3A_192, %dma_wait3A_193] : memref<10000x160xbf16, #tpu.memory_space<hbm>> -> memref<10000x160xbf16, #tpu.memory_space<hbm>>
    tpu.wait_indirect_dma semaphore(%arg24 : memref<!tpu.dma_semaphore, #tpu.memory_space<semaphore_mem>>) src(%dma_wait3A_194 : memref<10000x160xbf16, #tpu.memory_space<hbm>>) dst(%arg15 : memref<80x160xbf16, #tpu.memory_space<vmem>>)
    %dma_start3A_195 = arith.constant 118 : i32
    %dma_start3A_196 = arith.constant 0 : i32
    %dma_start3A_197 = tpu.memref_slice %arg8[%dma_start3A_195, %dma_start3A_196] : memref<125x80xi32, #tpu.memory_space<vmem>> -> memref<1x80xi32, #tpu.memory_space<vmem>>
    %dma_start3A_198 = tpu.memref_squeeze %dma_start3A_197 : memref<1x80xi32, #tpu.memory_space<vmem>> -> memref<80xi32, #tpu.memory_space<vmem>>
    %dma_start3A_199 = arith.constant 0 : i32
    %dma_start3A_200 = arith.constant 0 : i32
    %dma_start3A_201 = tpu.memref_slice %arg17[%dma_start3A_199, %dma_start3A_200] : memref<10240x160xbf16, #tpu.memory_space<vmem_shared>> -> memref<10240x160xbf16, #tpu.memory_space<vmem_shared>>
    tpu.enqueue_indirect_dma source(%arg15 : memref<80x160xbf16, #tpu.memory_space<vmem>>) target(%dma_start3A_201 : memref<10240x160xbf16, #tpu.memory_space<vmem_shared>>) offsets(%dma_start3A_198 : memref<80xi32, #tpu.memory_space<vmem>>) semaphore(%arg32 : memref<!tpu.dma_semaphore, #tpu.memory_space<semaphore_mem>>) {add = true}
    %dma_wait3A_202 = arith.constant 0 : i32
    %dma_wait3A_203 = arith.constant 0 : i32
    %dma_wait3A_204 = tpu.memref_slice %arg8[%dma_wait3A_202, %dma_wait3A_203] : memref<125x80xi32, #tpu.memory_space<vmem>> -> memref<1x80xi32, #tpu.memory_space<vmem>>
    %dma_wait3A_205 = tpu.memref_squeeze %dma_wait3A_204 : memref<1x80xi32, #tpu.memory_space<vmem>> -> memref<80xi32, #tpu.memory_space<vmem>>
    %dma_wait3A_206 = arith.constant 0 : i32
    %dma_wait3A_207 = arith.constant 0 : i32
    %dma_wait3A_208 = tpu.memref_slice %arg17[%dma_wait3A_206, %dma_wait3A_207] : memref<10240x160xbf16, #tpu.memory_space<vmem_shared>> -> memref<10240x160xbf16, #tpu.memory_space<vmem_shared>>
    tpu.wait_indirect_dma semaphore(%arg29 : memref<!tpu.dma_semaphore, #tpu.memory_space<semaphore_mem>>) src(%arg12 : memref<80x160xbf16, #tpu.memory_space<vmem>>) dst(%dma_wait3A_208 : memref<10240x160xbf16, #tpu.memory_space<vmem_shared>>)
    %dma_start3A_209 = arith.constant 123 : i32
    %dma_start3A_210 = arith.constant 0 : i32
    %dma_start3A_211 = tpu.memref_slice %arg7[%dma_start3A_209, %dma_start3A_210] : memref<125x80xi32, #tpu.memory_space<vmem>> -> memref<1x80xi32, #tpu.memory_space<vmem>>
    %dma_start3A_212 = tpu.memref_squeeze %dma_start3A_211 : memref<1x80xi32, #tpu.memory_space<vmem>> -> memref<80xi32, #tpu.memory_space<vmem>>
    %dma_start3A_213 = arith.constant 0 : i32
    %dma_start3A_214 = arith.constant 0 : i32
    %dma_start3A_215 = tpu.memref_slice %arg2[%dma_start3A_213, %dma_start3A_214] : memref<10000x160xbf16, #tpu.memory_space<hbm>> -> memref<10000x160xbf16, #tpu.memory_space<hbm>>
    tpu.enqueue_indirect_dma source(%dma_start3A_215 : memref<10000x160xbf16, #tpu.memory_space<hbm>>) target(%arg12 : memref<80x160xbf16, #tpu.memory_space<vmem>>) offsets(%dma_start3A_212 : memref<80xi32, #tpu.memory_space<vmem>>) semaphore(%arg21 : memref<!tpu.dma_semaphore, #tpu.memory_space<semaphore_mem>>)
    %dma_wait3A_216 = arith.constant 0 : i32
    %dma_wait3A_217 = arith.constant 0 : i32
    %dma_wait3A_218 = tpu.memref_slice %arg7[%dma_wait3A_216, %dma_wait3A_217] : memref<125x80xi32, #tpu.memory_space<vmem>> -> memref<1x80xi32, #tpu.memory_space<vmem>>
    %dma_wait3A_219 = tpu.memref_squeeze %dma_wait3A_218 : memref<1x80xi32, #tpu.memory_space<vmem>> -> memref<80xi32, #tpu.memory_space<vmem>>
    %dma_wait3A_220 = arith.constant 0 : i32
    %dma_wait3A_221 = arith.constant 0 : i32
    %dma_wait3A_222 = tpu.memref_slice %arg2[%dma_wait3A_220, %dma_wait3A_221] : memref<10000x160xbf16, #tpu.memory_space<hbm>> -> memref<10000x160xbf16, #tpu.memory_space<hbm>>
    tpu.wait_indirect_dma semaphore(%arg25 : memref<!tpu.dma_semaphore, #tpu.memory_space<semaphore_mem>>) src(%dma_wait3A_222 : memref<10000x160xbf16, #tpu.memory_space<hbm>>) dst(%arg16 : memref<80x160xbf16, #tpu.memory_space<vmem>>)
    %dma_start3A_223 = arith.constant 119 : i32
    %dma_start3A_224 = arith.constant 0 : i32
    %dma_start3A_225 = tpu.memref_slice %arg8[%dma_start3A_223, %dma_start3A_224] : memref<125x80xi32, #tpu.memory_space<vmem>> -> memref<1x80xi32, #tpu.memory_space<vmem>>
    %dma_start3A_226 = tpu.memref_squeeze %dma_start3A_225 : memref<1x80xi32, #tpu.memory_space<vmem>> -> memref<80xi32, #tpu.memory_space<vmem>>
    %dma_start3A_227 = arith.constant 0 : i32
    %dma_start3A_228 = arith.constant 0 : i32
    %dma_start3A_229 = tpu.memref_slice %arg17[%dma_start3A_227, %dma_start3A_228] : memref<10240x160xbf16, #tpu.memory_space<vmem_shared>> -> memref<10240x160xbf16, #tpu.memory_space<vmem_shared>>
    tpu.enqueue_indirect_dma source(%arg16 : memref<80x160xbf16, #tpu.memory_space<vmem>>) target(%dma_start3A_229 : memref<10240x160xbf16, #tpu.memory_space<vmem_shared>>) offsets(%dma_start3A_226 : memref<80xi32, #tpu.memory_space<vmem>>) semaphore(%arg33 : memref<!tpu.dma_semaphore, #tpu.memory_space<semaphore_mem>>) {add = true}
    %dma_wait3A_230 = arith.constant 0 : i32
    %dma_wait3A_231 = arith.constant 0 : i32
    %dma_wait3A_232 = tpu.memref_slice %arg8[%dma_wait3A_230, %dma_wait3A_231] : memref<125x80xi32, #tpu.memory_space<vmem>> -> memref<1x80xi32, #tpu.memory_space<vmem>>
    %dma_wait3A_233 = tpu.memref_squeeze %dma_wait3A_232 : memref<1x80xi32, #tpu.memory_space<vmem>> -> memref<80xi32, #tpu.memory_space<vmem>>
    %dma_wait3A_234 = arith.constant 0 : i32
    %dma_wait3A_235 = arith.constant 0 : i32
    %dma_wait3A_236 = tpu.memref_slice %arg17[%dma_wait3A_234, %dma_wait3A_235] : memref<10240x160xbf16, #tpu.memory_space<vmem_shared>> -> memref<10240x160xbf16, #tpu.memory_space<vmem_shared>>
    tpu.wait_indirect_dma semaphore(%arg30 : memref<!tpu.dma_semaphore, #tpu.memory_space<semaphore_mem>>) src(%arg13 : memref<80x160xbf16, #tpu.memory_space<vmem>>) dst(%dma_wait3A_236 : memref<10240x160xbf16, #tpu.memory_space<vmem_shared>>)
    %dma_start3A_237 = arith.constant 124 : i32
    %dma_start3A_238 = arith.constant 0 : i32
    %dma_start3A_239 = tpu.memref_slice %arg7[%dma_start3A_237, %dma_start3A_238] : memref<125x80xi32, #tpu.memory_space<vmem>> -> memref<1x80xi32, #tpu.memory_space<vmem>>
    %dma_start3A_240 = tpu.memref_squeeze %dma_start3A_239 : memref<1x80xi32, #tpu.memory_space<vmem>> -> memref<80xi32, #tpu.memory_space<vmem>>
    %dma_start3A_241 = arith.constant 0 : i32
    %dma_start3A_242 = arith.constant 0 : i32
    %dma_start3A_243 = tpu.memref_slice %arg2[%dma_start3A_241, %dma_start3A_242] : memref<10000x160xbf16, #tpu.memory_space<hbm>> -> memref<10000x160xbf16, #tpu.memory_space<hbm>>
    tpu.enqueue_indirect_dma source(%dma_start3A_243 : memref<10000x160xbf16, #tpu.memory_space<hbm>>) target(%arg13 : memref<80x160xbf16, #tpu.memory_space<vmem>>) offsets(%dma_start3A_240 : memref<80xi32, #tpu.memory_space<vmem>>) semaphore(%arg22 : memref<!tpu.dma_semaphore, #tpu.memory_space<semaphore_mem>>)
    %dma_wait3A_244 = arith.constant 0 : i32
    %dma_wait3A_245 = arith.constant 0 : i32
    %dma_wait3A_246 = tpu.memref_slice %arg7[%dma_wait3A_244, %dma_wait3A_245] : memref<125x80xi32, #tpu.memory_space<vmem>> -> memref<1x80xi32, #tpu.memory_space<vmem>>
    %dma_wait3A_247 = tpu.memref_squeeze %dma_wait3A_246 : memref<1x80xi32, #tpu.memory_space<vmem>> -> memref<80xi32, #tpu.memory_space<vmem>>
    %dma_wait3A_248 = arith.constant 0 : i32
    %dma_wait3A_249 = arith.constant 0 : i32
    %dma_wait3A_250 = tpu.memref_slice %arg2[%dma_wait3A_248, %dma_wait3A_249] : memref<10000x160xbf16, #tpu.memory_space<hbm>> -> memref<10000x160xbf16, #tpu.memory_space<hbm>>
    tpu.wait_indirect_dma semaphore(%arg18 : memref<!tpu.dma_semaphore, #tpu.memory_space<semaphore_mem>>) src(%dma_wait3A_250 : memref<10000x160xbf16, #tpu.memory_space<hbm>>) dst(%arg9 : memref<80x160xbf16, #tpu.memory_space<vmem>>)
    %dma_start3A_251 = arith.constant 120 : i32
    %dma_start3A_252 = arith.constant 0 : i32
    %dma_start3A_253 = tpu.memref_slice %arg8[%dma_start3A_251, %dma_start3A_252] : memref<125x80xi32, #tpu.memory_space<vmem>> -> memref<1x80xi32, #tpu.memory_space<vmem>>
    %dma_start3A_254 = tpu.memref_squeeze %dma_start3A_253 : memref<1x80xi32, #tpu.memory_space<vmem>> -> memref<80xi32, #tpu.memory_space<vmem>>
    %dma_start3A_255 = arith.constant 0 : i32
    %dma_start3A_256 = arith.constant 0 : i32
    %dma_start3A_257 = tpu.memref_slice %arg17[%dma_start3A_255, %dma_start3A_256] : memref<10240x160xbf16, #tpu.memory_space<vmem_shared>> -> memref<10240x160xbf16, #tpu.memory_space<vmem_shared>>
    tpu.enqueue_indirect_dma source(%arg9 : memref<80x160xbf16, #tpu.memory_space<vmem>>) target(%dma_start3A_257 : memref<10240x160xbf16, #tpu.memory_space<vmem_shared>>) offsets(%dma_start3A_254 : memref<80xi32, #tpu.memory_space<vmem>>) semaphore(%arg26 : memref<!tpu.dma_semaphore, #tpu.memory_space<semaphore_mem>>) {add = true}
    %dma_wait3A_258 = arith.constant 0 : i32
    %dma_wait3A_259 = arith.constant 0 : i32
    %dma_wait3A_260 = tpu.memref_slice %arg7[%dma_wait3A_258, %dma_wait3A_259] : memref<125x80xi32, #tpu.memory_space<vmem>> -> memref<1x80xi32, #tpu.memory_space<vmem>>
    %dma_wait3A_261 = tpu.memref_squeeze %dma_wait3A_260 : memref<1x80xi32, #tpu.memory_space<vmem>> -> memref<80xi32, #tpu.memory_space<vmem>>
    %dma_wait3A_262 = arith.constant 0 : i32
    %dma_wait3A_263 = arith.constant 0 : i32
    %dma_wait3A_264 = tpu.memref_slice %arg2[%dma_wait3A_262, %dma_wait3A_263] : memref<10000x160xbf16, #tpu.memory_space<hbm>> -> memref<10000x160xbf16, #tpu.memory_space<hbm>>
    tpu.wait_indirect_dma semaphore(%arg19 : memref<!tpu.dma_semaphore, #tpu.memory_space<semaphore_mem>>) src(%dma_wait3A_264 : memref<10000x160xbf16, #tpu.memory_space<hbm>>) dst(%arg10 : memref<80x160xbf16, #tpu.memory_space<vmem>>)
    %dma_start3A_265 = arith.constant 121 : i32
    %dma_start3A_266 = arith.constant 0 : i32
    %dma_start3A_267 = tpu.memref_slice %arg8[%dma_start3A_265, %dma_start3A_266] : memref<125x80xi32, #tpu.memory_space<vmem>> -> memref<1x80xi32, #tpu.memory_space<vmem>>
    %dma_start3A_268 = tpu.memref_squeeze %dma_start3A_267 : memref<1x80xi32, #tpu.memory_space<vmem>> -> memref<80xi32, #tpu.memory_space<vmem>>
    %dma_start3A_269 = arith.constant 0 : i32
    %dma_start3A_270 = arith.constant 0 : i32
    %dma_start3A_271 = tpu.memref_slice %arg17[%dma_start3A_269, %dma_start3A_270] : memref<10240x160xbf16, #tpu.memory_space<vmem_shared>> -> memref<10240x160xbf16, #tpu.memory_space<vmem_shared>>
    tpu.enqueue_indirect_dma source(%arg10 : memref<80x160xbf16, #tpu.memory_space<vmem>>) target(%dma_start3A_271 : memref<10240x160xbf16, #tpu.memory_space<vmem_shared>>) offsets(%dma_start3A_268 : memref<80xi32, #tpu.memory_space<vmem>>) semaphore(%arg27 : memref<!tpu.dma_semaphore, #tpu.memory_space<semaphore_mem>>) {add = true}
    %dma_wait3A_272 = arith.constant 0 : i32
    %dma_wait3A_273 = arith.constant 0 : i32
    %dma_wait3A_274 = tpu.memref_slice %arg7[%dma_wait3A_272, %dma_wait3A_273] : memref<125x80xi32, #tpu.memory_space<vmem>> -> memref<1x80xi32, #tpu.memory_space<vmem>>
    %dma_wait3A_275 = tpu.memref_squeeze %dma_wait3A_274 : memref<1x80xi32, #tpu.memory_space<vmem>> -> memref<80xi32, #tpu.memory_space<vmem>>
    %dma_wait3A_276 = arith.constant 0 : i32
    %dma_wait3A_277 = arith.constant 0 : i32
    %dma_wait3A_278 = tpu.memref_slice %arg2[%dma_wait3A_276, %dma_wait3A_277] : memref<10000x160xbf16, #tpu.memory_space<hbm>> -> memref<10000x160xbf16, #tpu.memory_space<hbm>>
    tpu.wait_indirect_dma semaphore(%arg20 : memref<!tpu.dma_semaphore, #tpu.memory_space<semaphore_mem>>) src(%dma_wait3A_278 : memref<10000x160xbf16, #tpu.memory_space<hbm>>) dst(%arg11 : memref<80x160xbf16, #tpu.memory_space<vmem>>)
    %dma_start3A_279 = arith.constant 122 : i32
    %dma_start3A_280 = arith.constant 0 : i32
    %dma_start3A_281 = tpu.memref_slice %arg8[%dma_start3A_279, %dma_start3A_280] : memref<125x80xi32, #tpu.memory_space<vmem>> -> memref<1x80xi32, #tpu.memory_space<vmem>>
    %dma_start3A_282 = tpu.memref_squeeze %dma_start3A_281 : memref<1x80xi32, #tpu.memory_space<vmem>> -> memref<80xi32, #tpu.memory_space<vmem>>
    %dma_start3A_283 = arith.constant 0 : i32
    %dma_start3A_284 = arith.constant 0 : i32
    %dma_start3A_285 = tpu.memref_slice %arg17[%dma_start3A_283, %dma_start3A_284] : memref<10240x160xbf16, #tpu.memory_space<vmem_shared>> -> memref<10240x160xbf16, #tpu.memory_space<vmem_shared>>
    tpu.enqueue_indirect_dma source(%arg11 : memref<80x160xbf16, #tpu.memory_space<vmem>>) target(%dma_start3A_285 : memref<10240x160xbf16, #tpu.memory_space<vmem_shared>>) offsets(%dma_start3A_282 : memref<80xi32, #tpu.memory_space<vmem>>) semaphore(%arg28 : memref<!tpu.dma_semaphore, #tpu.memory_space<semaphore_mem>>) {add = true}
    %dma_wait3A_286 = arith.constant 0 : i32
    %dma_wait3A_287 = arith.constant 0 : i32
    %dma_wait3A_288 = tpu.memref_slice %arg7[%dma_wait3A_286, %dma_wait3A_287] : memref<125x80xi32, #tpu.memory_space<vmem>> -> memref<1x80xi32, #tpu.memory_space<vmem>>
    %dma_wait3A_289 = tpu.memref_squeeze %dma_wait3A_288 : memref<1x80xi32, #tpu.memory_space<vmem>> -> memref<80xi32, #tpu.memory_space<vmem>>
    %dma_wait3A_290 = arith.constant 0 : i32
    %dma_wait3A_291 = arith.constant 0 : i32
    %dma_wait3A_292 = tpu.memref_slice %arg2[%dma_wait3A_290, %dma_wait3A_291] : memref<10000x160xbf16, #tpu.memory_space<hbm>> -> memref<10000x160xbf16, #tpu.memory_space<hbm>>
    tpu.wait_indirect_dma semaphore(%arg21 : memref<!tpu.dma_semaphore, #tpu.memory_space<semaphore_mem>>) src(%dma_wait3A_292 : memref<10000x160xbf16, #tpu.memory_space<hbm>>) dst(%arg12 : memref<80x160xbf16, #tpu.memory_space<vmem>>)
    %dma_start3A_293 = arith.constant 123 : i32
    %dma_start3A_294 = arith.constant 0 : i32
    %dma_start3A_295 = tpu.memref_slice %arg8[%dma_start3A_293, %dma_start3A_294] : memref<125x80xi32, #tpu.memory_space<vmem>> -> memref<1x80xi32, #tpu.memory_space<vmem>>
    %dma_start3A_296 = tpu.memref_squeeze %dma_start3A_295 : memref<1x80xi32, #tpu.memory_space<vmem>> -> memref<80xi32, #tpu.memory_space<vmem>>
    %dma_start3A_297 = arith.constant 0 : i32
    %dma_start3A_298 = arith.constant 0 : i32
    %dma_start3A_299 = tpu.memref_slice %arg17[%dma_start3A_297, %dma_start3A_298] : memref<10240x160xbf16, #tpu.memory_space<vmem_shared>> -> memref<10240x160xbf16, #tpu.memory_space<vmem_shared>>
    tpu.enqueue_indirect_dma source(%arg12 : memref<80x160xbf16, #tpu.memory_space<vmem>>) target(%dma_start3A_299 : memref<10240x160xbf16, #tpu.memory_space<vmem_shared>>) offsets(%dma_start3A_296 : memref<80xi32, #tpu.memory_space<vmem>>) semaphore(%arg29 : memref<!tpu.dma_semaphore, #tpu.memory_space<semaphore_mem>>) {add = true}
    %dma_wait3A_300 = arith.constant 0 : i32
    %dma_wait3A_301 = arith.constant 0 : i32
    %dma_wait3A_302 = tpu.memref_slice %arg7[%dma_wait3A_300, %dma_wait3A_301] : memref<125x80xi32, #tpu.memory_space<vmem>> -> memref<1x80xi32, #tpu.memory_space<vmem>>
    %dma_wait3A_303 = tpu.memref_squeeze %dma_wait3A_302 : memref<1x80xi32, #tpu.memory_space<vmem>> -> memref<80xi32, #tpu.memory_space<vmem>>
    %dma_wait3A_304 = arith.constant 0 : i32
    %dma_wait3A_305 = arith.constant 0 : i32
    %dma_wait3A_306 = tpu.memref_slice %arg2[%dma_wait3A_304, %dma_wait3A_305] : memref<10000x160xbf16, #tpu.memory_space<hbm>> -> memref<10000x160xbf16, #tpu.memory_space<hbm>>
    tpu.wait_indirect_dma semaphore(%arg22 : memref<!tpu.dma_semaphore, #tpu.memory_space<semaphore_mem>>) src(%dma_wait3A_306 : memref<10000x160xbf16, #tpu.memory_space<hbm>>) dst(%arg13 : memref<80x160xbf16, #tpu.memory_space<vmem>>)
    %dma_start3A_307 = arith.constant 124 : i32
    %dma_start3A_308 = arith.constant 0 : i32
    %dma_start3A_309 = tpu.memref_slice %arg8[%dma_start3A_307, %dma_start3A_308] : memref<125x80xi32, #tpu.memory_space<vmem>> -> memref<1x80xi32, #tpu.memory_space<vmem>>
    %dma_start3A_310 = tpu.memref_squeeze %dma_start3A_309 : memref<1x80xi32, #tpu.memory_space<vmem>> -> memref<80xi32, #tpu.memory_space<vmem>>
    %dma_start3A_311 = arith.constant 0 : i32
    %dma_start3A_312 = arith.constant 0 : i32
    %dma_start3A_313 = tpu.memref_slice %arg17[%dma_start3A_311, %dma_start3A_312] : memref<10240x160xbf16, #tpu.memory_space<vmem_shared>> -> memref<10240x160xbf16, #tpu.memory_space<vmem_shared>>
    tpu.enqueue_indirect_dma source(%arg13 : memref<80x160xbf16, #tpu.memory_space<vmem>>) target(%dma_start3A_313 : memref<10240x160xbf16, #tpu.memory_space<vmem_shared>>) offsets(%dma_start3A_310 : memref<80xi32, #tpu.memory_space<vmem>>) semaphore(%arg30 : memref<!tpu.dma_semaphore, #tpu.memory_space<semaphore_mem>>) {add = true}
    %dma_wait3A_314 = arith.constant 0 : i32
    %dma_wait3A_315 = arith.constant 0 : i32
    %dma_wait3A_316 = tpu.memref_slice %arg8[%dma_wait3A_314, %dma_wait3A_315] : memref<125x80xi32, #tpu.memory_space<vmem>> -> memref<1x80xi32, #tpu.memory_space<vmem>>
    %dma_wait3A_317 = tpu.memref_squeeze %dma_wait3A_316 : memref<1x80xi32, #tpu.memory_space<vmem>> -> memref<80xi32, #tpu.memory_space<vmem>>
    %dma_wait3A_318 = arith.constant 0 : i32
    %dma_wait3A_319 = arith.constant 0 : i32
    %dma_wait3A_320 = tpu.memref_slice %arg17[%dma_wait3A_318, %dma_wait3A_319] : memref<10240x160xbf16, #tpu.memory_space<vmem_shared>> -> memref<10240x160xbf16, #tpu.memory_space<vmem_shared>>
    tpu.wait_indirect_dma semaphore(%arg26 : memref<!tpu.dma_semaphore, #tpu.memory_space<semaphore_mem>>) src(%arg9 : memref<80x160xbf16, #tpu.memory_space<vmem>>) dst(%dma_wait3A_320 : memref<10240x160xbf16, #tpu.memory_space<vmem_shared>>)
    %dma_wait3A_321 = arith.constant 0 : i32
    %dma_wait3A_322 = arith.constant 0 : i32
    %dma_wait3A_323 = tpu.memref_slice %arg8[%dma_wait3A_321, %dma_wait3A_322] : memref<125x80xi32, #tpu.memory_space<vmem>> -> memref<1x80xi32, #tpu.memory_space<vmem>>
    %dma_wait3A_324 = tpu.memref_squeeze %dma_wait3A_323 : memref<1x80xi32, #tpu.memory_space<vmem>> -> memref<80xi32, #tpu.memory_space<vmem>>
    %dma_wait3A_325 = arith.constant 0 : i32
    %dma_wait3A_326 = arith.constant 0 : i32
    %dma_wait3A_327 = tpu.memref_slice %arg17[%dma_wait3A_325, %dma_wait3A_326] : memref<10240x160xbf16, #tpu.memory_space<vmem_shared>> -> memref<10240x160xbf16, #tpu.memory_space<vmem_shared>>
    tpu.wait_indirect_dma semaphore(%arg27 : memref<!tpu.dma_semaphore, #tpu.memory_space<semaphore_mem>>) src(%arg10 : memref<80x160xbf16, #tpu.memory_space<vmem>>) dst(%dma_wait3A_327 : memref<10240x160xbf16, #tpu.memory_space<vmem_shared>>)
    %dma_wait3A_328 = arith.constant 0 : i32
    %dma_wait3A_329 = arith.constant 0 : i32
    %dma_wait3A_330 = tpu.memref_slice %arg8[%dma_wait3A_328, %dma_wait3A_329] : memref<125x80xi32, #tpu.memory_space<vmem>> -> memref<1x80xi32, #tpu.memory_space<vmem>>
    %dma_wait3A_331 = tpu.memref_squeeze %dma_wait3A_330 : memref<1x80xi32, #tpu.memory_space<vmem>> -> memref<80xi32, #tpu.memory_space<vmem>>
    %dma_wait3A_332 = arith.constant 0 : i32
    %dma_wait3A_333 = arith.constant 0 : i32
    %dma_wait3A_334 = tpu.memref_slice %arg17[%dma_wait3A_332, %dma_wait3A_333] : memref<10240x160xbf16, #tpu.memory_space<vmem_shared>> -> memref<10240x160xbf16, #tpu.memory_space<vmem_shared>>
    tpu.wait_indirect_dma semaphore(%arg28 : memref<!tpu.dma_semaphore, #tpu.memory_space<semaphore_mem>>) src(%arg11 : memref<80x160xbf16, #tpu.memory_space<vmem>>) dst(%dma_wait3A_334 : memref<10240x160xbf16, #tpu.memory_space<vmem_shared>>)
    %dma_wait3A_335 = arith.constant 0 : i32
    %dma_wait3A_336 = arith.constant 0 : i32
    %dma_wait3A_337 = tpu.memref_slice %arg8[%dma_wait3A_335, %dma_wait3A_336] : memref<125x80xi32, #tpu.memory_space<vmem>> -> memref<1x80xi32, #tpu.memory_space<vmem>>
    %dma_wait3A_338 = tpu.memref_squeeze %dma_wait3A_337 : memref<1x80xi32, #tpu.memory_space<vmem>> -> memref<80xi32, #tpu.memory_space<vmem>>
    %dma_wait3A_339 = arith.constant 0 : i32
    %dma_wait3A_340 = arith.constant 0 : i32
    %dma_wait3A_341 = tpu.memref_slice %arg17[%dma_wait3A_339, %dma_wait3A_340] : memref<10240x160xbf16, #tpu.memory_space<vmem_shared>> -> memref<10240x160xbf16, #tpu.memory_space<vmem_shared>>
    tpu.wait_indirect_dma semaphore(%arg29 : memref<!tpu.dma_semaphore, #tpu.memory_space<semaphore_mem>>) src(%arg12 : memref<80x160xbf16, #tpu.memory_space<vmem>>) dst(%dma_wait3A_341 : memref<10240x160xbf16, #tpu.memory_space<vmem_shared>>)
    %dma_wait3A_342 = arith.constant 0 : i32
    %dma_wait3A_343 = arith.constant 0 : i32
    %dma_wait3A_344 = tpu.memref_slice %arg8[%dma_wait3A_342, %dma_wait3A_343] : memref<125x80xi32, #tpu.memory_space<vmem>> -> memref<1x80xi32, #tpu.memory_space<vmem>>
    %dma_wait3A_345 = tpu.memref_squeeze %dma_wait3A_344 : memref<1x80xi32, #tpu.memory_space<vmem>> -> memref<80xi32, #tpu.memory_space<vmem>>
    %dma_wait3A_346 = arith.constant 0 : i32
    %dma_wait3A_347 = arith.constant 0 : i32
    %dma_wait3A_348 = tpu.memref_slice %arg17[%dma_wait3A_346, %dma_wait3A_347] : memref<10240x160xbf16, #tpu.memory_space<vmem_shared>> -> memref<10240x160xbf16, #tpu.memory_space<vmem_shared>>
    tpu.wait_indirect_dma semaphore(%arg30 : memref<!tpu.dma_semaphore, #tpu.memory_space<semaphore_mem>>) src(%arg13 : memref<80x160xbf16, #tpu.memory_space<vmem>>) dst(%dma_wait3A_348 : memref<10240x160xbf16, #tpu.memory_space<vmem_shared>>)
    %dma_wait3A_349 = arith.constant 0 : i32
    %dma_wait3A_350 = arith.constant 0 : i32
    %dma_wait3A_351 = tpu.memref_slice %arg8[%dma_wait3A_349, %dma_wait3A_350] : memref<125x80xi32, #tpu.memory_space<vmem>> -> memref<1x80xi32, #tpu.memory_space<vmem>>
    %dma_wait3A_352 = tpu.memref_squeeze %dma_wait3A_351 : memref<1x80xi32, #tpu.memory_space<vmem>> -> memref<80xi32, #tpu.memory_space<vmem>>
    %dma_wait3A_353 = arith.constant 0 : i32
    %dma_wait3A_354 = arith.constant 0 : i32
    %dma_wait3A_355 = tpu.memref_slice %arg17[%dma_wait3A_353, %dma_wait3A_354] : memref<10240x160xbf16, #tpu.memory_space<vmem_shared>> -> memref<10240x160xbf16, #tpu.memory_space<vmem_shared>>
    tpu.wait_indirect_dma semaphore(%arg31 : memref<!tpu.dma_semaphore, #tpu.memory_space<semaphore_mem>>) src(%arg14 : memref<80x160xbf16, #tpu.memory_space<vmem>>) dst(%dma_wait3A_355 : memref<10240x160xbf16, #tpu.memory_space<vmem_shared>>)
    %dma_wait3A_356 = arith.constant 0 : i32
    %dma_wait3A_357 = arith.constant 0 : i32
    %dma_wait3A_358 = tpu.memref_slice %arg8[%dma_wait3A_356, %dma_wait3A_357] : memref<125x80xi32, #tpu.memory_space<vmem>> -> memref<1x80xi32, #tpu.memory_space<vmem>>
    %dma_wait3A_359 = tpu.memref_squeeze %dma_wait3A_358 : memref<1x80xi32, #tpu.memory_space<vmem>> -> memref<80xi32, #tpu.memory_space<vmem>>
    %dma_wait3A_360 = arith.constant 0 : i32
    %dma_wait3A_361 = arith.constant 0 : i32
    %dma_wait3A_362 = tpu.memref_slice %arg17[%dma_wait3A_360, %dma_wait3A_361] : memref<10240x160xbf16, #tpu.memory_space<vmem_shared>> -> memref<10240x160xbf16, #tpu.memory_space<vmem_shared>>
    tpu.wait_indirect_dma semaphore(%arg32 : memref<!tpu.dma_semaphore, #tpu.memory_space<semaphore_mem>>) src(%arg15 : memref<80x160xbf16, #tpu.memory_space<vmem>>) dst(%dma_wait3A_362 : memref<10240x160xbf16, #tpu.memory_space<vmem_shared>>)
    %dma_wait3A_363 = arith.constant 0 : i32
    %dma_wait3A_364 = arith.constant 0 : i32
    %dma_wait3A_365 = tpu.memref_slice %arg8[%dma_wait3A_363, %dma_wait3A_364] : memref<125x80xi32, #tpu.memory_space<vmem>> -> memref<1x80xi32, #tpu.memory_space<vmem>>
    %dma_wait3A_366 = tpu.memref_squeeze %dma_wait3A_365 : memref<1x80xi32, #tpu.memory_space<vmem>> -> memref<80xi32, #tpu.memory_space<vmem>>
    %dma_wait3A_367 = arith.constant 0 : i32
    %dma_wait3A_368 = arith.constant 0 : i32
    %dma_wait3A_369 = tpu.memref_slice %arg17[%dma_wait3A_367, %dma_wait3A_368] : memref<10240x160xbf16, #tpu.memory_space<vmem_shared>> -> memref<10240x160xbf16, #tpu.memory_space<vmem_shared>>
    tpu.wait_indirect_dma semaphore(%arg33 : memref<!tpu.dma_semaphore, #tpu.memory_space<semaphore_mem>>) src(%arg16 : memref<80x160xbf16, #tpu.memory_space<vmem>>) dst(%dma_wait3A_369 : memref<10240x160xbf16, #tpu.memory_space<vmem_shared>>)
    %barrier3A_370 = arith.constant 0 : index
    tpu.barrier barrier_id(%barrier3A_370)
    %mul3A_371 = arith.constant 640 : i32
    %mul3A_372 = arith.muli %arg1, %mul3A_371 : i32
    "tpu.region"() ({
      %run_scoped3A = tpu.sem_alloc : memref<!tpu.dma_semaphore, #tpu.memory_space<semaphore_mem>>
      %dma_start3A_373 = arith.constant 0 : i32
      %dma_start3A_374 = tpu.memref_slice %arg6[%arg0, %mul3A_372, %dma_start3A_373] : memref<2x10240x160xbf16, #tpu.memory_space<hbm>> -> memref<1x640x160xbf16, #tpu.memory_space<hbm>>
      %dma_start3A_375 = tpu.memref_squeeze %dma_start3A_374 : memref<1x640x160xbf16, #tpu.memory_space<hbm>> -> memref<640x160xbf16, #tpu.memory_space<hbm>>
      %dma_start3A_376 = arith.constant 0 : i32
      %dma_start3A_377 = tpu.memref_slice %arg17[%mul3A_372, %dma_start3A_376] : memref<10240x160xbf16, #tpu.memory_space<vmem_shared>> -> memref<640x160xbf16, #tpu.memory_space<vmem_shared>>
      tpu.enqueue_dma source(%dma_start3A_377 : memref<640x160xbf16, #tpu.memory_space<vmem_shared>>) target(%dma_start3A_375 : memref<640x160xbf16, #tpu.memory_space<hbm>>) target_semaphore(%run_scoped3A : memref<!tpu.dma_semaphore, #tpu.memory_space<semaphore_mem>>)
      %dma_wait3A_378 = arith.constant 0 : i32
      %dma_wait3A_379 = tpu.memref_slice %arg6[%arg0, %mul3A_372, %dma_wait3A_378] : memref<2x10240x160xbf16, #tpu.memory_space<hbm>> -> memref<1x640x160xbf16, #tpu.memory_space<hbm>>
      %dma_wait3A_380 = tpu.memref_squeeze %dma_wait3A_379 : memref<1x640x160xbf16, #tpu.memory_space<hbm>> -> memref<640x160xbf16, #tpu.memory_space<hbm>>
      %dma_wait3A_381 = arith.constant 0 : i32
      %dma_wait3A_382 = tpu.memref_slice %arg17[%mul3A_372, %dma_wait3A_381] : memref<10240x160xbf16, #tpu.memory_space<vmem_shared>> -> memref<640x160xbf16, #tpu.memory_space<vmem_shared>>
      tpu.wait_dma2 semaphore(%run_scoped3A : memref<!tpu.dma_semaphore, #tpu.memory_space<semaphore_mem>>) src(%dma_wait3A_382 : memref<640x160xbf16, #tpu.memory_space<vmem_shared>>) dst(%dma_wait3A_380 : memref<640x160xbf16, #tpu.memory_space<hbm>>)
      tpu.yield
    }) : () -> ()
    return
  }
}

module attributes {stable_mosaic.version = 14 : i64} {
  func.func @sage_tc_layer(%arg0: i32, %arg1: memref<2x2000x160xbf16, #tpu.memory_space<vmem>>, %arg2: memref<2000x160xbf16, #tpu.memory_space<vmem>>, %arg3: memref<128x128xf32, #tpu.memory_space<vmem>>, %arg4: memref<128x128xf32, #tpu.memory_space<vmem>>, %arg5: memref<1x128xf32, #tpu.memory_space<vmem>>, %arg6: memref<2000x160xbf16, #tpu.memory_space<vmem>>) attributes {dimension_semantics = [#tpu.dimension_semantics<arbitrary>], iteration_bounds = array<i64: 5>, scalar_prefetch = 0 : i64, scratch_operands = 0 : i64, tpu.core_type = #tpu.core_type<tc>, window_params = [{transform_indices = @transform_0, window_bounds = array<i64: 2, 2000, 160>}, {transform_indices = @transform_1, window_bounds = array<i64: 2000, 160>}, {pipeline_mode = #tpu.pipeline_mode<synchronous>, transform_indices = @transform_2, window_bounds = array<i64: 128, 128>}, {pipeline_mode = #tpu.pipeline_mode<synchronous>, transform_indices = @transform_3, window_bounds = array<i64: 128, 128>}, {pipeline_mode = #tpu.pipeline_mode<synchronous>, transform_indices = @transform_4, window_bounds = array<i64: 1, 128>}, {transform_indices = @transform_5, window_bounds = array<i64: 2000, 160>}]} {
    %get3A = arith.constant 0 : index
    %get3A_0 = arith.constant 0 : index
    %get3A_1 = arith.constant 0 : index
    %get3A_2 = vector.load %arg1[%get3A, %get3A_0, %get3A_1] : memref<2x2000x160xbf16, #tpu.memory_space<vmem>>, vector<1x2000x160xbf16>
    %get3A_3 = vector.shape_cast %get3A_2 : vector<1x2000x160xbf16> to vector<2000x160xbf16>
    %convert_element_type3A = arith.extf %get3A_3 : vector<2000x160xbf16> to vector<2000x160xf32>
    %get3A_4 = arith.constant 1 : index
    %get3A_5 = arith.constant 0 : index
    %get3A_6 = arith.constant 0 : index
    %get3A_7 = vector.load %arg1[%get3A_4, %get3A_5, %get3A_6] : memref<2x2000x160xbf16, #tpu.memory_space<vmem>>, vector<1x2000x160xbf16>
    %get3A_8 = vector.shape_cast %get3A_7 : vector<1x2000x160xbf16> to vector<2000x160xbf16>
    %convert_element_type3A_9 = arith.extf %get3A_8 : vector<2000x160xbf16> to vector<2000x160xf32>
    %add3A = arith.addf %convert_element_type3A, %convert_element_type3A_9 : vector<2000x160xf32>
    %slice3A = vector.extract_strided_slice %add3A {offsets = [0, 128], sizes = [2000, 1], strides = [1, 1]} : vector<2000x160xf32> to vector<2000x1xf32>
    %max3A = arith.constant 1.000000e+00 : f32
    %max3A_10 = vector.broadcast %max3A : f32 to vector<2000x1xf32>
    %max3A_11 = arith.maximumf %slice3A, %max3A_10 : vector<2000x1xf32>
    %div3A = arith.constant 1.000000e+00 : f32
    %div3A_12 = vector.broadcast %div3A : f32 to vector<2000x1xf32>
    %div3A_13 = arith.divf %div3A_12, %max3A_11 : vector<2000x1xf32>
    %slice3A_14 = vector.extract_strided_slice %add3A {offsets = [0, 0], sizes = [2000, 128], strides = [1, 1]} : vector<2000x160xf32> to vector<2000x128xf32>
    %mul3A = vector.broadcast %div3A_13 : vector<2000x1xf32> to vector<2000x128xf32>
    %mul3A_15 = arith.mulf %slice3A_14, %mul3A : vector<2000x128xf32>
    %get3A_16 = arith.constant 0 : index
    %get3A_17 = arith.constant 0 : index
    %get3A_18 = vector.load %arg3[%get3A_16, %get3A_17] : memref<128x128xf32, #tpu.memory_space<vmem>>, vector<128x128xf32>
    %dot_general3A = arith.constant dense<0.000000e+00> : vector<2000x128xf32>
    %dot_general3A_19 = tpu.matmul %mul3A_15, %get3A_18, %dot_general3A {dimension_numbers = #tpu.dot_dimension_numbers<[1], [0], [0], [1], [0, 0, 1, 1], [], []>, transpose_lhs_hint = false} : vector<2000x128xf32>, vector<128x128xf32>, vector<2000x128xf32> -> vector<2000x128xf32>
    %get3A_20 = arith.constant 0 : index
    %get3A_21 = arith.constant 0 : index
    %get3A_22 = vector.load %arg2[%get3A_20, %get3A_21] : memref<2000x160xbf16, #tpu.memory_space<vmem>>, vector<2000x160xbf16>
    %slice3A_23 = vector.extract_strided_slice %get3A_22 {offsets = [0, 0], sizes = [2000, 128], strides = [1, 1]} : vector<2000x160xbf16> to vector<2000x128xbf16>
    %convert_element_type3A_24 = arith.extf %slice3A_23 : vector<2000x128xbf16> to vector<2000x128xf32>
    %get3A_25 = arith.constant 0 : index
    %get3A_26 = arith.constant 0 : index
    %get3A_27 = vector.load %arg4[%get3A_25, %get3A_26] : memref<128x128xf32, #tpu.memory_space<vmem>>, vector<128x128xf32>
    %dot_general3A_28 = arith.constant dense<0.000000e+00> : vector<2000x128xf32>
    %dot_general3A_29 = tpu.matmul %convert_element_type3A_24, %get3A_27, %dot_general3A_28 {dimension_numbers = #tpu.dot_dimension_numbers<[1], [0], [0], [1], [0, 0, 1, 1], [], []>, transpose_lhs_hint = false} : vector<2000x128xf32>, vector<128x128xf32>, vector<2000x128xf32> -> vector<2000x128xf32>
    %add3A_30 = arith.addf %dot_general3A_19, %dot_general3A_29 : vector<2000x128xf32>
    %get3A_31 = arith.constant 0 : index
    %get3A_32 = arith.constant 0 : index
    %get3A_33 = vector.load %arg5[%get3A_31, %get3A_32] : memref<1x128xf32, #tpu.memory_space<vmem>>, vector<1x128xf32>
    %add3A_34 = vector.broadcast %get3A_33 : vector<1x128xf32> to vector<2000x128xf32>
    %add3A_35 = arith.addf %add3A_30, %add3A_34 : vector<2000x128xf32>
    %max3A_36 = arith.constant 0.000000e+00 : f32
    %max3A_37 = vector.broadcast %max3A_36 : f32 to vector<2000x128xf32>
    %max3A_38 = arith.maximumf %add3A_35, %max3A_37 : vector<2000x128xf32>
    %broadcast_in_dim3A = arith.constant 1.000000e+00 : f32
    %broadcast_in_dim3A_39 = vector.broadcast %broadcast_in_dim3A : f32 to vector<2000x1xf32>
    %broadcast_in_dim3A_40 = arith.constant 0.000000e+00 : f32
    %broadcast_in_dim3A_41 = vector.broadcast %broadcast_in_dim3A_40 : f32 to vector<2000x31xf32>
    %concatenate3A = tpu.concatenate %max3A_38, %broadcast_in_dim3A_39, %broadcast_in_dim3A_41 in 1 : vector<2000x128xf32>, vector<2000x1xf32>, vector<2000x31xf32> -> vector<2000x160xf32>
    %convert_element_type3A_42 = arith.truncf %concatenate3A : vector<2000x160xf32> to vector<2000x160xbf16>
    %swap3A = arith.constant 0 : index
    %swap3A_43 = arith.constant 0 : index
    %swap3A_44 = vector.load %arg6[%swap3A, %swap3A_43] : memref<2000x160xbf16, #tpu.memory_space<vmem>>, vector<2000x160xbf16>
    tpu.vector_store %arg6[%swap3A, %swap3A_43], %convert_element_type3A_42 {strides = array<i32>} : memref<2000x160xbf16, #tpu.memory_space<vmem>>, vector<2000x160xbf16>,
    return
  }
  func.func @transform_0(%arg0: i32) -> (i32, i32, i32) {
    %c0_i32 = arith.constant 0 : i32
    %c0_i32_0 = arith.constant 0 : i32
    %c0_i32_1 = arith.constant 0 : i32
    return %c0_i32, %arg0, %c0_i32_0 : i32, i32, i32
  }
  func.func @transform_1(%arg0: i32) -> (i32, i32) {
    %c0_i32 = arith.constant 0 : i32
    %c0_i32_0 = arith.constant 0 : i32
    return %arg0, %c0_i32 : i32, i32
  }
  func.func @transform_2(%arg0: i32) -> (i32, i32) {
    %c0_i32 = arith.constant 0 : i32
    %c0_i32_0 = arith.constant 0 : i32
    %c0_i32_1 = arith.constant 0 : i32
    return %c0_i32, %c0_i32_0 : i32, i32
  }
  func.func @transform_3(%arg0: i32) -> (i32, i32) {
    %c0_i32 = arith.constant 0 : i32
    %c0_i32_0 = arith.constant 0 : i32
    %c0_i32_1 = arith.constant 0 : i32
    return %c0_i32, %c0_i32_0 : i32, i32
  }
  func.func @transform_4(%arg0: i32) -> (i32, i32) {
    %c0_i32 = arith.constant 0 : i32
    %c0_i32_0 = arith.constant 0 : i32
    %c0_i32_1 = arith.constant 0 : i32
    return %c0_i32, %c0_i32_0 : i32, i32
  }
  func.func @transform_5(%arg0: i32) -> (i32, i32) {
    %c0_i32 = arith.constant 0 : i32
    %c0_i32_0 = arith.constant 0 : i32
    return %arg0, %c0_i32 : i32, i32
  }
}

module attributes {stable_mosaic.version = 14 : i64} {
  func.func @sage_tc_head(%arg0: i32, %arg1: memref<2x2000x160xbf16, #tpu.memory_space<vmem>>, %arg2: memref<2000x160xbf16, #tpu.memory_space<vmem>>, %arg3: memref<128x128xf32, #tpu.memory_space<vmem>>, %arg4: memref<128x128xf32, #tpu.memory_space<vmem>>, %arg5: memref<1x128xf32, #tpu.memory_space<vmem>>, %arg6: memref<128x128xf32, #tpu.memory_space<vmem>>, %arg7: memref<1x128xf32, #tpu.memory_space<vmem>>, %arg8: memref<128x40xf32, #tpu.memory_space<vmem>>, %arg9: memref<1x40xf32, #tpu.memory_space<vmem>>, %arg10: memref<2000x40xf32, #tpu.memory_space<vmem>>) attributes {dimension_semantics = [#tpu.dimension_semantics<arbitrary>], iteration_bounds = array<i64: 5>, scalar_prefetch = 0 : i64, scratch_operands = 0 : i64, tpu.core_type = #tpu.core_type<tc>, window_params = [{transform_indices = @transform_0, window_bounds = array<i64: 2, 2000, 160>}, {transform_indices = @transform_1, window_bounds = array<i64: 2000, 160>}, {pipeline_mode = #tpu.pipeline_mode<synchronous>, transform_indices = @transform_2, window_bounds = array<i64: 128, 128>}, {pipeline_mode = #tpu.pipeline_mode<synchronous>, transform_indices = @transform_3, window_bounds = array<i64: 128, 128>}, {pipeline_mode = #tpu.pipeline_mode<synchronous>, transform_indices = @transform_4, window_bounds = array<i64: 1, 128>}, {pipeline_mode = #tpu.pipeline_mode<synchronous>, transform_indices = @transform_5, window_bounds = array<i64: 128, 128>}, {pipeline_mode = #tpu.pipeline_mode<synchronous>, transform_indices = @transform_6, window_bounds = array<i64: 1, 128>}, {pipeline_mode = #tpu.pipeline_mode<synchronous>, transform_indices = @transform_7, window_bounds = array<i64: 128, 40>}, {pipeline_mode = #tpu.pipeline_mode<synchronous>, transform_indices = @transform_8, window_bounds = array<i64: 1, 40>}, {transform_indices = @transform_9, window_bounds = array<i64: 2000, 40>}]} {
    %get3A = arith.constant 0 : index
    %get3A_0 = arith.constant 0 : index
    %get3A_1 = arith.constant 0 : index
    %get3A_2 = vector.load %arg1[%get3A, %get3A_0, %get3A_1] : memref<2x2000x160xbf16, #tpu.memory_space<vmem>>, vector<1x2000x160xbf16>
    %get3A_3 = vector.shape_cast %get3A_2 : vector<1x2000x160xbf16> to vector<2000x160xbf16>
    %convert_element_type3A = arith.extf %get3A_3 : vector<2000x160xbf16> to vector<2000x160xf32>
    %get3A_4 = arith.constant 1 : index
    %get3A_5 = arith.constant 0 : index
    %get3A_6 = arith.constant 0 : index
    %get3A_7 = vector.load %arg1[%get3A_4, %get3A_5, %get3A_6] : memref<2x2000x160xbf16, #tpu.memory_space<vmem>>, vector<1x2000x160xbf16>
    %get3A_8 = vector.shape_cast %get3A_7 : vector<1x2000x160xbf16> to vector<2000x160xbf16>
    %convert_element_type3A_9 = arith.extf %get3A_8 : vector<2000x160xbf16> to vector<2000x160xf32>
    %add3A = arith.addf %convert_element_type3A, %convert_element_type3A_9 : vector<2000x160xf32>
    %slice3A = vector.extract_strided_slice %add3A {offsets = [0, 128], sizes = [2000, 1], strides = [1, 1]} : vector<2000x160xf32> to vector<2000x1xf32>
    %max3A = arith.constant 1.000000e+00 : f32
    %max3A_10 = vector.broadcast %max3A : f32 to vector<2000x1xf32>
    %max3A_11 = arith.maximumf %slice3A, %max3A_10 : vector<2000x1xf32>
    %div3A = arith.constant 1.000000e+00 : f32
    %div3A_12 = vector.broadcast %div3A : f32 to vector<2000x1xf32>
    %div3A_13 = arith.divf %div3A_12, %max3A_11 : vector<2000x1xf32>
    %slice3A_14 = vector.extract_strided_slice %add3A {offsets = [0, 0], sizes = [2000, 128], strides = [1, 1]} : vector<2000x160xf32> to vector<2000x128xf32>
    %mul3A = vector.broadcast %div3A_13 : vector<2000x1xf32> to vector<2000x128xf32>
    %mul3A_15 = arith.mulf %slice3A_14, %mul3A : vector<2000x128xf32>
    %get3A_16 = arith.constant 0 : index
    %get3A_17 = arith.constant 0 : index
    %get3A_18 = vector.load %arg3[%get3A_16, %get3A_17] : memref<128x128xf32, #tpu.memory_space<vmem>>, vector<128x128xf32>
    %dot_general3A = arith.constant dense<0.000000e+00> : vector<2000x128xf32>
    %dot_general3A_19 = tpu.matmul %mul3A_15, %get3A_18, %dot_general3A {dimension_numbers = #tpu.dot_dimension_numbers<[1], [0], [0], [1], [0, 0, 1, 1], [], []>, transpose_lhs_hint = false} : vector<2000x128xf32>, vector<128x128xf32>, vector<2000x128xf32> -> vector<2000x128xf32>
    %get3A_20 = arith.constant 0 : index
    %get3A_21 = arith.constant 0 : index
    %get3A_22 = vector.load %arg2[%get3A_20, %get3A_21] : memref<2000x160xbf16, #tpu.memory_space<vmem>>, vector<2000x160xbf16>
    %slice3A_23 = vector.extract_strided_slice %get3A_22 {offsets = [0, 0], sizes = [2000, 128], strides = [1, 1]} : vector<2000x160xbf16> to vector<2000x128xbf16>
    %convert_element_type3A_24 = arith.extf %slice3A_23 : vector<2000x128xbf16> to vector<2000x128xf32>
    %get3A_25 = arith.constant 0 : index
    %get3A_26 = arith.constant 0 : index
    %get3A_27 = vector.load %arg4[%get3A_25, %get3A_26] : memref<128x128xf32, #tpu.memory_space<vmem>>, vector<128x128xf32>
    %dot_general3A_28 = arith.constant dense<0.000000e+00> : vector<2000x128xf32>
    %dot_general3A_29 = tpu.matmul %convert_element_type3A_24, %get3A_27, %dot_general3A_28 {dimension_numbers = #tpu.dot_dimension_numbers<[1], [0], [0], [1], [0, 0, 1, 1], [], []>, transpose_lhs_hint = false} : vector<2000x128xf32>, vector<128x128xf32>, vector<2000x128xf32> -> vector<2000x128xf32>
    %add3A_30 = arith.addf %dot_general3A_19, %dot_general3A_29 : vector<2000x128xf32>
    %get3A_31 = arith.constant 0 : index
    %get3A_32 = arith.constant 0 : index
    %get3A_33 = vector.load %arg5[%get3A_31, %get3A_32] : memref<1x128xf32, #tpu.memory_space<vmem>>, vector<1x128xf32>
    %add3A_34 = vector.broadcast %get3A_33 : vector<1x128xf32> to vector<2000x128xf32>
    %add3A_35 = arith.addf %add3A_30, %add3A_34 : vector<2000x128xf32>
    %max3A_36 = arith.constant 0.000000e+00 : f32
    %max3A_37 = vector.broadcast %max3A_36 : f32 to vector<2000x128xf32>
    %max3A_38 = arith.maximumf %add3A_35, %max3A_37 : vector<2000x128xf32>
    %get3A_39 = arith.constant 0 : index
    %get3A_40 = arith.constant 0 : index
    %get3A_41 = vector.load %arg6[%get3A_39, %get3A_40] : memref<128x128xf32, #tpu.memory_space<vmem>>, vector<128x128xf32>
    %dot_general3A_42 = arith.constant dense<0.000000e+00> : vector<2000x128xf32>
    %dot_general3A_43 = tpu.matmul %max3A_38, %get3A_41, %dot_general3A_42 {dimension_numbers = #tpu.dot_dimension_numbers<[1], [0], [0], [1], [0, 0, 1, 1], [], []>, transpose_lhs_hint = false} : vector<2000x128xf32>, vector<128x128xf32>, vector<2000x128xf32> -> vector<2000x128xf32>
    %get3A_44 = arith.constant 0 : index
    %get3A_45 = arith.constant 0 : index
    %get3A_46 = vector.load %arg7[%get3A_44, %get3A_45] : memref<1x128xf32, #tpu.memory_space<vmem>>, vector<1x128xf32>
    %add3A_47 = vector.broadcast %get3A_46 : vector<1x128xf32> to vector<2000x128xf32>
    %add3A_48 = arith.addf %dot_general3A_43, %add3A_47 : vector<2000x128xf32>
    %max3A_49 = arith.constant 0.000000e+00 : f32
    %max3A_50 = vector.broadcast %max3A_49 : f32 to vector<2000x128xf32>
    %max3A_51 = arith.maximumf %add3A_48, %max3A_50 : vector<2000x128xf32>
    %get3A_52 = arith.constant 0 : index
    %get3A_53 = arith.constant 0 : index
    %get3A_54 = vector.load %arg8[%get3A_52, %get3A_53] : memref<128x40xf32, #tpu.memory_space<vmem>>, vector<128x40xf32>
    %dot_general3A_55 = arith.constant dense<0.000000e+00> : vector<2000x40xf32>
    %dot_general3A_56 = tpu.matmul %max3A_51, %get3A_54, %dot_general3A_55 {dimension_numbers = #tpu.dot_dimension_numbers<[1], [0], [0], [1], [0, 0, 1, 1], [], []>, transpose_lhs_hint = false} : vector<2000x128xf32>, vector<128x40xf32>, vector<2000x40xf32> -> vector<2000x40xf32>
    %get3A_57 = arith.constant 0 : index
    %get3A_58 = arith.constant 0 : index
    %get3A_59 = vector.load %arg9[%get3A_57, %get3A_58] : memref<1x40xf32, #tpu.memory_space<vmem>>, vector<1x40xf32>
    %add3A_60 = vector.broadcast %get3A_59 : vector<1x40xf32> to vector<2000x40xf32>
    %add3A_61 = arith.addf %dot_general3A_56, %add3A_60 : vector<2000x40xf32>
    %reduce_max3A = arith.constant dense<0xFF800000> : vector<2000xf32>
    %reduce_max3A_62 = vector.multi_reduction <maximumf>, %add3A_61, %reduce_max3A [1] : vector<2000x40xf32> to vector<2000xf32>
    %broadcast_in_dim3A = vector.shape_cast %reduce_max3A_62 : vector<2000xf32> to vector<2000x1xf32>
    %sub3A = vector.broadcast %broadcast_in_dim3A : vector<2000x1xf32> to vector<2000x40xf32>
    %sub3A_63 = arith.subf %add3A_61, %sub3A : vector<2000x40xf32>
    %exp3A = math.exp %sub3A_63 : vector<2000x40xf32>
    %reduce_sum3A = arith.constant dense<0.000000e+00> : vector<2000xf32>
    %reduce_sum3A_64 = vector.multi_reduction <add>, %exp3A, %reduce_sum3A [1] : vector<2000x40xf32> to vector<2000xf32>
    %broadcast_in_dim3A_65 = vector.shape_cast %reduce_sum3A_64 : vector<2000xf32> to vector<2000x1xf32>
    %log3A = math.log %broadcast_in_dim3A_65 : vector<2000x1xf32>
    %add3A_66 = arith.addf %log3A, %broadcast_in_dim3A : vector<2000x1xf32>
    %sub3A_67 = vector.broadcast %add3A_66 : vector<2000x1xf32> to vector<2000x40xf32>
    %sub3A_68 = arith.subf %add3A_61, %sub3A_67 : vector<2000x40xf32>
    %swap3A = arith.constant 0 : index
    %swap3A_69 = arith.constant 0 : index
    %swap3A_70 = vector.load %arg10[%swap3A, %swap3A_69] : memref<2000x40xf32, #tpu.memory_space<vmem>>, vector<2000x40xf32>
    tpu.vector_store %arg10[%swap3A, %swap3A_69], %sub3A_68 {strides = array<i32>} : memref<2000x40xf32, #tpu.memory_space<vmem>>, vector<2000x40xf32>,
    return
  }
  func.func @transform_0(%arg0: i32) -> (i32, i32, i32) {
    %c0_i32 = arith.constant 0 : i32
    %c0_i32_0 = arith.constant 0 : i32
    %c0_i32_1 = arith.constant 0 : i32
    return %c0_i32, %arg0, %c0_i32_0 : i32, i32, i32
  }
  func.func @transform_1(%arg0: i32) -> (i32, i32) {
    %c0_i32 = arith.constant 0 : i32
    %c0_i32_0 = arith.constant 0 : i32
    return %arg0, %c0_i32 : i32, i32
  }
  func.func @transform_2(%arg0: i32) -> (i32, i32) {
    %c0_i32 = arith.constant 0 : i32
    %c0_i32_0 = arith.constant 0 : i32
    %c0_i32_1 = arith.constant 0 : i32
    return %c0_i32, %c0_i32_0 : i32, i32
  }
  func.func @transform_3(%arg0: i32) -> (i32, i32) {
    %c0_i32 = arith.constant 0 : i32
    %c0_i32_0 = arith.constant 0 : i32
    %c0_i32_1 = arith.constant 0 : i32
    return %c0_i32, %c0_i32_0 : i32, i32
  }
  func.func @transform_4(%arg0: i32) -> (i32, i32) {
    %c0_i32 = arith.constant 0 : i32
    %c0_i32_0 = arith.constant 0 : i32
    %c0_i32_1 = arith.constant 0 : i32
    return %c0_i32, %c0_i32_0 : i32, i32
  }
  func.func @transform_5(%arg0: i32) -> (i32, i32) {
    %c0_i32 = arith.constant 0 : i32
    %c0_i32_0 = arith.constant 0 : i32
    %c0_i32_1 = arith.constant 0 : i32
    return %c0_i32, %c0_i32_0 : i32, i32
  }
  func.func @transform_6(%arg0: i32) -> (i32, i32) {
    %c0_i32 = arith.constant 0 : i32
    %c0_i32_0 = arith.constant 0 : i32
    %c0_i32_1 = arith.constant 0 : i32
    return %c0_i32, %c0_i32_0 : i32, i32
  }
  func.func @transform_7(%arg0: i32) -> (i32, i32) {
    %c0_i32 = arith.constant 0 : i32
    %c0_i32_0 = arith.constant 0 : i32
    %c0_i32_1 = arith.constant 0 : i32
    return %c0_i32, %c0_i32_0 : i32, i32
  }
  func.func @transform_8(%arg0: i32) -> (i32, i32) {
    %c0_i32 = arith.constant 0 : i32
    %c0_i32_0 = arith.constant 0 : i32
    %c0_i32_1 = arith.constant 0 : i32
    return %c0_i32, %c0_i32_0 : i32, i32
  }
  func.func @transform_9(%arg0: i32) -> (i32, i32) {
    %c0_i32 = arith.constant 0 : i32
    %c0_i32_0 = arith.constant 0 : i32
    return %arg0, %c0_i32 : i32, i32
  }
}

</mosaic_0001>

<sc_bundles>
// kernel: sage_sc_agg.4.cloned.1.call-start
scs
__scs_entry_jumppad:
0x0: {  	(pc) =	sbr.rel $0x88, $3  }
0x1: {  	(tag) =	ssettag $0x0;
	lr =	simm.s32 $0x1  }
0x2: {  	[smem:$0x3F95] =	sst lr;
	_ =	strace $0xD0000000  }
0x3: {  	_ = 	snop  }
0x4: {  	_ = 	snop  }
0x5: {  	_ = 	snop  }
0x6: {  	_ = 	snop  }
0x7: {  	_ = 	snop  }
__scs_overlays_trampoline_lowered:
0x8: {  	[smem:$0x3FA4] =	sst s0  }
0x9: {  	[smem:$0x3FA5] =	sst s1  }
0xa: {  	[smem:$0x3FA6] =	sst s2  }
0xb: {  	[smem:$0x3FA7] =	sst s3  }
0xc: {  	[smem:$0x3FA8] =	sst s4  }
0xd: {  	[smem:$0x3FA9] =	sst s5  }
0xe: {  	[smem:$0x3FAA] =	sst s6  }
0xf: {  	[smem:$0x3FAB] =	sst s7  }
0x10: {  	[smem:$0x3FAC] =	sst s8  }
0x11: {  	[smem:$0x3FAD] =	sst s9;
	s0 =	simm.s32 @!p0 $0x0  }
0x12: {  	s1 =	sld [smem:$0x3F93];
	s0 =	simm.s32 @p0 $0x1  }
0x13: {  	[smem:$0x3FAE] =	sst s0;
	s0 =	simm.s32 @!p1 $0x0  }
0x14: {  	s2 =	sld [smem:$0x3F92];
	s0 =	simm.s32 @p1 $0x1  }
0x15: {  	[smem:$0x3FAF] =	sst s0;
	s0 =	simm.s32 @!p2 $0x0  }
0x16: {  	s3 =	sld [smem:$0x3FDB];
	s0 =	simm.s32 @p2 $0x1  }
0x17: {  	s4 =	simm.s32 $0x1BF5;
	[smem:$0x3FB1] =	sst s0  }
0x18: {  	s0 =	sld [smem:$0x3F94];
	_ =	swait.ge [sflag:s4], $0x0  }
0x19: {  	s7 =	sld [smem:$0x3F95]  }
0x1a: {  	s8 =	sadd.s32 $0xFFFFE003, lr  }
0x1b: {  	s9 =	sadd.s32 $0xFFFFFEF7, lr;
	s5 =	simm.s32 $0xFFFFFFFF;
	p2 =	slt.u32 s8, $0xFFFFF086  }
0x1c: {  	p1 =	slt.u32 s9, $0xF7A;
	s5 =	simm.s32 @!p2 $0x0  }
0x1d: {  	s5 =	simm.s32 @p1 $0x1;
	p0 =	seq.s32 s7, s2  }
0x1e: {  	s7 =	smul.u32 @!p0 $0xF7A, s2;
	p2 =	seq.s32 @!p0 s5, $0x0  }
0x1f: {  	s9 =	smul.u32 $0xF7A, s1;
	s8 =	simm.s32 @!p0 $0x1BF5;
	p2 =	por !p2, p0  }
0x20: {  	[sflag:s8] =	ssyncset.s32 @!p0 $0xFFFFF086;
	s6 =	sadd.s32 @!p0 s3, s7;
	s7 =	simm.s32 @!p0 $0x108  }
0x21: {  	s3 =	sadd.s32 s3, s9;
	s6 =	sadd.s32 @!p0 $0x88, s6;
	s7 =	simm.s32 @p2 $0x1082  }
0x22: {  	[simem:s7], [sflag:s8] =	dma.local @!p0 [hbm:s6], $0xF7A  }
0x23: {  	s9 =	sor.u32 $0xD0000000, s2;
	s6 =	simm.s32 $0x108;
	_ =	swait.ge @!p0 [sflag:s8], $0x0  }
0x24: {  	s3 =	sadd.s32 $0x88, s3;
	s6 =	simm.s32 @!p1 $0x1082;
	[sflag:s4] =	ssyncset.s32 $0xFFFFF086  }
0x25: {  	[simem:s6], [sflag:s4] =	dma.local [hbm:s3], $0xF7A  }
0x26: {  	[smem:$0x3F95] =	sst s1;
	(tag) =	ssettag s2;
	_ =	strace s9  }
0x27: {  	s1 =	sld [smem:$0x3FA5]  }
0x28: {  	s2 =	sld [smem:$0x3FA6]  }
0x29: {  	s4 =	sld [smem:$0x3FA8]  }
0x2a: {  	p0 =	seq.s32 s5, $0x0;
	s5 =	sld [smem:$0x3FA9]  }
0x2b: {  	s6 =	sld [smem:$0x3FAA]  }
0x2c: {  	s7 =	sld [smem:$0x3FAB]  }
0x2d: {  	s3 =	simm.s32 $0x108;
	s8 =	sld [smem:$0x3FAC]  }
0x2e: {  	s3 =	simm.s32 @!p0 $0x1082;
	s9 =	sld [smem:$0x3FAD]  }
0x2f: {  	lr =	sadd.s32 s0, s3;
	s0 =	sld [smem:$0x3FA4]  }
0x30: {  	s3 =	sld [smem:$0x3FA7]  }
0x31: {  	[smem:$0x3FB0] =	sst s10  }
0x32: {  	s10 =	sld [smem:$0x3FAE];
	_ =	sdelay $0x3  }
0x33: {  	p0 =	seq.s32 s10, $0x1;
	s10 =	sld [smem:$0x3FB0];
	_ =	sdelay $0x3  }
0x34: {  	[smem:$0x3FB0] =	sst s10  }
0x35: {  	s10 =	sld [smem:$0x3FAF];
	_ =	sdelay $0x3  }
0x36: {  	p1 =	seq.s32 s10, $0x1;
	s10 =	sld [smem:$0x3FB0];
	_ =	sdelay $0x3  }
0x37: {  	[smem:$0x3FB0] =	sst s10  }
0x38: {  	s10 =	sld [smem:$0x3FB1]  }
0x39: {  	_ = 	snop;
	(pc) =	sbr.ind lr, $3  }
0x3a: {  	_ = 	snop  }
0x3b: {  	_ = 	snop  }
0x3c: {  	p2 =	seq.s32 s10, $0x1;
	s10 =	sld [smem:$0x3FB0]  }
0x3d: {  	_ =	shalt  }
0x3e: {  	_ =	shalt  }
0x3f: {  	_ =	shalt  }
0x40: {  	_ =	shalt  }
0x41: {  	_ =	shalt  }
0x42: {  	_ =	shalt  }
0x43: {  	_ =	shalt  }
0x44: {  	_ =	shalt  }
0x45: {  	_ =	shalt  }
0x46: {  	_ =	shalt  }
0x47: {  	_ =	shalt  }
0x48: {  	_ =	shalt  }
0x49: {  	_ =	shalt  }
0x4a: {  	_ =	shalt  }
0x4b: {  	_ =	shalt  }
0x4c: {  	_ =	shalt  }
0x4d: {  	_ =	shalt  }
0x4e: {  	_ =	shalt  }
0x4f: {  	_ =	shalt  }
0x50: {  	_ =	shalt  }
0x51: {  	_ =	shalt  }
0x52: {  	_ =	shalt  }
0x53: {  	_ =	shalt  }
0x54: {  	_ =	shalt  }
0x55: {  	_ =	shalt  }
0x56: {  	_ =	shalt  }
0x57: {  	_ =	shalt  }
0x58: {  	_ =	shalt  }
0x59: {  	_ =	shalt  }
0x5a: {  	_ =	shalt  }
0x5b: {  	_ =	shalt  }
0x5c: {  	_ =	shalt  }
0x5d: {  	_ =	shalt  }
0x5e: {  	_ =	shalt  }
0x5f: {  	_ =	shalt  }
0x60: {  	_ =	shalt  }
0x61: {  	_ =	shalt  }
0x62: {  	_ =	shalt  }
0x63: {  	_ =	shalt  }
0x64: {  	_ =	shalt  }
0x65: {  	_ =	shalt  }
0x66: {  	_ =	shalt  }
0x67: {  	_ =	shalt  }
0x68: {  	_ =	shalt  }
0x69: {  	_ =	shalt  }
0x6a: {  	_ =	shalt  }
0x6b: {  	_ =	shalt  }
0x6c: {  	_ =	shalt  }
0x6d: {  	_ =	shalt  }
0x6e: {  	_ =	shalt  }
0x6f: {  	_ =	shalt  }
0x70: {  	_ =	shalt  }
0x71: {  	_ =	shalt  }
0x72: {  	_ =	shalt  }
0x73: {  	_ =	shalt  }
0x74: {  	_ =	shalt  }
0x75: {  	_ =	shalt  }
0x76: {  	_ =	shalt  }
0x77: {  	_ =	shalt  }
0x78: {  	_ =	shalt  }
0x79: {  	_ =	shalt  }
0x7a: {  	_ =	shalt  }
0x7b: {  	_ =	shalt  }
0x7c: {  	_ =	shalt  }
0x7d: {  	_ =	shalt  }
0x7e: {  	_ =	shalt  }
0x7f: {  	_ =	shalt  }
0x80: {  	_ =	shalt  }
0x81: {  	_ =	shalt  }
0x82: {  	_ =	shalt  }
0x83: {  	_ =	shalt  }
0x84: {  	_ =	shalt  }
0x85: {  	_ =	shalt  }
0x86: {  	_ =	shalt  }
0x87: {  	_ =	shalt  }
.Lfunc_end0:
.L_simem_size_0:
called_computation_lowered:
.L_overlay_start_0:
0x88: {  	s2 =	sld [smem:$0x3FD9]  }
0x89: {  	s3 =	sld [smem:$0x3FFE];
	_ =	sdelay $0x1  }
0x8a: {  	s1 =	srdreg.scid  }
0x8b: {  	s0 =	sand.u32 $0x1, s1  }
0x8c: {  	s17 =	sshll.u32 s0, $0xA;
	s2 =	sadd.s32 s3, s2  }
0x8d: {  	s2 =	sadd.s32 s2, s17  }
0x8e: {  	[smem:$0x3FBC] =	sst s2  }
0x8f: {  	_ = 	snop  }
0x90: {  	s2 =	sld [smem:$0x3FD0];
	(tm) =	ssettm $0x1  }
0x91: {  	s18 =	sld [smem:$0x3FFB];
	_ =	sdelay $0x3  }
0x92: {  	_ =	strace s18  }
0x93: {  	s3 =	sld [smem:$0x3FFC];
	_ =	sdelay $0x3  }
0x94: {  	_ =	strace s3  }
0x95: {  	s3 =	sld [smem:$0x3FFD];
	_ =	sdelay $0x3  }
0x96: {  	_ =	strace s3  }
0x97: {  	_ =	strace $0x8FFFFFFF  }
0x98: {  	s19 =	sld [smem:$0x3FDB];
	_ =	sdelay $0x1  }
0x99: {  	s4 =	simm.s32 $_scs_section_size  }
0x9a: {  	s5 =	simm.s32 $_size__tile_overlayer_lowered;
	s6 =	simm.s32 $_tile_overlayer_lowered  }
0x9b: {  	s22 =	simm.s32 $0x1BFF;
	s21 =	sshll.u32 s6, $0x1;
	s3 =	sadd.s32 s4, s19  }
0x9c: {  	s7 =	simm.s32 $0x0;
	s20 =	sshll.u32 s5, $0x1;
	s5 =	sadd.s32 s21, s3  }
0x9d: {  	[timem:s7], [sflag:s22] =	dma.local [hbm:s5], s20  }
0x9e: {  	_ =	swait.ge [sflag:s22], s20  }
0x9f: {  	s4 =	ssub.s32 $0x0, s20;
	[sflag:s22] =	ssyncset.done $0x0  }
0xa0: {  	[sflag:s22] =	ssyncadd.s32 s4;
	_ =	sdelay $0x1  }
0xa1: {  	s23 =	simm.s32 $0x1B8B  }
0xa2: {  	_ =	swait.ge [sflag:s23], $0x1  }
0xa3: {  	[sflag:s23] =	ssyncset.done $0x0  }
0xa4: {  	s25 =	simm.s32 $0x1B8E;
	s24 =	sld [smem:$0x3FFE];
	[sflag:s23] =	ssyncadd.s32 $0xFFFFFFFF  }
0xa5: {  	s26 =	simm.s32 $execute0_lowered;
	[smem:$0x3FD2] =	sst s25  }
0xa6: {  	s5 =	sshll.u32 s26, $0x1;
	_ =	strace $0x80000046;
	[dreg:$0x1] =	wrdreg $0xFFFFFFFF  }
0xa7: {  	s28 =	simm.s32 $_size_execute0_lowered;
	s3 =	sadd.s32 s3, s5;
	[dreg:$0x0] =	wrdreg $0x0  }
0xa8: {  	s5 =	sshll.u32 s28, $0x1;
	[dreg:$0x2] =	wrdreg s3  }
0xa9: {  	[dreg:$0x3] =	wrdreg s5  }
0xaa: {  	[dreg:$0x4] =	wrdreg $0xC0  }
0xab: {  	_ =	task [dreg:s7], $0x5FFFF  }
0xac: {  	[dreg:$0x1] =	wrdreg $0xFFFFFFFF  }
0xad: {  	[dreg:$0x0] =	wrdreg $0x60  }
0xae: {  	[dreg:$0x2] =	wrdreg s24  }
0xaf: {  	[dreg:$0x3] =	wrdreg s2  }
0xb0: {  	[dreg:$0x4] =	wrdreg $0x116200  }
0xb1: {  	[dreg:$0x5] =	wrdreg $0x9  }
0xb2: {  	_ =	task.clear_ibuf [dreg:s7], $0x6FFFF;
	_ =	strace $0x90000046  }
0xb3: {  	s29 =	simm.s32 $0x9;
	_ =	strace $0x80000048  }
0xb4: {  	_ =	swait.ge [sflag:s29], $0x1  }
0xb5: {  	[sflag:s29] =	ssyncadd.s32 $0xFFFFFFFF  }
0xb6: {  	_ =	strace $0x90000048  }
0xb7: {  	_ =	sfence  }
0xb8: {  	s30 =	sld [smem:$0x0];
	_ =	sdelay $0x2  }
0xb9: {  	s31 =	sshll.u32 s1, $0xD;
	s1 =	sshrl.u32 s1, $0x2  }
0xba: {  	s3 =	sand.u32 $0x4000, s31;
	s1 =	sadd.s32 s1, s30  }
0xbb: {  	s0 =	sor.u32 s3, s0;
	s1 =	sshll.u32 s1, $0x11  }
0xbc: {  	s0 =	sor.u32 s1, s0  }
0xbd: {  	s0 =	sadd.s32 $0x8F2B, s0  }
0xbe: {  	[sflag:s0] =	ssyncadd.remote.s32 $0x1  }
0xbf: {  	_ =	sfence.sel $0xFFFF  }
0xc0: {  	[dreg:$0x0] =	wrdreg $0xFFFFFFFF;
	(pc) =	sbr.abs _section_cstart, $3  }
0xc1: {  	[dreg:$0x1] =	wrdreg $0xFFFFFFFF  }
0xc2: {  	_ =	task.clear_ibuf [dreg:s7], $0x2FFFF;
	_ =	strace $0x9FFFFFFF  }
0xc3: {  	(tm) =	ssettm $0x7FFFFFFF  }
tec
execute0_lowered:
.L_overlay_start_1:
0x0: {  	(tag) =	ssettag $0x1  }
0x1: {  	s0 =	rddreg [dreg:$0x0]  }
0x2: {  	s1 =	rddreg [dreg:$0x1]  }
0x3: {  	s2 =	rddreg [dreg:$0x2];
	s3 =	srdreg.scid  }
0x4: {  	s10 =	stileid.u32;
	s6 =	simm.s32 $0x0;
	s13 =	simm.s32 $0x11  }
0x5: {  	s14 =	simm.s32 $0x50;
	s15 =	simm.s32 $0x4E20;
	s16 =	simm.s32 $0x6720  }
0x6: {  	s18 =	simm.s32 $0x8020;
	s20 =	simm.s32 $0x9920;
	s30 =	simm.s32 $0xE420  }
0x7: {  	s31 =	simm.s32 $0x3;
	s17 =	simm.s32 $0xFD20;
	s19 =	simm.s32 $0x4  }
0x8: {  	s28 =	simm.s32 $0x5;
	s29 =	simm.s32 $0xA;
	s21 =	simm.s32 $0x7  }
0x9: {  	s3 =	sand.u32 $0x1, s3;
	s5 =	smul.u32 $0x19000, s10;
	[smem:$0x7FF] =	sst s6  }
0xa: {  	s11 =	sadd.s32 $0x23C00, s0;
	s26 =	sshll.u32 s10, $0x6;
	s4 =	sshll.u32 s3, $0x4  }
0xb: {  	s22 =	smul.u32 $0x190000, s3;
	_ =	strace $0x80000047;
	s3 =	ssub.s32 $0x2, s3  }
0xc: {  	[dreg:$0x4] =	wrdreg s11;
	s11 =	simm.s32 $0xD;
	s4 =	sor.u32 s10, s4  }
0xd: {  	s9 =	sshrl.u32 s3, $0x1;
	s24 =	sshrl.u32 s5, $0x1;
	s10 =	simm.s32 $0x0  }
0xe: {  	s7 =	smul.u32 $0x4E2, s4;
	s4 =	sadd.s32 $0xB400, s0;
	s6 =	sadd.s32 s5, s22  }
0xf: {  	s3 =	ssub.s32 s3, s9;
	s22 =	simm.s32 $0xB220;
	s5 =	simm.s32 $0xC  }
0x10: {  	s9 =	simm.s32 $0x10;
	[dreg:$0xb] =	wrdreg s10;
	s6 =	sshrl.u32 s6, $0x4  }
0x11: {  	s25 =	smax.u32 s3, $0x1;
	s3 =	sor.u32 $0x1C11, s26;
	s26 =	simm.s32 $0x2  }
0x12: {  	s8 =	sadd.s32 s7, s0;
	s0 =	sadd.s32 s6, s0;
	s1 =	sadd.s32 s1, s7  }
0x13: {  	[dreg:$0x8] =	wrdreg s25;
	s25 =	simm.s32 $0xCB20;
	s6 =	simm.s32 $0x8  }
0x14: {  	s7 =	simm.s32 $0xE;
	[dreg:$0x9] =	wrdreg s3;
	s23 =	sadd.s32 $0x1600, s8  }
0x15: {  	[dreg:$0x6] =	wrdreg s1;
	s1 =	sadd.s32 s24, s2;
	s0 =	sadd.s32 $0x25600, s0  }
0x16: {  	s24 =	simm.s32 $0x9;
	s8 =	simm.s32 $0xF;
	[dreg:$0x5] =	wrdreg s23  }
0x17: {  	[dreg:$0x7] =	wrdreg s0;
	s12 =	sshrl.u32 s1, $0x3;
	s23 =	simm.s32 $0x1  }
0x18: {  	s0 =	simm.s32 $0x6;
	s1 =	simm.s32 $0xB;
	[dreg:$0xa] =	wrdreg s12  }
.LBB2_1:
0x19: {  	s10 =	simm.s32 $0x0;
	s12 =	rddreg [dreg:$0x5]  }
0x1a: {  	[tilespmem:s10], [sflag:$0x11] =	stream.linear.gather [hbm4b:s12+s10], $0x2710, $0x38;
	[tilespmem:$0x1DE20] =	vst v63  }
0x1b: {  	_ =	swait.ge [sflag:s13], $0x2710  }
0x1c: {  	s3 =	simm.s32 $0x0;
	[sflag:s13] =	ssyncset.done $0x0  }
0x1d: {  	s10 =	simm.s32 $0x2710;
	s12 =	rddreg [dreg:$0x6];
	[sflag:s13] =	ssyncadd.s32 $0xFFFFD8F0  }
0x1e: {  	[tilespmem:s10], [sflag:$0x11] =	stream.linear.gather [hbm4b:s12+s3], $0x2710, $0x38;
	[tilespmem:$0x1DE20] =	vst v63  }
0x1f: {  	_ =	swait.ge [sflag:s13], $0x2710  }
0x20: {  	s12 =	rddreg [dreg:$0x4]  }
0x21: {  	[sflag:s13] =	ssyncset.done $0x0;
	s10 =	rddreg [dreg:$0x9]  }
0x22: {  	s3 =	rddreg [dreg:$0xa];
	[sflag:s13] =	ssyncadd.s32 $0xFFFFD8F0  }
0x23: {  	[spmem:s3], [sflag:s10] =	dma.local [hbm:s12], $0x1900  }
0x24: {  	_ =	swait.ge [sflag:s13], $0x1900  }
0x25: {  	[sflag:s13] =	ssyncset.done $0x0  }
0x26: {  	[sflag:s13] =	ssyncadd.s32 $0xFFFFE700  }
0x27: {  	s12 =	simm.s32 $0x0;
	[bflag:$0x0] =	sbarrier.arrive $0xFFFF  }
0x28: {  	[tilespmem:s15], [sflag:$0x1] =	stream.indirect.gather [hbm4b:s4+s14], $0x50, s12, s14, $0xb8;
	[tilespmem:$0x1DE20] =	vst v63  }
0x29: {  	_ = 	snop  }
0x2a: {  	[tilespmem:s16], [sflag:$0x2] =	stream.indirect.gather [hbm4b:s4+s14], $0x50, s14, s14, $0xb8;
	[tilespmem:$0x1DE20] =	vst v63  }
0x2b: {  	s13 =	simm.s32 $0xA0  }
0x2c: {  	[tilespmem:s18], [sflag:$0x3] =	stream.indirect.gather [hbm4b:s4+s14], $0x50, s13, s14, $0xb8;
	[tilespmem:$0x1DE20] =	vst v63  }
0x2d: {  	s10 =	simm.s32 $0xF0  }
0x2e: {  	[tilespmem:s20], [sflag:$0x4] =	stream.indirect.gather [hbm4b:s4+s14], $0x50, s10, s14, $0xb8;
	[tilespmem:$0x1DE20] =	vst v63  }
0x2f: {  	s12 =	simm.s32 $0x140  }
0x30: {  	[tilespmem:s22], [sflag:$0x5] =	stream.indirect.gather [hbm4b:s4+s14], $0x50, s12, s14, $0xb8;
	[tilespmem:$0x1DE20] =	vst v63  }
0x31: {  	_ =	swait.ge [sflag:s23], $0x1900  }
0x32: {  	[sflag:s23] =	ssyncset.done $0x0  }
0x33: {  	s13 =	simm.s32 $0x2710;
	[sflag:s23] =	ssyncadd.s32 $0xFFFFE700  }
0x34: {  	[spmem:s2] =	stream.indirect.scatter.add.bf16 [tilespmem:s15], [sflag:$0x9], $0x50, s13, s14, $0xb8;
	[tilespmem:$0x1DE20] =	vst v63  }
0x35: {  	s10 =	simm.s32 $0x190  }
0x36: {  	[tilespmem:s25], [sflag:$0x6] =	stream.indirect.gather [hbm4b:s4+s14], $0x50, s10, s14, $0xb8;
	[tilespmem:$0x1DE20] =	vst v63  }
0x37: {  	_ =	swait.ge [sflag:s26], $0x1900  }
0x38: {  	[sflag:s26] =	ssyncset.done $0x0  }
0x39: {  	s12 =	simm.s32 $0x2760;
	[sflag:s26] =	ssyncadd.s32 $0xFFFFE700  }
0x3a: {  	[spmem:s2] =	stream.indirect.scatter.add.bf16 [tilespmem:s16], [sflag:$0xA], $0x50, s12, s14, $0xb8;
	[tilespmem:$0x1DE20] =	vst v63  }
0x3b: {  	s13 =	simm.s32 $0x1E0  }
0x3c: {  	[tilespmem:s30], [sflag:$0x7] =	stream.indirect.gather [hbm4b:s4+s14], $0x50, s13, s14, $0xb8;
	[tilespmem:$0x1DE20] =	vst v63  }
0x3d: {  	_ =	swait.ge [sflag:s31], $0x1900  }
0x3e: {  	[sflag:s31] =	ssyncset.done $0x0  }
0x3f: {  	s10 =	simm.s32 $0x27B0;
	[sflag:s31] =	ssyncadd.s32 $0xFFFFE700  }
0x40: {  	[spmem:s2] =	stream.indirect.scatter.add.bf16 [tilespmem:s18], [sflag:$0xB], $0x50, s10, s14, $0xb8;
	[tilespmem:$0x1DE20] =	vst v63  }
0x41: {  	s12 =	simm.s32 $0x230  }
0x42: {  	[tilespmem:s17], [sflag:$0x8] =	stream.indirect.gather [hbm4b:s4+s14], $0x50, s12, s14, $0xb8;
	[tilespmem:$0x1DE20] =	vst v63  }
0x43: {  	_ =	swait.ge [sflag:s19], $0x1900  }
0x44: {  	[sflag:s19] =	ssyncset.done $0x0  }
0x45: {  	s13 =	simm.s32 $0x2800;
	[sflag:s19] =	ssyncadd.s32 $0xFFFFE700  }
0x46: {  	[spmem:s2] =	stream.indirect.scatter.add.bf16 [tilespmem:s20], [sflag:$0xC], $0x50, s13, s14, $0xb8;
	[tilespmem:$0x1DE20] =	vst v63  }
0x47: {  	_ =	swait.ge [sflag:s24], $0x1900  }
0x48: {  	[sflag:s24] =	ssyncset.done $0x0  }
0x49: {  	s3 =	simm.s32 $0x280;
	[sflag:s24] =	ssyncadd.s32 $0xFFFFE700  }
0x4a: {  	[tilespmem:s15], [sflag:$0x1] =	stream.indirect.gather [hbm4b:s4+s14], $0x50, s3, s14, $0xb8;
	[tilespmem:$0x1DE20] =	vst v63  }
0x4b: {  	_ =	swait.ge [sflag:s28], $0x1900  }
0x4c: {  	[sflag:s28] =	ssyncset.done $0x0  }
0x4d: {  	s10 =	simm.s32 $0x2850;
	[sflag:s28] =	ssyncadd.s32 $0xFFFFE700  }
0x4e: {  	[spmem:s2] =	stream.indirect.scatter.add.bf16 [tilespmem:s22], [sflag:$0xD], $0x50, s10, s14, $0xb8;
	[tilespmem:$0x1DE20] =	vst v63  }
0x4f: {  	_ =	swait.ge [sflag:s29], $0x1900  }
0x50: {  	[sflag:s29] =	ssyncset.done $0x0  }
0x51: {  	s13 =	simm.s32 $0x2D0;
	[sflag:s29] =	ssyncadd.s32 $0xFFFFE700  }
0x52: {  	[tilespmem:s16], [sflag:$0x2] =	stream.indirect.gather [hbm4b:s4+s14], $0x50, s13, s14, $0xb8;
	[tilespmem:$0x1DE20] =	vst v63  }
0x53: {  	_ =	swait.ge [sflag:s0], $0x1900  }
0x54: {  	[sflag:s0] =	ssyncset.done $0x0  }
0x55: {  	s3 =	simm.s32 $0x28A0;
	[sflag:s0] =	ssyncadd.s32 $0xFFFFE700  }
0x56: {  	[spmem:s2] =	stream.indirect.scatter.add.bf16 [tilespmem:s25], [sflag:$0xE], $0x50, s3, s14, $0xb8;
	[tilespmem:$0x1DE20] =	vst v63  }
0x57: {  	_ =	swait.ge [sflag:s1], $0x1900  }
0x58: {  	[sflag:s1] =	ssyncset.done $0x0  }
0x59: {  	s10 =	simm.s32 $0x320;
	[sflag:s1] =	ssyncadd.s32 $0xFFFFE700  }
0x5a: {  	[tilespmem:s18], [sflag:$0x3] =	stream.indirect.gather [hbm4b:s4+s14], $0x50, s10, s14, $0xb8;
	[tilespmem:$0x1DE20] =	vst v63  }
0x5b: {  	_ =	swait.ge [sflag:s21], $0x1900  }
0x5c: {  	[sflag:s21] =	ssyncset.done $0x0  }
0x5d: {  	s13 =	simm.s32 $0x28F0;
	[sflag:s21] =	ssyncadd.s32 $0xFFFFE700  }
0x5e: {  	[spmem:s2] =	stream.indirect.scatter.add.bf16 [tilespmem:s30], [sflag:$0xF], $0x50, s13, s14, $0xb8;
	[tilespmem:$0x1DE20] =	vst v63  }
0x5f: {  	_ =	swait.ge [sflag:s5], $0x1900  }
0x60: {  	[sflag:s5] =	ssyncset.done $0x0  }
0x61: {  	s3 =	simm.s32 $0x370;
	[sflag:s5] =	ssyncadd.s32 $0xFFFFE700  }
0x62: {  	[tilespmem:s20], [sflag:$0x4] =	stream.indirect.gather [hbm4b:s4+s14], $0x50, s3, s14, $0xb8;
	[tilespmem:$0x1DE20] =	vst v63  }
0x63: {  	_ =	swait.ge [sflag:s6], $0x1900  }
0x64: {  	[sflag:s6] =	ssyncset.done $0x0  }
0x65: {  	s10 =	simm.s32 $0x2940;
	[sflag:s6] =	ssyncadd.s32 $0xFFFFE700  }
0x66: {  	[spmem:s2] =	stream.indirect.scatter.add.bf16 [tilespmem:s17], [sflag:$0x10], $0x50, s10, s14, $0xb8;
	[tilespmem:$0x1DE20] =	vst v63  }
0x67: {  	_ =	swait.ge [sflag:s11], $0x1900  }
0x68: {  	[sflag:s11] =	ssyncset.done $0x0  }
0x69: {  	s13 =	simm.s32 $0x3C0;
	[sflag:s11] =	ssyncadd.s32 $0xFFFFE700  }
0x6a: {  	[tilespmem:s22], [sflag:$0x5] =	stream.indirect.gather [hbm4b:s4+s14], $0x50, s13, s14, $0xb8;
	[tilespmem:$0x1DE20] =	vst v63  }
0x6b: {  	_ =	swait.ge [sflag:s23], $0x1900  }
0x6c: {  	[sflag:s23] =	ssyncset.done $0x0  }
0x6d: {  	s3 =	simm.s32 $0x2990;
	[sflag:s23] =	ssyncadd.s32 $0xFFFFE700  }
0x6e: {  	[spmem:s2] =	stream.indirect.scatter.add.bf16 [tilespmem:s15], [sflag:$0x9], $0x50, s3, s14, $0xb8;
	[tilespmem:$0x1DE20] =	vst v63  }
0x6f: {  	_ =	swait.ge [sflag:s7], $0x1900  }
0x70: {  	[sflag:s7] =	ssyncset.done $0x0  }
0x71: {  	s10 =	simm.s32 $0x410;
	[sflag:s7] =	ssyncadd.s32 $0xFFFFE700  }
0x72: {  	[tilespmem:s25], [sflag:$0x6] =	stream.indirect.gather [hbm4b:s4+s14], $0x50, s10, s14, $0xb8;
	[tilespmem:$0x1DE20] =	vst v63  }
0x73: {  	_ =	swait.ge [sflag:s26], $0x1900  }
0x74: {  	[sflag:s26] =	ssyncset.done $0x0  }
0x75: {  	s13 =	simm.s32 $0x29E0;
	[sflag:s26] =	ssyncadd.s32 $0xFFFFE700  }
0x76: {  	[spmem:s2] =	stream.indirect.scatter.add.bf16 [tilespmem:s16], [sflag:$0xA], $0x50, s13, s14, $0xb8;
	[tilespmem:$0x1DE20] =	vst v63  }
0x77: {  	_ =	swait.ge [sflag:s8], $0x1900  }
0x78: {  	[sflag:s8] =	ssyncset.done $0x0  }
0x79: {  	s3 =	simm.s32 $0x460;
	[sflag:s8] =	ssyncadd.s32 $0xFFFFE700  }
0x7a: {  	[tilespmem:s30], [sflag:$0x7] =	stream.indirect.gather [hbm4b:s4+s14], $0x50, s3, s14, $0xb8;
	[tilespmem:$0x1DE20] =	vst v63  }
0x7b: {  	_ =	swait.ge [sflag:s31], $0x1900  }
0x7c: {  	[sflag:s31] =	ssyncset.done $0x0  }
0x7d: {  	s10 =	simm.s32 $0x2A30;
	[sflag:s31] =	ssyncadd.s32 $0xFFFFE700  }
0x7e: {  	[spmem:s2] =	stream.indirect.scatter.add.bf16 [tilespmem:s18], [sflag:$0xB], $0x50, s10, s14, $0xb8;
	[tilespmem:$0x1DE20] =	vst v63  }
0x7f: {  	_ =	swait.ge [sflag:s9], $0x1900  }
0x80: {  	[sflag:s9] =	ssyncset.done $0x0  }
0x81: {  	s13 =	simm.s32 $0x4B0;
	[sflag:s9] =	ssyncadd.s32 $0xFFFFE700  }
0x82: {  	[tilespmem:s17], [sflag:$0x8] =	stream.indirect.gather [hbm4b:s4+s14], $0x50, s13, s14, $0xb8;
	[tilespmem:$0x1DE20] =	vst v63  }
0x83: {  	_ =	swait.ge [sflag:s19], $0x1900  }
0x84: {  	[sflag:s19] =	ssyncset.done $0x0  }
0x85: {  	s12 =	simm.s32 $0xA00;
	s13 =	simm.s32 $0x2A80;
	[sflag:s19] =	ssyncadd.s32 $0xFFFFE700  }
.LBB2_2:
0x86: {  	[spmem:s2] =	stream.indirect.scatter.add.bf16 [tilespmem:s20], [sflag:$0xC], $0x50, s13, s14, $0xb8;
	[tilespmem:$0x1DE20] =	vst v63  }
0x87: {  	s13 =	smov.u32 s12  }
0x88: {  	p0 =	sne.s32 s12, $0x8200;
	s12 =	sadd.s32 $0xA00, s12;
	_ =	swait.ge [sflag:s24], $0x1900  }
0x89: {  	s13 =	sshra.s32 s13, $0x2;
	[sflag:s24] =	ssyncset.done $0x0  }
0x8a: {  	s10 =	sadd.s32 $0x280, s13;
	[sflag:s24] =	ssyncadd.s32 $0xFFFFE700  }
0x8b: {  	[tilespmem:s15], [sflag:$0x1] =	stream.indirect.gather [hbm4b:s4+s14], $0x50, s10, s14, $0xb8;
	[tilespmem:$0x1DE20] =	vst v63  }
0x8c: {  	_ =	swait.ge [sflag:s28], $0x1900  }
0x8d: {  	[sflag:s28] =	ssyncset.done $0x0  }
0x8e: {  	s10 =	sadd.s32 $0x2850, s13;
	[sflag:s28] =	ssyncadd.s32 $0xFFFFE700  }
0x8f: {  	[spmem:s2] =	stream.indirect.scatter.add.bf16 [tilespmem:s22], [sflag:$0xD], $0x50, s10, s14, $0xb8;
	[tilespmem:$0x1DE20] =	vst v63  }
0x90: {  	_ =	swait.ge [sflag:s29], $0x1900  }
0x91: {  	[sflag:s29] =	ssyncset.done $0x0  }
0x92: {  	s10 =	sadd.s32 $0x2D0, s13;
	[sflag:s29] =	ssyncadd.s32 $0xFFFFE700  }
0x93: {  	[tilespmem:s16], [sflag:$0x2] =	stream.indirect.gather [hbm4b:s4+s14], $0x50, s10, s14, $0xb8;
	[tilespmem:$0x1DE20] =	vst v63  }
0x94: {  	_ =	swait.ge [sflag:s0], $0x1900  }
0x95: {  	[sflag:s0] =	ssyncset.done $0x0  }
0x96: {  	s10 =	sadd.s32 $0x28A0, s13;
	[sflag:s0] =	ssyncadd.s32 $0xFFFFE700  }
0x97: {  	[spmem:s2] =	stream.indirect.scatter.add.bf16 [tilespmem:s25], [sflag:$0xE], $0x50, s10, s14, $0xb8;
	[tilespmem:$0x1DE20] =	vst v63  }
0x98: {  	_ =	swait.ge [sflag:s1], $0x1900  }
0x99: {  	[sflag:s1] =	ssyncset.done $0x0  }
0x9a: {  	s10 =	sadd.s32 $0x320, s13;
	[sflag:s1] =	ssyncadd.s32 $0xFFFFE700  }
0x9b: {  	[tilespmem:s18], [sflag:$0x3] =	stream.indirect.gather [hbm4b:s4+s14], $0x50, s10, s14, $0xb8;
	[tilespmem:$0x1DE20] =	vst v63  }
0x9c: {  	_ =	swait.ge [sflag:s21], $0x1900  }
0x9d: {  	[sflag:s21] =	ssyncset.done $0x0  }
0x9e: {  	s10 =	sadd.s32 $0x28F0, s13;
	[sflag:s21] =	ssyncadd.s32 $0xFFFFE700  }
0x9f: {  	[spmem:s2] =	stream.indirect.scatter.add.bf16 [tilespmem:s30], [sflag:$0xF], $0x50, s10, s14, $0xb8;
	[tilespmem:$0x1DE20] =	vst v63  }
0xa0: {  	_ =	swait.ge [sflag:s5], $0x1900  }
0xa1: {  	[sflag:s5] =	ssyncset.done $0x0  }
0xa2: {  	s10 =	sadd.s32 $0x370, s13;
	[sflag:s5] =	ssyncadd.s32 $0xFFFFE700  }
0xa3: {  	[tilespmem:s20], [sflag:$0x4] =	stream.indirect.gather [hbm4b:s4+s14], $0x50, s10, s14, $0xb8;
	[tilespmem:$0x1DE20] =	vst v63  }
0xa4: {  	_ =	swait.ge [sflag:s6], $0x1900  }
0xa5: {  	[sflag:s6] =	ssyncset.done $0x0  }
0xa6: {  	s10 =	sadd.s32 $0x2940, s13;
	[sflag:s6] =	ssyncadd.s32 $0xFFFFE700  }
0xa7: {  	[spmem:s2] =	stream.indirect.scatter.add.bf16 [tilespmem:s17], [sflag:$0x10], $0x50, s10, s14, $0xb8;
	[tilespmem:$0x1DE20] =	vst v63  }
0xa8: {  	_ =	swait.ge [sflag:s11], $0x1900  }
0xa9: {  	[sflag:s11] =	ssyncset.done $0x0  }
0xaa: {  	s10 =	sadd.s32 $0x3C0, s13;
	[sflag:s11] =	ssyncadd.s32 $0xFFFFE700  }
0xab: {  	[tilespmem:s22], [sflag:$0x5] =	stream.indirect.gather [hbm4b:s4+s14], $0x50, s10, s14, $0xb8;
	[tilespmem:$0x1DE20] =	vst v63  }
0xac: {  	_ =	swait.ge [sflag:s23], $0x1900  }
0xad: {  	[sflag:s23] =	ssyncset.done $0x0  }
0xae: {  	s10 =	sadd.s32 $0x2990, s13;
	[sflag:s23] =	ssyncadd.s32 $0xFFFFE700  }
0xaf: {  	[spmem:s2] =	stream.indirect.scatter.add.bf16 [tilespmem:s15], [sflag:$0x9], $0x50, s10, s14, $0xb8;
	[tilespmem:$0x1DE20] =	vst v63  }
0xb0: {  	_ =	swait.ge [sflag:s7], $0x1900  }
0xb1: {  	[sflag:s7] =	ssyncset.done $0x0  }
0xb2: {  	s10 =	sadd.s32 $0x410, s13;
	[sflag:s7] =	ssyncadd.s32 $0xFFFFE700  }
0xb3: {  	[tilespmem:s25], [sflag:$0x6] =	stream.indirect.gather [hbm4b:s4+s14], $0x50, s10, s14, $0xb8;
	[tilespmem:$0x1DE20] =	vst v63  }
0xb4: {  	_ =	swait.ge [sflag:s26], $0x1900  }
0xb5: {  	[sflag:s26] =	ssyncset.done $0x0  }
0xb6: {  	s10 =	sadd.s32 $0x29E0, s13;
	[sflag:s26] =	ssyncadd.s32 $0xFFFFE700  }
0xb7: {  	[spmem:s2] =	stream.indirect.scatter.add.bf16 [tilespmem:s16], [sflag:$0xA], $0x50, s10, s14, $0xb8;
	[tilespmem:$0x1DE20] =	vst v63  }
0xb8: {  	_ =	swait.ge [sflag:s8], $0x1900  }
0xb9: {  	[sflag:s8] =	ssyncset.done $0x0  }
0xba: {  	s10 =	sadd.s32 $0x460, s13;
	[sflag:s8] =	ssyncadd.s32 $0xFFFFE700  }
0xbb: {  	[tilespmem:s30], [sflag:$0x7] =	stream.indirect.gather [hbm4b:s4+s14], $0x50, s10, s14, $0xb8;
	[tilespmem:$0x1DE20] =	vst v63  }
0xbc: {  	_ =	swait.ge [sflag:s31], $0x1900  }
0xbd: {  	[sflag:s31] =	ssyncset.done $0x0  }
0xbe: {  	s10 =	sadd.s32 $0x2A30, s13;
	[sflag:s31] =	ssyncadd.s32 $0xFFFFE700  }
0xbf: {  	[spmem:s2] =	stream.indirect.scatter.add.bf16 [tilespmem:s18], [sflag:$0xB], $0x50, s10, s14, $0xb8;
	[tilespmem:$0x1DE20] =	vst v63  }
0xc0: {  	_ =	swait.ge [sflag:s9], $0x1900  }
0xc1: {  	[sflag:s9] =	ssyncset.done $0x0  }
.Ltmp0:
0xc2: {  	s10 =	sadd.s32 $0x4B0, s13;
	[sflag:s9] =	ssyncadd.s32 $0xFFFFE700;
	(pc) =	sbr.rel @p0 .LBB2_2-.Ltmp0, $4  }
0xc3: {  	[tilespmem:s17], [sflag:$0x8] =	stream.indirect.gather [hbm4b:s4+s14], $0x50, s10, s14, $0xb8;
	[tilespmem:$0x1DE20] =	vst v63  }
0xc4: {  	_ =	swait.ge [sflag:s19], $0x1900  }
0xc5: {  	[sflag:s19] =	ssyncset.done $0x0  }
0xc6: {  	s13 =	sadd.s32 $0x2A80, s13;
	[sflag:s19] =	ssyncadd.s32 $0xFFFFE700  }
0xc7: {  	[spmem:s2] =	stream.indirect.scatter.add.bf16 [tilespmem:s20], [sflag:$0xC], $0x50, s13, s14, $0xb8;
	[tilespmem:$0x1DE20] =	vst v63  }
0xc8: {  	_ =	swait.ge [sflag:s24], $0x1900  }
0xc9: {  	[sflag:s24] =	ssyncset.done $0x0  }
0xca: {  	s3 =	simm.s32 $0x2580;
	[sflag:s24] =	ssyncadd.s32 $0xFFFFE700  }
0xcb: {  	[tilespmem:s15], [sflag:$0x1] =	stream.indirect.gather [hbm4b:s4+s14], $0x50, s3, s14, $0xb8;
	[tilespmem:$0x1DE20] =	vst v63  }
0xcc: {  	_ =	swait.ge [sflag:s28], $0x1900  }
0xcd: {  	[sflag:s28] =	ssyncset.done $0x0  }
0xce: {  	s12 =	simm.s32 $0x4B50;
	[sflag:s28] =	ssyncadd.s32 $0xFFFFE700  }
0xcf: {  	[spmem:s2] =	stream.indirect.scatter.add.bf16 [tilespmem:s22], [sflag:$0xD], $0x50, s12, s14, $0xb8;
	[tilespmem:$0x1DE20] =	vst v63  }
0xd0: {  	_ =	swait.ge [sflag:s29], $0x1900  }
0xd1: {  	[sflag:s29] =	ssyncset.done $0x0  }
0xd2: {  	s13 =	simm.s32 $0x25D0;
	[sflag:s29] =	ssyncadd.s32 $0xFFFFE700  }
0xd3: {  	[tilespmem:s16], [sflag:$0x2] =	stream.indirect.gather [hbm4b:s4+s14], $0x50, s13, s14, $0xb8;
	[tilespmem:$0x1DE20] =	vst v63  }
0xd4: {  	_ =	swait.ge [sflag:s0], $0x1900  }
0xd5: {  	[sflag:s0] =	ssyncset.done $0x0  }
0xd6: {  	s10 =	simm.s32 $0x4BA0;
	[sflag:s0] =	ssyncadd.s32 $0xFFFFE700  }
0xd7: {  	[spmem:s2] =	stream.indirect.scatter.add.bf16 [tilespmem:s25], [sflag:$0xE], $0x50, s10, s14, $0xb8;
	[tilespmem:$0x1DE20] =	vst v63  }
0xd8: {  	_ =	swait.ge [sflag:s1], $0x1900  }
0xd9: {  	[sflag:s1] =	ssyncset.done $0x0  }
0xda: {  	s12 =	simm.s32 $0x2620;
	[sflag:s1] =	ssyncadd.s32 $0xFFFFE700  }
0xdb: {  	[tilespmem:s18], [sflag:$0x3] =	stream.indirect.gather [hbm4b:s4+s14], $0x50, s12, s14, $0xb8;
	[tilespmem:$0x1DE20] =	vst v63  }
0xdc: {  	_ =	swait.ge [sflag:s21], $0x1900  }
0xdd: {  	[sflag:s21] =	ssyncset.done $0x0  }
0xde: {  	s13 =	simm.s32 $0x4BF0;
	[sflag:s21] =	ssyncadd.s32 $0xFFFFE700  }
0xdf: {  	[spmem:s2] =	stream.indirect.scatter.add.bf16 [tilespmem:s30], [sflag:$0xF], $0x50, s13, s14, $0xb8;
	[tilespmem:$0x1DE20] =	vst v63  }
0xe0: {  	_ =	swait.ge [sflag:s5], $0x1900  }
0xe1: {  	[sflag:s5] =	ssyncset.done $0x0  }
0xe2: {  	s10 =	simm.s32 $0x2670;
	[sflag:s5] =	ssyncadd.s32 $0xFFFFE700  }
0xe3: {  	[tilespmem:s20], [sflag:$0x4] =	stream.indirect.gather [hbm4b:s4+s14], $0x50, s10, s14, $0xb8;
	[tilespmem:$0x1DE20] =	vst v63  }
0xe4: {  	_ =	swait.ge [sflag:s6], $0x1900  }
0xe5: {  	[sflag:s6] =	ssyncset.done $0x0  }
0xe6: {  	s12 =	simm.s32 $0x4C40;
	[sflag:s6] =	ssyncadd.s32 $0xFFFFE700  }
0xe7: {  	[spmem:s2] =	stream.indirect.scatter.add.bf16 [tilespmem:s17], [sflag:$0x10], $0x50, s12, s14, $0xb8;
	[tilespmem:$0x1DE20] =	vst v63  }
0xe8: {  	_ =	swait.ge [sflag:s11], $0x1900  }
0xe9: {  	[sflag:s11] =	ssyncset.done $0x0  }
0xea: {  	s13 =	simm.s32 $0x26C0;
	[sflag:s11] =	ssyncadd.s32 $0xFFFFE700  }
0xeb: {  	[tilespmem:s22], [sflag:$0x5] =	stream.indirect.gather [hbm4b:s4+s14], $0x50, s13, s14, $0xb8;
	[tilespmem:$0x1DE20] =	vst v63  }
0xec: {  	_ =	swait.ge [sflag:s23], $0x1900  }
0xed: {  	[sflag:s23] =	ssyncset.done $0x0  }
0xee: {  	s10 =	simm.s32 $0x4C90;
	[sflag:s23] =	ssyncadd.s32 $0xFFFFE700  }
0xef: {  	[spmem:s2] =	stream.indirect.scatter.add.bf16 [tilespmem:s15], [sflag:$0x9], $0x50, s10, s14, $0xb8;
	[tilespmem:$0x1DE20] =	vst v63  }
0xf0: {  	_ =	swait.ge [sflag:s26], $0x1900  }
0xf1: {  	[sflag:s26] =	ssyncset.done $0x0  }
0xf2: {  	s12 =	simm.s32 $0x4CE0;
	[sflag:s26] =	ssyncadd.s32 $0xFFFFE700  }
0xf3: {  	[spmem:s2] =	stream.indirect.scatter.add.bf16 [tilespmem:s16], [sflag:$0xA], $0x50, s12, s14, $0xb8;
	[tilespmem:$0x1DE20] =	vst v63  }
0xf4: {  	_ =	swait.ge [sflag:s31], $0x1900  }
0xf5: {  	[sflag:s31] =	ssyncset.done $0x0  }
0xf6: {  	s13 =	simm.s32 $0x4D30;
	[sflag:s31] =	ssyncadd.s32 $0xFFFFE700  }
0xf7: {  	[spmem:s2] =	stream.indirect.scatter.add.bf16 [tilespmem:s18], [sflag:$0xB], $0x50, s13, s14, $0xb8;
	[tilespmem:$0x1DE20] =	vst v63  }
0xf8: {  	_ =	swait.ge [sflag:s19], $0x1900  }
0xf9: {  	[sflag:s19] =	ssyncset.done $0x0  }
0xfa: {  	s10 =	simm.s32 $0x4D80;
	[sflag:s19] =	ssyncadd.s32 $0xFFFFE700  }
0xfb: {  	[spmem:s2] =	stream.indirect.scatter.add.bf16 [tilespmem:s20], [sflag:$0xC], $0x50, s10, s14, $0xb8;
	[tilespmem:$0x1DE20] =	vst v63  }
0xfc: {  	_ =	swait.ge [sflag:s28], $0x1900  }
0xfd: {  	[sflag:s28] =	ssyncset.done $0x0  }
0xfe: {  	s12 =	simm.s32 $0x4DD0;
	[sflag:s28] =	ssyncadd.s32 $0xFFFFE700  }
0xff: {  	[spmem:s2] =	stream.indirect.scatter.add.bf16 [tilespmem:s22], [sflag:$0xD], $0x50, s12, s14, $0xb8;
	[tilespmem:$0x1DE20] =	vst v63  }
0x100: {  	_ =	swait.ge [sflag:s24], $0x1900  }
0x101: {  	[sflag:s24] =	ssyncset.done $0x0  }
0x102: {  	[sflag:s24] =	ssyncadd.s32 $0xFFFFE700  }
0x103: {  	_ =	swait.ge [sflag:s29], $0x1900  }
0x104: {  	[sflag:s29] =	ssyncset.done $0x0  }
0x105: {  	[sflag:s29] =	ssyncadd.s32 $0xFFFFE700  }
0x106: {  	_ =	swait.ge [sflag:s1], $0x1900  }
0x107: {  	[sflag:s1] =	ssyncset.done $0x0  }
0x108: {  	[sflag:s1] =	ssyncadd.s32 $0xFFFFE700  }
0x109: {  	_ =	swait.ge [sflag:s5], $0x1900  }
0x10a: {  	[sflag:s5] =	ssyncset.done $0x0  }
0x10b: {  	[sflag:s5] =	ssyncadd.s32 $0xFFFFE700  }
0x10c: {  	_ =	swait.ge [sflag:s11], $0x1900  }
0x10d: {  	[sflag:s11] =	ssyncset.done $0x0  }
0x10e: {  	[sflag:s11] =	ssyncadd.s32 $0xFFFFE700  }
0x10f: {  	_ =	swait.ge [sflag:s7], $0x1900  }
0x110: {  	[sflag:s7] =	ssyncset.done $0x0  }
0x111: {  	[sflag:s7] =	ssyncadd.s32 $0xFFFFE700  }
0x112: {  	_ =	swait.ge [sflag:s8], $0x1900  }
0x113: {  	[sflag:s8] =	ssyncset.done $0x0  }
0x114: {  	[sflag:s8] =	ssyncadd.s32 $0xFFFFE700  }
0x115: {  	_ =	swait.ge [sflag:s9], $0x1900  }
0x116: {  	[sflag:s9] =	ssyncset.done $0x0  }
0x117: {  	[sflag:s9] =	ssyncadd.s32 $0xFFFFE700  }
0x118: {  	[bflag:$0x0] =	sbarrier.arrive $0xFFFF  }
0x119: {  	s10 =	rddreg [dreg:$0x7]  }
0x11a: {  	s13 =	rddreg [dreg:$0x9]  }
0x11b: {  	s12 =	rddreg [dreg:$0xa]  }
0x11c: {  	[hbm:s10], [sflag:s13] =	dma.local [spmem:s12], $0x1900  }
0x11d: {  	s13 =	simm.s32 $0x11  }
0x11e: {  	_ =	swait.ge [sflag:s13], $0x1900  }
0x11f: {  	s10 =	rddreg [dreg:$0xb]  }
0x120: {  	s12 =	rddreg [dreg:$0x8];
	s3 =	sadd.s32 $0x1, s10  }
0x121: {  	p0 =	sne.s32 s3, s12  }
.Ltmp1:
0x122: {  	_ = 	snop;
	(pc) =	sbr.rel @p0 .LBB2_1-.Ltmp1, $3  }
0x123: {  	_ =	sdelay $0x1  }
0x124: {  	[sflag:s13] =	ssyncset.done $0x0  }
0x125: {  	[sflag:s13] =	ssyncadd.s32 $0xFFFFE700;
	[dreg:$0xb] =	wrdreg s3  }
0x126: {  	_ =	sfence.sel $0x180000  }
0x127: {  	[bflag:$0x0] =	sbarrier.arrive $0xFFFF  }
0x128: {  	_ =	strace $0x90000047  }
0x129: {  	s0 =	stileid.u32;
	[bflag:$0x2] =	sbarrier.arrive $0xFFFF  }
0x12a: {  	p0 =	sne.s32 s0, $0x0;
	s0 =	rddreg [dreg:$0x3]  }
0x12b: {  	s0 =	sadd.s32 @!p0 $0x100000, s0  }
0x12c: {  	[sflag:s0] =	ssyncadd.tile.s32 @!p0 $0x1;
	_ =	shalt  }
.Lfunc_end2:
_tile_overlayer_lowered:
.L_overlay_start_2:
0x12d: {  	(tag) =	ssettag $0x2  }
0x12e: {  	s0 =	rddreg [dreg:$0x0];
	s2 =	stileid.u32  }
0x12f: {  	s1 =	rddreg [dreg:$0x1];
	p0 =	sne.s32 s2, $0x0  }
0x130: {  	s3 =	rddreg [dreg:$0x2];
	[bflag:$0x3] =	sbarrier.arrive $0xFFFF;
	s2 =	simm.s32 @!p0 $0x1C11  }
0x131: {  	[timem:s3], [sflag:s2] =	dma.local @!p0 [hbm:s0], s1  }
0x132: {  	s0 =	simm.s32 @!p0 $0x11  }
0x133: {  	_ =	swait.ge @!p0 [sflag:s0], s1  }
0x134: {  	s1 =	ssub.s32 @!p0 $0x0, s1;
	[sflag:s0] =	ssyncset.done @!p0 $0x0  }
0x135: {  	[sflag:s0] =	ssyncadd.s32 @!p0 s1  }
0x136: {  	[bflag:$0x3] =	sbarrier.arrive $0xFFFF  }
0x137: {  	_ =	shalt  }

// kernel: sage_sc_agg.7.cloned.1.call-start
scs
__scs_entry_jumppad:
0x0: {  	(pc) =	sbr.rel $0x88, $3  }
0x1: {  	(tag) =	ssettag $0x0;
	lr =	simm.s32 $0x1  }
0x2: {  	[smem:$0x3F95] =	sst lr;
	_ =	strace $0xD0000000  }
0x3: {  	_ = 	snop  }
0x4: {  	_ = 	snop  }
0x5: {  	_ = 	snop  }
0x6: {  	_ = 	snop  }
0x7: {  	_ = 	snop  }
__scs_overlays_trampoline_lowered:
0x8: {  	[smem:$0x3FA4] =	sst s0  }
0x9: {  	[smem:$0x3FA5] =	sst s1  }
0xa: {  	[smem:$0x3FA6] =	sst s2  }
0xb: {  	[smem:$0x3FA7] =	sst s3  }
0xc: {  	[smem:$0x3FA8] =	sst s4  }
0xd: {  	[smem:$0x3FA9] =	sst s5  }
0xe: {  	[smem:$0x3FAA] =	sst s6  }
0xf: {  	[smem:$0x3FAB] =	sst s7  }
0x10: {  	[smem:$0x3FAC] =	sst s8  }
0x11: {  	[smem:$0x3FAD] =	sst s9;
	s0 =	simm.s32 @!p0 $0x0  }
0x12: {  	s1 =	sld [smem:$0x3F93];
	s0 =	simm.s32 @p0 $0x1  }
0x13: {  	[smem:$0x3FAE] =	sst s0;
	s0 =	simm.s32 @!p1 $0x0  }
0x14: {  	s2 =	sld [smem:$0x3F92];
	s0 =	simm.s32 @p1 $0x1  }
0x15: {  	[smem:$0x3FAF] =	sst s0;
	s0 =	simm.s32 @!p2 $0x0  }
0x16: {  	s3 =	sld [smem:$0x3FDB];
	s0 =	simm.s32 @p2 $0x1  }
0x17: {  	s4 =	simm.s32 $0x1BF5;
	[smem:$0x3FB1] =	sst s0  }
0x18: {  	s0 =	sld [smem:$0x3F94];
	_ =	swait.ge [sflag:s4], $0x0  }
0x19: {  	s7 =	sld [smem:$0x3F95]  }
0x1a: {  	s8 =	sadd.s32 $0xFFFFE003, lr  }
0x1b: {  	s9 =	sadd.s32 $0xFFFFFEF7, lr;
	s5 =	simm.s32 $0xFFFFFFFF;
	p2 =	slt.u32 s8, $0xFFFFF086  }
0x1c: {  	p1 =	slt.u32 s9, $0xF7A;
	s5 =	simm.s32 @!p2 $0x0  }
0x1d: {  	s5 =	simm.s32 @p1 $0x1;
	p0 =	seq.s32 s7, s2  }
0x1e: {  	s7 =	smul.u32 @!p0 $0xF7A, s2;
	p2 =	seq.s32 @!p0 s5, $0x0  }
0x1f: {  	s9 =	smul.u32 $0xF7A, s1;
	s8 =	simm.s32 @!p0 $0x1BF5;
	p2 =	por !p2, p0  }
0x20: {  	[sflag:s8] =	ssyncset.s32 @!p0 $0xFFFFF086;
	s6 =	sadd.s32 @!p0 s3, s7;
	s7 =	simm.s32 @!p0 $0x108  }
0x21: {  	s3 =	sadd.s32 s3, s9;
	s6 =	sadd.s32 @!p0 $0x88, s6;
	s7 =	simm.s32 @p2 $0x1082  }
0x22: {  	[simem:s7], [sflag:s8] =	dma.local @!p0 [hbm:s6], $0xF7A  }
0x23: {  	s9 =	sor.u32 $0xD0000000, s2;
	s6 =	simm.s32 $0x108;
	_ =	swait.ge @!p0 [sflag:s8], $0x0  }
0x24: {  	s3 =	sadd.s32 $0x88, s3;
	s6 =	simm.s32 @!p1 $0x1082;
	[sflag:s4] =	ssyncset.s32 $0xFFFFF086  }
0x25: {  	[simem:s6], [sflag:s4] =	dma.local [hbm:s3], $0xF7A  }
0x26: {  	[smem:$0x3F95] =	sst s1;
	(tag) =	ssettag s2;
	_ =	strace s9  }
0x27: {  	s1 =	sld [smem:$0x3FA5]  }
0x28: {  	s2 =	sld [smem:$0x3FA6]  }
0x29: {  	s4 =	sld [smem:$0x3FA8]  }
0x2a: {  	p0 =	seq.s32 s5, $0x0;
	s5 =	sld [smem:$0x3FA9]  }
0x2b: {  	s6 =	sld [smem:$0x3FAA]  }
0x2c: {  	s7 =	sld [smem:$0x3FAB]  }
0x2d: {  	s3 =	simm.s32 $0x108;
	s8 =	sld [smem:$0x3FAC]  }
0x2e: {  	s3 =	simm.s32 @!p0 $0x1082;
	s9 =	sld [smem:$0x3FAD]  }
0x2f: {  	lr =	sadd.s32 s0, s3;
	s0 =	sld [smem:$0x3FA4]  }
0x30: {  	s3 =	sld [smem:$0x3FA7]  }
0x31: {  	[smem:$0x3FB0] =	sst s10  }
0x32: {  	s10 =	sld [smem:$0x3FAE];
	_ =	sdelay $0x3  }
0x33: {  	p0 =	seq.s32 s10, $0x1;
	s10 =	sld [smem:$0x3FB0];
	_ =	sdelay $0x3  }
0x34: {  	[smem:$0x3FB0] =	sst s10  }
0x35: {  	s10 =	sld [smem:$0x3FAF];
	_ =	sdelay $0x3  }
0x36: {  	p1 =	seq.s32 s10, $0x1;
	s10 =	sld [smem:$0x3FB0];
	_ =	sdelay $0x3  }
0x37: {  	[smem:$0x3FB0] =	sst s10  }
0x38: {  	s10 =	sld [smem:$0x3FB1]  }
0x39: {  	_ = 	snop;
	(pc) =	sbr.ind lr, $3  }
0x3a: {  	_ = 	snop  }
0x3b: {  	_ = 	snop  }
0x3c: {  	p2 =	seq.s32 s10, $0x1;
	s10 =	sld [smem:$0x3FB0]  }
0x3d: {  	_ =	shalt  }
0x3e: {  	_ =	shalt  }
0x3f: {  	_ =	shalt  }
0x40: {  	_ =	shalt  }
0x41: {  	_ =	shalt  }
0x42: {  	_ =	shalt  }
0x43: {  	_ =	shalt  }
0x44: {  	_ =	shalt  }
0x45: {  	_ =	shalt  }
0x46: {  	_ =	shalt  }
0x47: {  	_ =	shalt  }
0x48: {  	_ =	shalt  }
0x49: {  	_ =	shalt  }
0x4a: {  	_ =	shalt  }
0x4b: {  	_ =	shalt  }
0x4c: {  	_ =	shalt  }
0x4d: {  	_ =	shalt  }
0x4e: {  	_ =	shalt  }
0x4f: {  	_ =	shalt  }
0x50: {  	_ =	shalt  }
0x51: {  	_ =	shalt  }
0x52: {  	_ =	shalt  }
0x53: {  	_ =	shalt  }
0x54: {  	_ =	shalt  }
0x55: {  	_ =	shalt  }
0x56: {  	_ =	shalt  }
0x57: {  	_ =	shalt  }
0x58: {  	_ =	shalt  }
0x59: {  	_ =	shalt  }
0x5a: {  	_ =	shalt  }
0x5b: {  	_ =	shalt  }
0x5c: {  	_ =	shalt  }
0x5d: {  	_ =	shalt  }
0x5e: {  	_ =	shalt  }
0x5f: {  	_ =	shalt  }
0x60: {  	_ =	shalt  }
0x61: {  	_ =	shalt  }
0x62: {  	_ =	shalt  }
0x63: {  	_ =	shalt  }
0x64: {  	_ =	shalt  }
0x65: {  	_ =	shalt  }
0x66: {  	_ =	shalt  }
0x67: {  	_ =	shalt  }
0x68: {  	_ =	shalt  }
0x69: {  	_ =	shalt  }
0x6a: {  	_ =	shalt  }
0x6b: {  	_ =	shalt  }
0x6c: {  	_ =	shalt  }
0x6d: {  	_ =	shalt  }
0x6e: {  	_ =	shalt  }
0x6f: {  	_ =	shalt  }
0x70: {  	_ =	shalt  }
0x71: {  	_ =	shalt  }
0x72: {  	_ =	shalt  }
0x73: {  	_ =	shalt  }
0x74: {  	_ =	shalt  }
0x75: {  	_ =	shalt  }
0x76: {  	_ =	shalt  }
0x77: {  	_ =	shalt  }
0x78: {  	_ =	shalt  }
0x79: {  	_ =	shalt  }
0x7a: {  	_ =	shalt  }
0x7b: {  	_ =	shalt  }
0x7c: {  	_ =	shalt  }
0x7d: {  	_ =	shalt  }
0x7e: {  	_ =	shalt  }
0x7f: {  	_ =	shalt  }
0x80: {  	_ =	shalt  }
0x81: {  	_ =	shalt  }
0x82: {  	_ =	shalt  }
0x83: {  	_ =	shalt  }
0x84: {  	_ =	shalt  }
0x85: {  	_ =	shalt  }
0x86: {  	_ =	shalt  }
0x87: {  	_ =	shalt  }
.Lfunc_end0:
.L_simem_size_0:
called_computation.1_lowered:
.L_overlay_start_0:
0x88: {  	s2 =	sld [smem:$0x3FD9]  }
0x89: {  	s3 =	sld [smem:$0x3FFE];
	_ =	sdelay $0x1  }
0x8a: {  	s1 =	srdreg.scid  }
0x8b: {  	s0 =	sand.u32 $0x1, s1  }
0x8c: {  	s17 =	sshll.u32 s0, $0xA;
	s2 =	sadd.s32 s3, s2  }
0x8d: {  	s2 =	sadd.s32 s2, s17  }
0x8e: {  	[smem:$0x3FBC] =	sst s2  }
0x8f: {  	_ = 	snop  }
0x90: {  	s2 =	sld [smem:$0x3FD0];
	(tm) =	ssettm $0x1  }
0x91: {  	s18 =	sld [smem:$0x3FFB];
	_ =	sdelay $0x3  }
0x92: {  	_ =	strace s18  }
0x93: {  	s3 =	sld [smem:$0x3FFC];
	_ =	sdelay $0x3  }
0x94: {  	_ =	strace s3  }
0x95: {  	s3 =	sld [smem:$0x3FFD];
	_ =	sdelay $0x3  }
0x96: {  	_ =	strace s3  }
0x97: {  	_ =	strace $0x8FFFFFFF  }
0x98: {  	s19 =	sld [smem:$0x3FDB];
	_ =	sdelay $0x1  }
0x99: {  	s4 =	simm.s32 $_scs_section_size  }
0x9a: {  	s5 =	simm.s32 $_size__tile_overlayer_lowered;
	s6 =	simm.s32 $_tile_overlayer_lowered  }
0x9b: {  	s22 =	simm.s32 $0x1BFF;
	s21 =	sshll.u32 s6, $0x1;
	s3 =	sadd.s32 s4, s19  }
0x9c: {  	s7 =	simm.s32 $0x0;
	s20 =	sshll.u32 s5, $0x1;
	s5 =	sadd.s32 s21, s3  }
0x9d: {  	[timem:s7], [sflag:s22] =	dma.local [hbm:s5], s20  }
0x9e: {  	_ =	swait.ge [sflag:s22], s20  }
0x9f: {  	s4 =	ssub.s32 $0x0, s20;
	[sflag:s22] =	ssyncset.done $0x0  }
0xa0: {  	[sflag:s22] =	ssyncadd.s32 s4;
	_ =	sdelay $0x1  }
0xa1: {  	s23 =	simm.s32 $0x1B8B  }
0xa2: {  	_ =	swait.ge [sflag:s23], $0x1  }
0xa3: {  	[sflag:s23] =	ssyncset.done $0x0  }
0xa4: {  	s25 =	simm.s32 $0x1B8E;
	s24 =	sld [smem:$0x3FFE];
	[sflag:s23] =	ssyncadd.s32 $0xFFFFFFFF  }
0xa5: {  	s26 =	simm.s32 $execute0_lowered;
	[smem:$0x3FD2] =	sst s25  }
0xa6: {  	s5 =	sshll.u32 s26, $0x1;
	_ =	strace $0x80000049;
	[dreg:$0x1] =	wrdreg $0xFFFFFFFF  }
0xa7: {  	s28 =	simm.s32 $_size_execute0_lowered;
	s3 =	sadd.s32 s3, s5;
	[dreg:$0x0] =	wrdreg $0x0  }
0xa8: {  	s5 =	sshll.u32 s28, $0x1;
	[dreg:$0x2] =	wrdreg s3  }
0xa9: {  	[dreg:$0x3] =	wrdreg s5  }
0xaa: {  	[dreg:$0x4] =	wrdreg $0xC0  }
0xab: {  	_ =	task [dreg:s7], $0x5FFFF  }
0xac: {  	[dreg:$0x1] =	wrdreg $0xFFFFFFFF  }
0xad: {  	[dreg:$0x0] =	wrdreg $0x60  }
0xae: {  	[dreg:$0x2] =	wrdreg s24  }
0xaf: {  	[dreg:$0x3] =	wrdreg s2  }
0xb0: {  	[dreg:$0x4] =	wrdreg $0x116200  }
0xb1: {  	[dreg:$0x5] =	wrdreg $0x9  }
0xb2: {  	_ =	task.clear_ibuf [dreg:s7], $0x6FFFF;
	_ =	strace $0x90000049  }
0xb3: {  	s29 =	simm.s32 $0x9;
	_ =	strace $0x8000004B  }
0xb4: {  	_ =	swait.ge [sflag:s29], $0x1  }
0xb5: {  	[sflag:s29] =	ssyncadd.s32 $0xFFFFFFFF  }
0xb6: {  	_ =	strace $0x9000004B  }
0xb7: {  	_ =	sfence  }
0xb8: {  	s30 =	sld [smem:$0x0];
	_ =	sdelay $0x2  }
0xb9: {  	s31 =	sshll.u32 s1, $0xD;
	s1 =	sshrl.u32 s1, $0x2  }
0xba: {  	s3 =	sand.u32 $0x4000, s31;
	s1 =	sadd.s32 s1, s30  }
0xbb: {  	s0 =	sor.u32 s3, s0;
	s1 =	sshll.u32 s1, $0x11  }
0xbc: {  	s0 =	sor.u32 s1, s0  }
0xbd: {  	s0 =	sadd.s32 $0x8F2B, s0  }
0xbe: {  	[sflag:s0] =	ssyncadd.remote.s32 $0x1  }
0xbf: {  	_ =	sfence.sel $0xFFFF  }
0xc0: {  	[dreg:$0x0] =	wrdreg $0xFFFFFFFF;
	(pc) =	sbr.abs _section_cstart, $3  }
0xc1: {  	[dreg:$0x1] =	wrdreg $0xFFFFFFFF  }
0xc2: {  	_ =	task.clear_ibuf [dreg:s7], $0x2FFFF;
	_ =	strace $0x9FFFFFFF  }
0xc3: {  	(tm) =	ssettm $0x7FFFFFFF  }
tec
execute0_lowered:
.L_overlay_start_1:
0x0: {  	(tag) =	ssettag $0x1  }
0x1: {  	s0 =	rddreg [dreg:$0x0]  }
0x2: {  	s1 =	rddreg [dreg:$0x1]  }
0x3: {  	s2 =	rddreg [dreg:$0x2];
	s3 =	srdreg.scid  }
0x4: {  	s10 =	stileid.u32;
	s6 =	simm.s32 $0x0;
	s13 =	simm.s32 $0x11  }
0x5: {  	s14 =	simm.s32 $0x50;
	s15 =	simm.s32 $0x4E20;
	s16 =	simm.s32 $0x6720  }
0x6: {  	s18 =	simm.s32 $0x8020;
	s20 =	simm.s32 $0x9920;
	s30 =	simm.s32 $0xE420  }
0x7: {  	s31 =	simm.s32 $0x3;
	s17 =	simm.s32 $0xFD20;
	s19 =	simm.s32 $0x4  }
0x8: {  	s28 =	simm.s32 $0x5;
	s29 =	simm.s32 $0xA;
	s21 =	simm.s32 $0x7  }
0x9: {  	s3 =	sand.u32 $0x1, s3;
	s5 =	smul.u32 $0x19000, s10;
	[smem:$0x7FF] =	sst s6  }
0xa: {  	s11 =	sadd.s32 $0x23C00, s0;
	s26 =	sshll.u32 s10, $0x6;
	s4 =	sshll.u32 s3, $0x4  }
0xb: {  	s22 =	smul.u32 $0x190000, s3;
	_ =	strace $0x8000004A;
	s3 =	ssub.s32 $0x2, s3  }
0xc: {  	[dreg:$0x4] =	wrdreg s11;
	s11 =	simm.s32 $0xD;
	s4 =	sor.u32 s10, s4  }
0xd: {  	s9 =	sshrl.u32 s3, $0x1;
	s24 =	sshrl.u32 s5, $0x1;
	s10 =	simm.s32 $0x0  }
0xe: {  	s7 =	smul.u32 $0x4E2, s4;
	s4 =	sadd.s32 $0xB400, s0;
	s6 =	sadd.s32 s5, s22  }
0xf: {  	s3 =	ssub.s32 s3, s9;
	s22 =	simm.s32 $0xB220;
	s5 =	simm.s32 $0xC  }
0x10: {  	s9 =	simm.s32 $0x10;
	[dreg:$0xb] =	wrdreg s10;
	s6 =	sshrl.u32 s6, $0x4  }
0x11: {  	s25 =	smax.u32 s3, $0x1;
	s3 =	sor.u32 $0x1C11, s26;
	s26 =	simm.s32 $0x2  }
0x12: {  	s8 =	sadd.s32 s7, s0;
	s0 =	sadd.s32 s6, s0;
	s1 =	sadd.s32 s1, s7  }
0x13: {  	[dreg:$0x8] =	wrdreg s25;
	s25 =	simm.s32 $0xCB20;
	s6 =	simm.s32 $0x8  }
0x14: {  	s7 =	simm.s32 $0xE;
	[dreg:$0x9] =	wrdreg s3;
	s23 =	sadd.s32 $0x1600, s8  }
0x15: {  	[dreg:$0x6] =	wrdreg s1;
	s1 =	sadd.s32 s24, s2;
	s0 =	sadd.s32 $0x25600, s0  }
0x16: {  	s24 =	simm.s32 $0x9;
	s8 =	simm.s32 $0xF;
	[dreg:$0x5] =	wrdreg s23  }
0x17: {  	[dreg:$0x7] =	wrdreg s0;
	s12 =	sshrl.u32 s1, $0x3;
	s23 =	simm.s32 $0x1  }
0x18: {  	s0 =	simm.s32 $0x6;
	s1 =	simm.s32 $0xB;
	[dreg:$0xa] =	wrdreg s12  }
.LBB2_1:
0x19: {  	s10 =	simm.s32 $0x0;
	s12 =	rddreg [dreg:$0x5]  }
0x1a: {  	[tilespmem:s10], [sflag:$0x11] =	stream.linear.gather [hbm4b:s12+s10], $0x2710, $0x38;
	[tilespmem:$0x1DE20] =	vst v63  }
0x1b: {  	_ =	swait.ge [sflag:s13], $0x2710  }
0x1c: {  	s3 =	simm.s32 $0x0;
	[sflag:s13] =	ssyncset.done $0x0  }
0x1d: {  	s10 =	simm.s32 $0x2710;
	s12 =	rddreg [dreg:$0x6];
	[sflag:s13] =	ssyncadd.s32 $0xFFFFD8F0  }
0x1e: {  	[tilespmem:s10], [sflag:$0x11] =	stream.linear.gather [hbm4b:s12+s3], $0x2710, $0x38;
	[tilespmem:$0x1DE20] =	vst v63  }
0x1f: {  	_ =	swait.ge [sflag:s13], $0x2710  }
0x20: {  	s12 =	rddreg [dreg:$0x4]  }
0x21: {  	[sflag:s13] =	ssyncset.done $0x0;
	s10 =	rddreg [dreg:$0x9]  }
0x22: {  	s3 =	rddreg [dreg:$0xa];
	[sflag:s13] =	ssyncadd.s32 $0xFFFFD8F0  }
0x23: {  	[spmem:s3], [sflag:s10] =	dma.local [hbm:s12], $0x1900  }
0x24: {  	_ =	swait.ge [sflag:s13], $0x1900  }
0x25: {  	[sflag:s13] =	ssyncset.done $0x0  }
0x26: {  	[sflag:s13] =	ssyncadd.s32 $0xFFFFE700  }
0x27: {  	s12 =	simm.s32 $0x0;
	[bflag:$0x0] =	sbarrier.arrive $0xFFFF  }
0x28: {  	[tilespmem:s15], [sflag:$0x1] =	stream.indirect.gather [hbm4b:s4+s14], $0x50, s12, s14, $0xb8;
	[tilespmem:$0x1DE20] =	vst v63  }
0x29: {  	_ = 	snop  }
0x2a: {  	[tilespmem:s16], [sflag:$0x2] =	stream.indirect.gather [hbm4b:s4+s14], $0x50, s14, s14, $0xb8;
	[tilespmem:$0x1DE20] =	vst v63  }
0x2b: {  	s13 =	simm.s32 $0xA0  }
0x2c: {  	[tilespmem:s18], [sflag:$0x3] =	stream.indirect.gather [hbm4b:s4+s14], $0x50, s13, s14, $0xb8;
	[tilespmem:$0x1DE20] =	vst v63  }
0x2d: {  	s10 =	simm.s32 $0xF0  }
0x2e: {  	[tilespmem:s20], [sflag:$0x4] =	stream.indirect.gather [hbm4b:s4+s14], $0x50, s10, s14, $0xb8;
	[tilespmem:$0x1DE20] =	vst v63  }
0x2f: {  	s12 =	simm.s32 $0x140  }
0x30: {  	[tilespmem:s22], [sflag:$0x5] =	stream.indirect.gather [hbm4b:s4+s14], $0x50, s12, s14, $0xb8;
	[tilespmem:$0x1DE20] =	vst v63  }
0x31: {  	_ =	swait.ge [sflag:s23], $0x1900  }
0x32: {  	[sflag:s23] =	ssyncset.done $0x0  }
0x33: {  	s13 =	simm.s32 $0x2710;
	[sflag:s23] =	ssyncadd.s32 $0xFFFFE700  }
0x34: {  	[spmem:s2] =	stream.indirect.scatter.add.bf16 [tilespmem:s15], [sflag:$0x9], $0x50, s13, s14, $0xb8;
	[tilespmem:$0x1DE20] =	vst v63  }
0x35: {  	s10 =	simm.s32 $0x190  }
0x36: {  	[tilespmem:s25], [sflag:$0x6] =	stream.indirect.gather [hbm4b:s4+s14], $0x50, s10, s14, $0xb8;
	[tilespmem:$0x1DE20] =	vst v63  }
0x37: {  	_ =	swait.ge [sflag:s26], $0x1900  }
0x38: {  	[sflag:s26] =	ssyncset.done $0x0  }
0x39: {  	s12 =	simm.s32 $0x2760;
	[sflag:s26] =	ssyncadd.s32 $0xFFFFE700  }
0x3a: {  	[spmem:s2] =	stream.indirect.scatter.add.bf16 [tilespmem:s16], [sflag:$0xA], $0x50, s12, s14, $0xb8;
	[tilespmem:$0x1DE20] =	vst v63  }
0x3b: {  	s13 =	simm.s32 $0x1E0  }
0x3c: {  	[tilespmem:s30], [sflag:$0x7] =	stream.indirect.gather [hbm4b:s4+s14], $0x50, s13, s14, $0xb8;
	[tilespmem:$0x1DE20] =	vst v63  }
0x3d: {  	_ =	swait.ge [sflag:s31], $0x1900  }
0x3e: {  	[sflag:s31] =	ssyncset.done $0x0  }
0x3f: {  	s10 =	simm.s32 $0x27B0;
	[sflag:s31] =	ssyncadd.s32 $0xFFFFE700  }
0x40: {  	[spmem:s2] =	stream.indirect.scatter.add.bf16 [tilespmem:s18], [sflag:$0xB], $0x50, s10, s14, $0xb8;
	[tilespmem:$0x1DE20] =	vst v63  }
0x41: {  	s12 =	simm.s32 $0x230  }
0x42: {  	[tilespmem:s17], [sflag:$0x8] =	stream.indirect.gather [hbm4b:s4+s14], $0x50, s12, s14, $0xb8;
	[tilespmem:$0x1DE20] =	vst v63  }
0x43: {  	_ =	swait.ge [sflag:s19], $0x1900  }
0x44: {  	[sflag:s19] =	ssyncset.done $0x0  }
0x45: {  	s13 =	simm.s32 $0x2800;
	[sflag:s19] =	ssyncadd.s32 $0xFFFFE700  }
0x46: {  	[spmem:s2] =	stream.indirect.scatter.add.bf16 [tilespmem:s20], [sflag:$0xC], $0x50, s13, s14, $0xb8;
	[tilespmem:$0x1DE20] =	vst v63  }
0x47: {  	_ =	swait.ge [sflag:s24], $0x1900  }
0x48: {  	[sflag:s24] =	ssyncset.done $0x0  }
0x49: {  	s3 =	simm.s32 $0x280;
	[sflag:s24] =	ssyncadd.s32 $0xFFFFE700  }
0x4a: {  	[tilespmem:s15], [sflag:$0x1] =	stream.indirect.gather [hbm4b:s4+s14], $0x50, s3, s14, $0xb8;
	[tilespmem:$0x1DE20] =	vst v63  }
0x4b: {  	_ =	swait.ge [sflag:s28], $0x1900  }
0x4c: {  	[sflag:s28] =	ssyncset.done $0x0  }
0x4d: {  	s10 =	simm.s32 $0x2850;
	[sflag:s28] =	ssyncadd.s32 $0xFFFFE700  }
0x4e: {  	[spmem:s2] =	stream.indirect.scatter.add.bf16 [tilespmem:s22], [sflag:$0xD], $0x50, s10, s14, $0xb8;
	[tilespmem:$0x1DE20] =	vst v63  }
0x4f: {  	_ =	swait.ge [sflag:s29], $0x1900  }
0x50: {  	[sflag:s29] =	ssyncset.done $0x0  }
0x51: {  	s13 =	simm.s32 $0x2D0;
	[sflag:s29] =	ssyncadd.s32 $0xFFFFE700  }
0x52: {  	[tilespmem:s16], [sflag:$0x2] =	stream.indirect.gather [hbm4b:s4+s14], $0x50, s13, s14, $0xb8;
	[tilespmem:$0x1DE20] =	vst v63  }
0x53: {  	_ =	swait.ge [sflag:s0], $0x1900  }
0x54: {  	[sflag:s0] =	ssyncset.done $0x0  }
0x55: {  	s3 =	simm.s32 $0x28A0;
	[sflag:s0] =	ssyncadd.s32 $0xFFFFE700  }
0x56: {  	[spmem:s2] =	stream.indirect.scatter.add.bf16 [tilespmem:s25], [sflag:$0xE], $0x50, s3, s14, $0xb8;
	[tilespmem:$0x1DE20] =	vst v63  }
0x57: {  	_ =	swait.ge [sflag:s1], $0x1900  }
0x58: {  	[sflag:s1] =	ssyncset.done $0x0  }
0x59: {  	s10 =	simm.s32 $0x320;
	[sflag:s1] =	ssyncadd.s32 $0xFFFFE700  }
0x5a: {  	[tilespmem:s18], [sflag:$0x3] =	stream.indirect.gather [hbm4b:s4+s14], $0x50, s10, s14, $0xb8;
	[tilespmem:$0x1DE20] =	vst v63  }
0x5b: {  	_ =	swait.ge [sflag:s21], $0x1900  }
0x5c: {  	[sflag:s21] =	ssyncset.done $0x0  }
0x5d: {  	s13 =	simm.s32 $0x28F0;
	[sflag:s21] =	ssyncadd.s32 $0xFFFFE700  }
0x5e: {  	[spmem:s2] =	stream.indirect.scatter.add.bf16 [tilespmem:s30], [sflag:$0xF], $0x50, s13, s14, $0xb8;
	[tilespmem:$0x1DE20] =	vst v63  }
0x5f: {  	_ =	swait.ge [sflag:s5], $0x1900  }
0x60: {  	[sflag:s5] =	ssyncset.done $0x0  }
0x61: {  	s3 =	simm.s32 $0x370;
	[sflag:s5] =	ssyncadd.s32 $0xFFFFE700  }
0x62: {  	[tilespmem:s20], [sflag:$0x4] =	stream.indirect.gather [hbm4b:s4+s14], $0x50, s3, s14, $0xb8;
	[tilespmem:$0x1DE20] =	vst v63  }
0x63: {  	_ =	swait.ge [sflag:s6], $0x1900  }
0x64: {  	[sflag:s6] =	ssyncset.done $0x0  }
0x65: {  	s10 =	simm.s32 $0x2940;
	[sflag:s6] =	ssyncadd.s32 $0xFFFFE700  }
0x66: {  	[spmem:s2] =	stream.indirect.scatter.add.bf16 [tilespmem:s17], [sflag:$0x10], $0x50, s10, s14, $0xb8;
	[tilespmem:$0x1DE20] =	vst v63  }
0x67: {  	_ =	swait.ge [sflag:s11], $0x1900  }
0x68: {  	[sflag:s11] =	ssyncset.done $0x0  }
0x69: {  	s13 =	simm.s32 $0x3C0;
	[sflag:s11] =	ssyncadd.s32 $0xFFFFE700  }
0x6a: {  	[tilespmem:s22], [sflag:$0x5] =	stream.indirect.gather [hbm4b:s4+s14], $0x50, s13, s14, $0xb8;
	[tilespmem:$0x1DE20] =	vst v63  }
0x6b: {  	_ =	swait.ge [sflag:s23], $0x1900  }
0x6c: {  	[sflag:s23] =	ssyncset.done $0x0  }
0x6d: {  	s3 =	simm.s32 $0x2990;
	[sflag:s23] =	ssyncadd.s32 $0xFFFFE700  }
0x6e: {  	[spmem:s2] =	stream.indirect.scatter.add.bf16 [tilespmem:s15], [sflag:$0x9], $0x50, s3, s14, $0xb8;
	[tilespmem:$0x1DE20] =	vst v63  }
0x6f: {  	_ =	swait.ge [sflag:s7], $0x1900  }
0x70: {  	[sflag:s7] =	ssyncset.done $0x0  }
0x71: {  	s10 =	simm.s32 $0x410;
	[sflag:s7] =	ssyncadd.s32 $0xFFFFE700  }
0x72: {  	[tilespmem:s25], [sflag:$0x6] =	stream.indirect.gather [hbm4b:s4+s14], $0x50, s10, s14, $0xb8;
	[tilespmem:$0x1DE20] =	vst v63  }
0x73: {  	_ =	swait.ge [sflag:s26], $0x1900  }
0x74: {  	[sflag:s26] =	ssyncset.done $0x0  }
0x75: {  	s13 =	simm.s32 $0x29E0;
	[sflag:s26] =	ssyncadd.s32 $0xFFFFE700  }
0x76: {  	[spmem:s2] =	stream.indirect.scatter.add.bf16 [tilespmem:s16], [sflag:$0xA], $0x50, s13, s14, $0xb8;
	[tilespmem:$0x1DE20] =	vst v63  }
0x77: {  	_ =	swait.ge [sflag:s8], $0x1900  }
0x78: {  	[sflag:s8] =	ssyncset.done $0x0  }
0x79: {  	s3 =	simm.s32 $0x460;
	[sflag:s8] =	ssyncadd.s32 $0xFFFFE700  }
0x7a: {  	[tilespmem:s30], [sflag:$0x7] =	stream.indirect.gather [hbm4b:s4+s14], $0x50, s3, s14, $0xb8;
	[tilespmem:$0x1DE20] =	vst v63  }
0x7b: {  	_ =	swait.ge [sflag:s31], $0x1900  }
0x7c: {  	[sflag:s31] =	ssyncset.done $0x0  }
0x7d: {  	s10 =	simm.s32 $0x2A30;
	[sflag:s31] =	ssyncadd.s32 $0xFFFFE700  }
0x7e: {  	[spmem:s2] =	stream.indirect.scatter.add.bf16 [tilespmem:s18], [sflag:$0xB], $0x50, s10, s14, $0xb8;
	[tilespmem:$0x1DE20] =	vst v63  }
0x7f: {  	_ =	swait.ge [sflag:s9], $0x1900  }
0x80: {  	[sflag:s9] =	ssyncset.done $0x0  }
0x81: {  	s13 =	simm.s32 $0x4B0;
	[sflag:s9] =	ssyncadd.s32 $0xFFFFE700  }
0x82: {  	[tilespmem:s17], [sflag:$0x8] =	stream.indirect.gather [hbm4b:s4+s14], $0x50, s13, s14, $0xb8;
	[tilespmem:$0x1DE20] =	vst v63  }
0x83: {  	_ =	swait.ge [sflag:s19], $0x1900  }
0x84: {  	[sflag:s19] =	ssyncset.done $0x0  }
0x85: {  	s12 =	simm.s32 $0xA00;
	s13 =	simm.s32 $0x2A80;
	[sflag:s19] =	ssyncadd.s32 $0xFFFFE700  }
.LBB2_2:
0x86: {  	[spmem:s2] =	stream.indirect.scatter.add.bf16 [tilespmem:s20], [sflag:$0xC], $0x50, s13, s14, $0xb8;
	[tilespmem:$0x1DE20] =	vst v63  }
0x87: {  	s13 =	smov.u32 s12  }
0x88: {  	p0 =	sne.s32 s12, $0x8200;
	s12 =	sadd.s32 $0xA00, s12;
	_ =	swait.ge [sflag:s24], $0x1900  }
0x89: {  	s13 =	sshra.s32 s13, $0x2;
	[sflag:s24] =	ssyncset.done $0x0  }
0x8a: {  	s10 =	sadd.s32 $0x280, s13;
	[sflag:s24] =	ssyncadd.s32 $0xFFFFE700  }
0x8b: {  	[tilespmem:s15], [sflag:$0x1] =	stream.indirect.gather [hbm4b:s4+s14], $0x50, s10, s14, $0xb8;
	[tilespmem:$0x1DE20] =	vst v63  }
0x8c: {  	_ =	swait.ge [sflag:s28], $0x1900  }
0x8d: {  	[sflag:s28] =	ssyncset.done $0x0  }
0x8e: {  	s10 =	sadd.s32 $0x2850, s13;
	[sflag:s28] =	ssyncadd.s32 $0xFFFFE700  }
0x8f: {  	[spmem:s2] =	stream.indirect.scatter.add.bf16 [tilespmem:s22], [sflag:$0xD], $0x50, s10, s14, $0xb8;
	[tilespmem:$0x1DE20] =	vst v63  }
0x90: {  	_ =	swait.ge [sflag:s29], $0x1900  }
0x91: {  	[sflag:s29] =	ssyncset.done $0x0  }
0x92: {  	s10 =	sadd.s32 $0x2D0, s13;
	[sflag:s29] =	ssyncadd.s32 $0xFFFFE700  }
0x93: {  	[tilespmem:s16], [sflag:$0x2] =	stream.indirect.gather [hbm4b:s4+s14], $0x50, s10, s14, $0xb8;
	[tilespmem:$0x1DE20] =	vst v63  }
0x94: {  	_ =	swait.ge [sflag:s0], $0x1900  }
0x95: {  	[sflag:s0] =	ssyncset.done $0x0  }
0x96: {  	s10 =	sadd.s32 $0x28A0, s13;
	[sflag:s0] =	ssyncadd.s32 $0xFFFFE700  }
0x97: {  	[spmem:s2] =	stream.indirect.scatter.add.bf16 [tilespmem:s25], [sflag:$0xE], $0x50, s10, s14, $0xb8;
	[tilespmem:$0x1DE20] =	vst v63  }
0x98: {  	_ =	swait.ge [sflag:s1], $0x1900  }
0x99: {  	[sflag:s1] =	ssyncset.done $0x0  }
0x9a: {  	s10 =	sadd.s32 $0x320, s13;
	[sflag:s1] =	ssyncadd.s32 $0xFFFFE700  }
0x9b: {  	[tilespmem:s18], [sflag:$0x3] =	stream.indirect.gather [hbm4b:s4+s14], $0x50, s10, s14, $0xb8;
	[tilespmem:$0x1DE20] =	vst v63  }
0x9c: {  	_ =	swait.ge [sflag:s21], $0x1900  }
0x9d: {  	[sflag:s21] =	ssyncset.done $0x0  }
0x9e: {  	s10 =	sadd.s32 $0x28F0, s13;
	[sflag:s21] =	ssyncadd.s32 $0xFFFFE700  }
0x9f: {  	[spmem:s2] =	stream.indirect.scatter.add.bf16 [tilespmem:s30], [sflag:$0xF], $0x50, s10, s14, $0xb8;
	[tilespmem:$0x1DE20] =	vst v63  }
0xa0: {  	_ =	swait.ge [sflag:s5], $0x1900  }
0xa1: {  	[sflag:s5] =	ssyncset.done $0x0  }
0xa2: {  	s10 =	sadd.s32 $0x370, s13;
	[sflag:s5] =	ssyncadd.s32 $0xFFFFE700  }
0xa3: {  	[tilespmem:s20], [sflag:$0x4] =	stream.indirect.gather [hbm4b:s4+s14], $0x50, s10, s14, $0xb8;
	[tilespmem:$0x1DE20] =	vst v63  }
0xa4: {  	_ =	swait.ge [sflag:s6], $0x1900  }
0xa5: {  	[sflag:s6] =	ssyncset.done $0x0  }
0xa6: {  	s10 =	sadd.s32 $0x2940, s13;
	[sflag:s6] =	ssyncadd.s32 $0xFFFFE700  }
0xa7: {  	[spmem:s2] =	stream.indirect.scatter.add.bf16 [tilespmem:s17], [sflag:$0x10], $0x50, s10, s14, $0xb8;
	[tilespmem:$0x1DE20] =	vst v63  }
0xa8: {  	_ =	swait.ge [sflag:s11], $0x1900  }
0xa9: {  	[sflag:s11] =	ssyncset.done $0x0  }
0xaa: {  	s10 =	sadd.s32 $0x3C0, s13;
	[sflag:s11] =	ssyncadd.s32 $0xFFFFE700  }
0xab: {  	[tilespmem:s22], [sflag:$0x5] =	stream.indirect.gather [hbm4b:s4+s14], $0x50, s10, s14, $0xb8;
	[tilespmem:$0x1DE20] =	vst v63  }
0xac: {  	_ =	swait.ge [sflag:s23], $0x1900  }
0xad: {  	[sflag:s23] =	ssyncset.done $0x0  }
0xae: {  	s10 =	sadd.s32 $0x2990, s13;
	[sflag:s23] =	ssyncadd.s32 $0xFFFFE700  }
0xaf: {  	[spmem:s2] =	stream.indirect.scatter.add.bf16 [tilespmem:s15], [sflag:$0x9], $0x50, s10, s14, $0xb8;
	[tilespmem:$0x1DE20] =	vst v63  }
0xb0: {  	_ =	swait.ge [sflag:s7], $0x1900  }
0xb1: {  	[sflag:s7] =	ssyncset.done $0x0  }
0xb2: {  	s10 =	sadd.s32 $0x410, s13;
	[sflag:s7] =	ssyncadd.s32 $0xFFFFE700  }
0xb3: {  	[tilespmem:s25], [sflag:$0x6] =	stream.indirect.gather [hbm4b:s4+s14], $0x50, s10, s14, $0xb8;
	[tilespmem:$0x1DE20] =	vst v63  }
0xb4: {  	_ =	swait.ge [sflag:s26], $0x1900  }
0xb5: {  	[sflag:s26] =	ssyncset.done $0x0  }
0xb6: {  	s10 =	sadd.s32 $0x29E0, s13;
	[sflag:s26] =	ssyncadd.s32 $0xFFFFE700  }
0xb7: {  	[spmem:s2] =	stream.indirect.scatter.add.bf16 [tilespmem:s16], [sflag:$0xA], $0x50, s10, s14, $0xb8;
	[tilespmem:$0x1DE20] =	vst v63  }
0xb8: {  	_ =	swait.ge [sflag:s8], $0x1900  }
0xb9: {  	[sflag:s8] =	ssyncset.done $0x0  }
0xba: {  	s10 =	sadd.s32 $0x460, s13;
	[sflag:s8] =	ssyncadd.s32 $0xFFFFE700  }
0xbb: {  	[tilespmem:s30], [sflag:$0x7] =	stream.indirect.gather [hbm4b:s4+s14], $0x50, s10, s14, $0xb8;
	[tilespmem:$0x1DE20] =	vst v63  }
0xbc: {  	_ =	swait.ge [sflag:s31], $0x1900  }
0xbd: {  	[sflag:s31] =	ssyncset.done $0x0  }
0xbe: {  	s10 =	sadd.s32 $0x2A30, s13;
	[sflag:s31] =	ssyncadd.s32 $0xFFFFE700  }
0xbf: {  	[spmem:s2] =	stream.indirect.scatter.add.bf16 [tilespmem:s18], [sflag:$0xB], $0x50, s10, s14, $0xb8;
	[tilespmem:$0x1DE20] =	vst v63  }
0xc0: {  	_ =	swait.ge [sflag:s9], $0x1900  }
0xc1: {  	[sflag:s9] =	ssyncset.done $0x0  }
.Ltmp0:
0xc2: {  	s10 =	sadd.s32 $0x4B0, s13;
	[sflag:s9] =	ssyncadd.s32 $0xFFFFE700;
	(pc) =	sbr.rel @p0 .LBB2_2-.Ltmp0, $4  }
0xc3: {  	[tilespmem:s17], [sflag:$0x8] =	stream.indirect.gather [hbm4b:s4+s14], $0x50, s10, s14, $0xb8;
	[tilespmem:$0x1DE20] =	vst v63  }
0xc4: {  	_ =	swait.ge [sflag:s19], $0x1900  }
0xc5: {  	[sflag:s19] =	ssyncset.done $0x0  }
0xc6: {  	s13 =	sadd.s32 $0x2A80, s13;
	[sflag:s19] =	ssyncadd.s32 $0xFFFFE700  }
0xc7: {  	[spmem:s2] =	stream.indirect.scatter.add.bf16 [tilespmem:s20], [sflag:$0xC], $0x50, s13, s14, $0xb8;
	[tilespmem:$0x1DE20] =	vst v63  }
0xc8: {  	_ =	swait.ge [sflag:s24], $0x1900  }
0xc9: {  	[sflag:s24] =	ssyncset.done $0x0  }
0xca: {  	s3 =	simm.s32 $0x2580;
	[sflag:s24] =	ssyncadd.s32 $0xFFFFE700  }
0xcb: {  	[tilespmem:s15], [sflag:$0x1] =	stream.indirect.gather [hbm4b:s4+s14], $0x50, s3, s14, $0xb8;
	[tilespmem:$0x1DE20] =	vst v63  }
0xcc: {  	_ =	swait.ge [sflag:s28], $0x1900  }
0xcd: {  	[sflag:s28] =	ssyncset.done $0x0  }
0xce: {  	s12 =	simm.s32 $0x4B50;
	[sflag:s28] =	ssyncadd.s32 $0xFFFFE700  }
0xcf: {  	[spmem:s2] =	stream.indirect.scatter.add.bf16 [tilespmem:s22], [sflag:$0xD], $0x50, s12, s14, $0xb8;
	[tilespmem:$0x1DE20] =	vst v63  }
0xd0: {  	_ =	swait.ge [sflag:s29], $0x1900  }
0xd1: {  	[sflag:s29] =	ssyncset.done $0x0  }
0xd2: {  	s13 =	simm.s32 $0x25D0;
	[sflag:s29] =	ssyncadd.s32 $0xFFFFE700  }
0xd3: {  	[tilespmem:s16], [sflag:$0x2] =	stream.indirect.gather [hbm4b:s4+s14], $0x50, s13, s14, $0xb8;
	[tilespmem:$0x1DE20] =	vst v63  }
0xd4: {  	_ =	swait.ge [sflag:s0], $0x1900  }
0xd5: {  	[sflag:s0] =	ssyncset.done $0x0  }
0xd6: {  	s10 =	simm.s32 $0x4BA0;
	[sflag:s0] =	ssyncadd.s32 $0xFFFFE700  }
0xd7: {  	[spmem:s2] =	stream.indirect.scatter.add.bf16 [tilespmem:s25], [sflag:$0xE], $0x50, s10, s14, $0xb8;
	[tilespmem:$0x1DE20] =	vst v63  }
0xd8: {  	_ =	swait.ge [sflag:s1], $0x1900  }
0xd9: {  	[sflag:s1] =	ssyncset.done $0x0  }
0xda: {  	s12 =	simm.s32 $0x2620;
	[sflag:s1] =	ssyncadd.s32 $0xFFFFE700  }
0xdb: {  	[tilespmem:s18], [sflag:$0x3] =	stream.indirect.gather [hbm4b:s4+s14], $0x50, s12, s14, $0xb8;
	[tilespmem:$0x1DE20] =	vst v63  }
0xdc: {  	_ =	swait.ge [sflag:s21], $0x1900  }
0xdd: {  	[sflag:s21] =	ssyncset.done $0x0  }
0xde: {  	s13 =	simm.s32 $0x4BF0;
	[sflag:s21] =	ssyncadd.s32 $0xFFFFE700  }
0xdf: {  	[spmem:s2] =	stream.indirect.scatter.add.bf16 [tilespmem:s30], [sflag:$0xF], $0x50, s13, s14, $0xb8;
	[tilespmem:$0x1DE20] =	vst v63  }
0xe0: {  	_ =	swait.ge [sflag:s5], $0x1900  }
0xe1: {  	[sflag:s5] =	ssyncset.done $0x0  }
0xe2: {  	s10 =	simm.s32 $0x2670;
	[sflag:s5] =	ssyncadd.s32 $0xFFFFE700  }
0xe3: {  	[tilespmem:s20], [sflag:$0x4] =	stream.indirect.gather [hbm4b:s4+s14], $0x50, s10, s14, $0xb8;
	[tilespmem:$0x1DE20] =	vst v63  }
0xe4: {  	_ =	swait.ge [sflag:s6], $0x1900  }
0xe5: {  	[sflag:s6] =	ssyncset.done $0x0  }
0xe6: {  	s12 =	simm.s32 $0x4C40;
	[sflag:s6] =	ssyncadd.s32 $0xFFFFE700  }
0xe7: {  	[spmem:s2] =	stream.indirect.scatter.add.bf16 [tilespmem:s17], [sflag:$0x10], $0x50, s12, s14, $0xb8;
	[tilespmem:$0x1DE20] =	vst v63  }
0xe8: {  	_ =	swait.ge [sflag:s11], $0x1900  }
0xe9: {  	[sflag:s11] =	ssyncset.done $0x0  }
0xea: {  	s13 =	simm.s32 $0x26C0;
	[sflag:s11] =	ssyncadd.s32 $0xFFFFE700  }
0xeb: {  	[tilespmem:s22], [sflag:$0x5] =	stream.indirect.gather [hbm4b:s4+s14], $0x50, s13, s14, $0xb8;
	[tilespmem:$0x1DE20] =	vst v63  }
0xec: {  	_ =	swait.ge [sflag:s23], $0x1900  }
0xed: {  	[sflag:s23] =	ssyncset.done $0x0  }
0xee: {  	s10 =	simm.s32 $0x4C90;
	[sflag:s23] =	ssyncadd.s32 $0xFFFFE700  }
0xef: {  	[spmem:s2] =	stream.indirect.scatter.add.bf16 [tilespmem:s15], [sflag:$0x9], $0x50, s10, s14, $0xb8;
	[tilespmem:$0x1DE20] =	vst v63  }
0xf0: {  	_ =	swait.ge [sflag:s26], $0x1900  }
0xf1: {  	[sflag:s26] =	ssyncset.done $0x0  }
0xf2: {  	s12 =	simm.s32 $0x4CE0;
	[sflag:s26] =	ssyncadd.s32 $0xFFFFE700  }
0xf3: {  	[spmem:s2] =	stream.indirect.scatter.add.bf16 [tilespmem:s16], [sflag:$0xA], $0x50, s12, s14, $0xb8;
	[tilespmem:$0x1DE20] =	vst v63  }
0xf4: {  	_ =	swait.ge [sflag:s31], $0x1900  }
0xf5: {  	[sflag:s31] =	ssyncset.done $0x0  }
0xf6: {  	s13 =	simm.s32 $0x4D30;
	[sflag:s31] =	ssyncadd.s32 $0xFFFFE700  }
0xf7: {  	[spmem:s2] =	stream.indirect.scatter.add.bf16 [tilespmem:s18], [sflag:$0xB], $0x50, s13, s14, $0xb8;
	[tilespmem:$0x1DE20] =	vst v63  }
0xf8: {  	_ =	swait.ge [sflag:s19], $0x1900  }
0xf9: {  	[sflag:s19] =	ssyncset.done $0x0  }
0xfa: {  	s10 =	simm.s32 $0x4D80;
	[sflag:s19] =	ssyncadd.s32 $0xFFFFE700  }
0xfb: {  	[spmem:s2] =	stream.indirect.scatter.add.bf16 [tilespmem:s20], [sflag:$0xC], $0x50, s10, s14, $0xb8;
	[tilespmem:$0x1DE20] =	vst v63  }
0xfc: {  	_ =	swait.ge [sflag:s28], $0x1900  }
0xfd: {  	[sflag:s28] =	ssyncset.done $0x0  }
0xfe: {  	s12 =	simm.s32 $0x4DD0;
	[sflag:s28] =	ssyncadd.s32 $0xFFFFE700  }
0xff: {  	[spmem:s2] =	stream.indirect.scatter.add.bf16 [tilespmem:s22], [sflag:$0xD], $0x50, s12, s14, $0xb8;
	[tilespmem:$0x1DE20] =	vst v63  }
0x100: {  	_ =	swait.ge [sflag:s24], $0x1900  }
0x101: {  	[sflag:s24] =	ssyncset.done $0x0  }
0x102: {  	[sflag:s24] =	ssyncadd.s32 $0xFFFFE700  }
0x103: {  	_ =	swait.ge [sflag:s29], $0x1900  }
0x104: {  	[sflag:s29] =	ssyncset.done $0x0  }
0x105: {  	[sflag:s29] =	ssyncadd.s32 $0xFFFFE700  }
0x106: {  	_ =	swait.ge [sflag:s1], $0x1900  }
0x107: {  	[sflag:s1] =	ssyncset.done $0x0  }
0x108: {  	[sflag:s1] =	ssyncadd.s32 $0xFFFFE700  }
0x109: {  	_ =	swait.ge [sflag:s5], $0x1900  }
0x10a: {  	[sflag:s5] =	ssyncset.done $0x0  }
0x10b: {  	[sflag:s5] =	ssyncadd.s32 $0xFFFFE700  }
0x10c: {  	_ =	swait.ge [sflag:s11], $0x1900  }
0x10d: {  	[sflag:s11] =	ssyncset.done $0x0  }
0x10e: {  	[sflag:s11] =	ssyncadd.s32 $0xFFFFE700  }
0x10f: {  	_ =	swait.ge [sflag:s7], $0x1900  }
0x110: {  	[sflag:s7] =	ssyncset.done $0x0  }
0x111: {  	[sflag:s7] =	ssyncadd.s32 $0xFFFFE700  }
0x112: {  	_ =	swait.ge [sflag:s8], $0x1900  }
0x113: {  	[sflag:s8] =	ssyncset.done $0x0  }
0x114: {  	[sflag:s8] =	ssyncadd.s32 $0xFFFFE700  }
0x115: {  	_ =	swait.ge [sflag:s9], $0x1900  }
0x116: {  	[sflag:s9] =	ssyncset.done $0x0  }
0x117: {  	[sflag:s9] =	ssyncadd.s32 $0xFFFFE700  }
0x118: {  	[bflag:$0x0] =	sbarrier.arrive $0xFFFF  }
0x119: {  	s10 =	rddreg [dreg:$0x7]  }
0x11a: {  	s13 =	rddreg [dreg:$0x9]  }
0x11b: {  	s12 =	rddreg [dreg:$0xa]  }
0x11c: {  	[hbm:s10], [sflag:s13] =	dma.local [spmem:s12], $0x1900  }
0x11d: {  	s13 =	simm.s32 $0x11  }
0x11e: {  	_ =	swait.ge [sflag:s13], $0x1900  }
0x11f: {  	s10 =	rddreg [dreg:$0xb]  }
0x120: {  	s12 =	rddreg [dreg:$0x8];
	s3 =	sadd.s32 $0x1, s10  }
0x121: {  	p0 =	sne.s32 s3, s12  }
.Ltmp1:
0x122: {  	_ = 	snop;
	(pc) =	sbr.rel @p0 .LBB2_1-.Ltmp1, $3  }
0x123: {  	_ =	sdelay $0x1  }
0x124: {  	[sflag:s13] =	ssyncset.done $0x0  }
0x125: {  	[sflag:s13] =	ssyncadd.s32 $0xFFFFE700;
	[dreg:$0xb] =	wrdreg s3  }
0x126: {  	_ =	sfence.sel $0x180000  }
0x127: {  	[bflag:$0x0] =	sbarrier.arrive $0xFFFF  }
0x128: {  	_ =	strace $0x9000004A  }
0x129: {  	s0 =	stileid.u32;
	[bflag:$0x2] =	sbarrier.arrive $0xFFFF  }
0x12a: {  	p0 =	sne.s32 s0, $0x0;
	s0 =	rddreg [dreg:$0x3]  }
0x12b: {  	s0 =	sadd.s32 @!p0 $0x100000, s0  }
0x12c: {  	[sflag:s0] =	ssyncadd.tile.s32 @!p0 $0x1;
	_ =	shalt  }
.Lfunc_end2:
_tile_overlayer_lowered:
.L_overlay_start_2:
0x12d: {  	(tag) =	ssettag $0x2  }
0x12e: {  	s0 =	rddreg [dreg:$0x0];
	s2 =	stileid.u32  }
0x12f: {  	s1 =	rddreg [dreg:$0x1];
	p0 =	sne.s32 s2, $0x0  }
0x130: {  	s3 =	rddreg [dreg:$0x2];
	[bflag:$0x3] =	sbarrier.arrive $0xFFFF;
	s2 =	simm.s32 @!p0 $0x1C11  }
0x131: {  	[timem:s3], [sflag:s2] =	dma.local @!p0 [hbm:s0], s1  }
0x132: {  	s0 =	simm.s32 @!p0 $0x11  }
0x133: {  	_ =	swait.ge @!p0 [sflag:s0], s1  }
0x134: {  	s1 =	ssub.s32 @!p0 $0x0, s1;
	[sflag:s0] =	ssyncset.done @!p0 $0x0  }
0x135: {  	[sflag:s0] =	ssyncadd.s32 @!p0 s1  }
0x136: {  	[bflag:$0x3] =	sbarrier.arrive $0xFFFF  }
0x137: {  	_ =	shalt  }

</sc_bundles>
